<compile_context>
chip_gen: v7x
topology: tpu7x:2x2x1
jax: 0.10.2.dev20260603
libtpu: 0.0.44.dev20260713+nightly
codegen_flags: <defaults>
</compile_context>

<pallas_src>
import functools

import jax
import jax.numpy as jnp
from jax import lax
from jax.experimental import pallas as pl
from jax.experimental.pallas import tpu as pltpu
from jax.experimental.pallas import tpu_sc as plsc

N = 10000
H = 128
E = 320000
NPAD = 10240
TRASH = N
NCORES = 2
NSUB = 16
NWORK = NCORES * NSUB
EPW = E // NWORK
K = 80
NCHUNK = EPW // K
KS = 40
NCHUNKS = EPW // KS
NBUF = 5
RPT = NPAD // NSUB
EPS = 1e-5

def _load_cols_2d(col_hbm, base, col2d, sem, k, nchunk):

    def issue(j, carry):
        pltpu.async_copy(col_hbm.at[pl.ds(base + j * k, k)], col2d.at[j], sem)
        return carry

    lax.fori_loop(0, nchunk, issue, 0)

    def drain(j, carry):
        pltpu.make_async_copy(col_hbm.at[pl.ds(base + j * k, k)],
                              col2d.at[j], sem).wait()
        return carry

    lax.fori_loop(0, nchunk, drain, 0)


def _sc_mesh():
    return plsc.VectorSubcoreMesh(core_axis_name="c", subcore_axis_name="s",
                                  num_cores=NCORES, num_subcores=NSUB)


@functools.cache
def _get_deg_kernel():
    return pl.kernel(
        _deg_body,
        out_type=jax.ShapeDtypeStruct((NCORES, NPAD, H), jnp.float32),
        mesh=_sc_mesh(),
        scratch_types=[
            pltpu.VMEM((NCHUNK, K), jnp.int32),
            pltpu.VMEM((K, H), jnp.float32),
            pltpu.VMEM((8, H), jnp.float32),
            pltpu.VMEM_SHARED((NPAD, H), jnp.float32),
            pltpu.SemaphoreType.DMA,
        ],
    )


def _deg_body(colp_hbm, onehot_hbm, zeros_hbm, out_hbm, col2d, ones_v, zbuf,
              acc, sem):
    cid = lax.axis_index("c")
    sid = lax.axis_index("s")
    base = (cid * NSUB + sid) * EPW

    pltpu.async_copy(onehot_hbm, ones_v, sem)
    pltpu.sync_copy(zeros_hbm, zbuf)

    def zero_acc(j, carry):
        pltpu.sync_copy(zbuf, acc.at[pl.ds(sid * RPT + j * 8, 8)])
        return carry

    lax.fori_loop(0, RPT // 8, zero_acc, 0)
    pltpu.make_async_copy(onehot_hbm, ones_v, sem).wait()
    _load_cols_2d(colp_hbm, base, col2d, sem, K, NCHUNK)
    plsc.subcore_barrier()

    def body(j, carry):
        pltpu.async_copy(ones_v, acc.at[col2d.at[j]], sem, add=True)
        return carry

    lax.fori_loop(0, NCHUNK, body, 0)

    def drain(j, carry):
        pltpu.make_async_copy(ones_v, acc.at[col2d.at[j]], sem).wait()
        return carry

    lax.fori_loop(0, NCHUNK, drain, 0)
    plsc.subcore_barrier()
    pltpu.sync_copy(acc.at[pl.ds(sid * RPT, RPT)],
                    out_hbm.at[cid, pl.ds(sid * RPT, RPT)])


@functools.cache
def _get_scatter_kernel():
    return pl.kernel(
        _scatter_body,
        out_type=jax.ShapeDtypeStruct((NCORES, NPAD, H), jnp.float32),
        mesh=_sc_mesh(),
        scratch_types=[
            pltpu.VMEM((EPW,), jnp.int32),
            pltpu.VMEM((EPW,), jnp.int32),
            pltpu.VMEM((NBUF, KS, H), jnp.float32),
            pltpu.VMEM((8, H), jnp.float32),
            pltpu.VMEM_SHARED((NPAD, H), jnp.float32),
        ] + [pltpu.SemaphoreType.DMA] * (2 * NBUF),
    )


def _scatter_body(g_hbm, row_hbm, colp_hbm, zeros_hbm, out_hbm,
                  row_all, colp_all, bufs, zbuf, acc, *sems):
    gsem = sems[:NBUF]
    ssem = sems[NBUF:]
    cid = lax.axis_index("c")
    sid = lax.axis_index("s")
    base = (cid * NSUB + sid) * EPW
    pltpu.async_copy(row_hbm.at[pl.ds(base, EPW)], row_all, gsem[0])
    pltpu.async_copy(colp_hbm.at[pl.ds(base, EPW)], colp_all, gsem[1])

    pltpu.sync_copy(zeros_hbm, zbuf)

    def zero_acc(j, carry):
        pltpu.sync_copy(zbuf, acc.at[pl.ds(sid * RPT + j * 8, 8)])
        return carry

    lax.fori_loop(0, RPT // 8, zero_acc, 0)
    pltpu.make_async_copy(row_hbm.at[pl.ds(base, EPW)], row_all,
                          gsem[0]).wait()
    pltpu.make_async_copy(colp_hbm.at[pl.ds(base, EPW)], colp_all,
                          gsem[1]).wait()
    plsc.subcore_barrier()

    def gather(c, b):
        pltpu.async_copy(g_hbm.at[row_all.at[pl.ds(c * KS, KS)]],
                         bufs.at[b], gsem[b])

    def gather_wait(c, b):
        pltpu.make_async_copy(g_hbm.at[row_all.at[pl.ds(c * KS, KS)]],
                              bufs.at[b], gsem[b]).wait()

    def scatter(c, b):
        pltpu.async_copy(bufs.at[b], acc.at[colp_all.at[pl.ds(c * KS, KS)]],
                         ssem[b], add=True)

    def scatter_wait(c, b):
        pltpu.make_async_copy(bufs.at[b],
                              acc.at[colp_all.at[pl.ds(c * KS, KS)]],
                              ssem[b]).wait()

    for b in range(NBUF):
        gather(b, b)

    def body(m, carry):
        c = m * NBUF
        for b in range(NBUF):
            gather_wait(c + b, b)
            scatter(c + b, b)
        for b in range(NBUF):
            scatter_wait(c + b, b)
            gather(c + NBUF + b, b)
        return carry

    lax.fori_loop(0, NCHUNKS // NBUF - 1, body, 0)
    cl = NCHUNKS - NBUF
    for b in range(NBUF):
        gather_wait(cl + b, b)
        scatter(cl + b, b)
    for b in range(NBUF):
        scatter_wait(cl + b, b)

    plsc.subcore_barrier()
    pltpu.sync_copy(acc.at[pl.ds(sid * RPT, RPT)],
                    out_hbm.at[cid, pl.ds(sid * RPT, RPT)])


BN = 1000
GRID = N // BN

_prec = lax.Precision.HIGHEST


def _colfix_body(row_ref, col_ref, out_ref):
    out_ref[...] = jnp.where(row_ref[...] == col_ref[...], TRASH, col_ref[...])


def _colfix(row, col):
    r2 = row.reshape(E // 128, 128)
    c2 = col.reshape(E // 128, 128)
    out = pl.pallas_call(
        _colfix_body,
        out_shape=jax.ShapeDtypeStruct((E // 128, 128), jnp.int32),
    )(r2, c2)
    return out.reshape(E)


def _mm1_body(x_ref, w1_ref, b1_ref, h_ref):
    h_ref[...] = jnp.dot(x_ref[...], w1_ref[...], precision=_prec,
                         preferred_element_type=jnp.float32) + b1_ref[0]


def _mm1(x, W1, b1):
    return pl.pallas_call(
        _mm1_body,
        grid=(GRID,),
        in_specs=[
            pl.BlockSpec((BN, H), lambda i: (i, 0)),
            pl.BlockSpec((H, H), lambda i: (0, 0)),
            pl.BlockSpec((1, H), lambda i: (0, 0)),
        ],
        out_specs=pl.BlockSpec((BN, H), lambda i: (i, 0)),
        out_shape=jax.ShapeDtypeStruct((N, H), jnp.float32),
    )(x, W1, b1)


def _scale_body(h_ref, dega_ref, g_ref, dinv_ref):
    deg = (jnp.sum(dega_ref[0], axis=-1) + jnp.sum(dega_ref[1], axis=-1)
           + 1.0)
    dinv = lax.rsqrt(deg)
    g_ref[...] = h_ref[...] * dinv[:, None]
    dinv_ref[...] = dinv[:, None]


def _scale(h1, dega):
    return pl.pallas_call(
        _scale_body,
        grid=(GRID,),
        in_specs=[
            pl.BlockSpec((BN, H), lambda i: (i, 0)),
            pl.BlockSpec((NCORES, BN, H), lambda i: (0, i, 0)),
        ],
        out_specs=[
            pl.BlockSpec((BN, H), lambda i: (i, 0)),
            pl.BlockSpec((BN, 1), lambda i: (i, 0)),
        ],
        out_shape=[
            jax.ShapeDtypeStruct((N, H), jnp.float32),
            jax.ShapeDtypeStruct((N, 1), jnp.float32),
        ],
    )(h1, dega[:, :N, :])


def _stats_body(s_ref, g_ref, dinv_ref, p_ref, stats_ref):
    i = pl.program_id(0)
    p = (s_ref[0] + s_ref[1] + g_ref[...]) * dinv_ref[...]
    p_ref[...] = p
    new = jnp.stack([jnp.sum(p, axis=0), jnp.sum(p * p, axis=0)])

    @pl.when(i == 0)
    def _():
        stats_ref[...] = new

    @pl.when(i > 0)
    def _():
        stats_ref[...] = stats_ref[...] + new


def _stats(s, g, dinv):
    return pl.pallas_call(
        _stats_body,
        grid=(GRID,),
        in_specs=[
            pl.BlockSpec((NCORES, BN, H), lambda i: (0, i, 0)),
            pl.BlockSpec((BN, H), lambda i: (i, 0)),
            pl.BlockSpec((BN, 1), lambda i: (i, 0)),
        ],
        out_specs=[
            pl.BlockSpec((BN, H), lambda i: (i, 0)),
            pl.BlockSpec((2, H), lambda i: (0, 0)),
        ],
        out_shape=[
            jax.ShapeDtypeStruct((N, H), jnp.float32),
            jax.ShapeDtypeStruct((2, H), jnp.float32),
        ],
    )(s[:, :N, :], g, dinv)


def _dense2_body(p_ref, stats_ref, gamma_ref, beta_ref, w2_ref, b2_ref,
                 dinv_ref, g2_ref):
    mean = stats_ref[0] / N
    var = stats_ref[1] / N - mean * mean
    inv = lax.rsqrt(var + EPS)
    hn = (p_ref[...] - mean) * (inv * gamma_ref[0]) + beta_ref[0]
    hn = jnp.maximum(hn, 0.0)
    h2 = jnp.dot(hn, w2_ref[...], precision=_prec,
                 preferred_element_type=jnp.float32) + b2_ref[0]
    g2_ref[...] = h2 * dinv_ref[...]


def _dense2(p, stats, gamma, beta, W2, b2, dinv):
    return pl.pallas_call(
        _dense2_body,
        grid=(GRID,),
        in_specs=[
            pl.BlockSpec((BN, H), lambda i: (i, 0)),
            pl.BlockSpec((2, H), lambda i: (0, 0)),
            pl.BlockSpec((1, H), lambda i: (0, 0)),
            pl.BlockSpec((1, H), lambda i: (0, 0)),
            pl.BlockSpec((H, H), lambda i: (0, 0)),
            pl.BlockSpec((1, H), lambda i: (0, 0)),
            pl.BlockSpec((BN, 1), lambda i: (i, 0)),
        ],
        out_specs=pl.BlockSpec((BN, H), lambda i: (i, 0)),
        out_shape=jax.ShapeDtypeStruct((N, H), jnp.float32),
    )(p, stats, gamma, beta, W2, b2, dinv)


def _final_body(s_ref, g2_ref, dinv_ref, o_ref):
    p = (s_ref[0] + s_ref[1] + g2_ref[...]) * dinv_ref[...]
    m = jnp.max(p, axis=1, keepdims=True)
    lse = jnp.log(jnp.sum(jnp.exp(p - m), axis=1, keepdims=True)) + m
    o_ref[...] = p - lse


def _final(s, g2, dinv):
    return pl.pallas_call(
        _final_body,
        grid=(GRID,),
        in_specs=[
            pl.BlockSpec((NCORES, BN, H), lambda i: (0, i, 0)),
            pl.BlockSpec((BN, H), lambda i: (i, 0)),
            pl.BlockSpec((BN, 1), lambda i: (i, 0)),
        ],
        out_specs=pl.BlockSpec((BN, H), lambda i: (i, 0)),
        out_shape=jax.ShapeDtypeStruct((N, H), jnp.float32),
    )(s[:, :N, :], g2, dinv)


def kernel(x, edge_index, W1, b1, gamma, beta, W2, b2):
    row = edge_index[0].astype(jnp.int32)
    col = edge_index[1].astype(jnp.int32)
    b1 = b1.reshape(1, H)
    b2 = b2.reshape(1, H)
    gamma = gamma.reshape(1, H)
    beta = beta.reshape(1, H)

    onehot = jnp.zeros((K, H), jnp.float32).at[:, 0].set(1.0)
    zerosh = jnp.zeros((8, H), jnp.float32)

    colp = _colfix(row, col)
    dega = _get_deg_kernel()(colp, onehot, zerosh)
    h1 = _mm1(x, W1, b1)
    g1, dinv = _scale(h1, dega)
    s1 = _get_scatter_kernel()(g1, row, colp, zerosh)
    p1, stats = _stats(s1, g1, dinv)
    g2 = _dense2(p1, stats, gamma, beta, W2, b2, dinv)
    s2 = _get_scatter_kernel()(g2, row, colp, zerosh)
    return _final(s2, g2, dinv)

# --- scband reference (transcript-rebuilt; emitter-appended) ---
"""Pipeline reference for scband-gcnwith-norm-and-dropout-66245575574018 (READ-ONLY COPY).

The authoritative reference and input builder live on the scoring server;
editing this copy changes nothing except your own understanding.
"""

import jax
import jax.numpy as jnp
import numpy as np

EPS = 1e-5

def add_remaining_self_loops(edge_index, num_nodes):
    row, col = edge_index[0], edge_index[1]
    mask = row != col
    loop = jnp.arange(num_nodes, dtype=edge_index.dtype)
    row = jnp.concatenate([row, loop])
    col = jnp.concatenate([col, loop])
    keep = jnp.concatenate([mask, jnp.ones((num_nodes,), dtype=bool)])
    return jnp.stack([row, col], axis=0), keep

def propagate(x, edge_index):
    N = x.shape[0]
    edge_index, keep = add_remaining_self_loops(edge_index, N)
    row, col = edge_index[0], edge_index[1]
    keepf = keep.astype(x.dtype)
    deg = jnp.zeros((N,), dtype=x.dtype).at[col].add(keepf)
    deg_inv_sqrt = deg ** -0.5
    edge_weight = deg_inv_sqrt[col] * deg_inv_sqrt[row] * keepf
    out = edge_weight[:, None] * x[row]
    return jnp.zeros((N, x.shape[1]), dtype=x.dtype).at[col].add(out)

def setup_inputs(seed: int = 0):
    key = jax.random.key(seed)
    ks = jax.random.split(key, 8)
    N, D, H, O = 10000, 128, 128, 128
    E = 320000
    x = jax.random.normal(ks[0], (N, D), dtype=jnp.float32)
    edge_index = jax.random.randint(ks[1], (2, E), 0, N, dtype=jnp.int64)
    W1 = jax.random.normal(ks[2], (D, H), dtype=jnp.float32) * 0.05
    b1 = jnp.zeros((H,), dtype=jnp.float32)
    gamma = jnp.ones((H,), dtype=jnp.float32)
    beta = jnp.zeros((H,), dtype=jnp.float32)
    W2 = jax.random.normal(ks[3], (H, O), dtype=jnp.float32) * 0.05
    b2 = jnp.zeros((O,), dtype=jnp.float32)
    return {"x": x, "edge_index": edge_index, "W1": W1, "b1": b1, "gamma": gamma, "beta": beta, "W2": W2, "b2": b2}

def reference(x, edge_index, W1, b1, gamma, beta, W2, b2):
    h = x @ W1 + b1
    h = propagate(h, edge_index)
    # BatchNorm1d in training mode: batch statistics (biased variance)
    mean = jnp.mean(h, axis=0)
    var = jnp.var(h, axis=0)
    h = (h - mean) / jnp.sqrt(var + EPS) * gamma + beta
    h = jax.nn.relu(h)
    # dropout is a no-op in the deterministic reference (eval semantics)
    h = h @ W2 + b2
    h = propagate(h, edge_index)
    return jax.nn.log_softmax(h, axis=1)

if __name__ == "__main__":
    import jax
    _d = setup_inputs()
    print(jax.jit(kernel)(*tuple(_d.values())))

</pallas_src>

<mosaic_0001>
#map = affine_map<(d0, d1) -> (0, 0)>
#map1 = affine_map<(d0, d1) -> (0)>
#map2 = affine_map<(d0, d1) -> (0, 0, 0)>
module attributes {stable_mosaic.version = 14 : i64} {
  func.func @_scatter_body(%arg0: i32, %arg1: i32, %arg2: memref<10000x128xf32, #tpu.memory_space<hbm>>, %arg3: memref<320000xi32, #tpu.memory_space<hbm>>, %arg4: memref<320000xi32, #tpu.memory_space<hbm>>, %arg5: memref<8x128xf32, #tpu.memory_space<hbm>>, %arg6: memref<2x10240x128xf32, #tpu.memory_space<hbm>>, %arg7: memref<10000xi32, #tpu.memory_space<vmem>>, %arg8: memref<10000xi32, #tpu.memory_space<vmem>>, %arg9: memref<5x40x128xf32, #tpu.memory_space<vmem>>, %arg10: memref<8x128xf32, #tpu.memory_space<vmem>>, %arg11: memref<10240x128xf32, #tpu.memory_space<vmem_shared>>, %arg12: memref<!tpu.dma_semaphore, #tpu.memory_space<semaphore_mem>>, %arg13: memref<!tpu.dma_semaphore, #tpu.memory_space<semaphore_mem>>, %arg14: memref<!tpu.dma_semaphore, #tpu.memory_space<semaphore_mem>>, %arg15: memref<!tpu.dma_semaphore, #tpu.memory_space<semaphore_mem>>, %arg16: memref<!tpu.dma_semaphore, #tpu.memory_space<semaphore_mem>>, %arg17: memref<!tpu.dma_semaphore, #tpu.memory_space<semaphore_mem>>, %arg18: memref<!tpu.dma_semaphore, #tpu.memory_space<semaphore_mem>>, %arg19: memref<!tpu.dma_semaphore, #tpu.memory_space<semaphore_mem>>, %arg20: memref<!tpu.dma_semaphore, #tpu.memory_space<semaphore_mem>>, %arg21: memref<!tpu.dma_semaphore, #tpu.memory_space<semaphore_mem>>) attributes {dimension_semantics = [#tpu.dimension_semantics<core_parallel>, #tpu.dimension_semantics<subcore_parallel>], iteration_bounds = array<i64: 2, 16>, scalar_prefetch = 0 : i64, scratch_operands = 15 : i64, tpu.core_type = #tpu.core_type<sc_vector_subcore>, window_params = [{transform_indices = #map}, {transform_indices = #map1}, {transform_indices = #map1}, {transform_indices = #map}, {transform_indices = #map2}]} {
    %mul3A = arith.constant 16 : i32
    %mul3A_0 = arith.muli %arg0, %mul3A : i32
    %add3A = arith.addi %mul3A_0, %arg1 : i32
    %mul3A_1 = arith.constant 10000 : i32
    %mul3A_2 = arith.muli %add3A, %mul3A_1 : i32
    %dma_start3A = tpu.memref_slice %arg3[%mul3A_2] : memref<320000xi32, #tpu.memory_space<hbm>> -> memref<10000xi32, #tpu.memory_space<hbm>>
    %dma_start3A_3 = tpu.memref_slice %arg3[%mul3A_2] : memref<320000xi32, #tpu.memory_space<hbm>> -> memref<10000xi32, #tpu.memory_space<hbm>>
    tpu.enqueue_dma source(%dma_start3A_3 : memref<10000xi32, #tpu.memory_space<hbm>>) target(%arg7 : memref<10000xi32, #tpu.memory_space<vmem>>) target_semaphore(%arg12 : memref<!tpu.dma_semaphore, #tpu.memory_space<semaphore_mem>>)
    %dma_start3A_4 = tpu.memref_slice %arg4[%mul3A_2] : memref<320000xi32, #tpu.memory_space<hbm>> -> memref<10000xi32, #tpu.memory_space<hbm>>
    %dma_start3A_5 = tpu.memref_slice %arg4[%mul3A_2] : memref<320000xi32, #tpu.memory_space<hbm>> -> memref<10000xi32, #tpu.memory_space<hbm>>
    tpu.enqueue_dma source(%dma_start3A_5 : memref<10000xi32, #tpu.memory_space<hbm>>) target(%arg8 : memref<10000xi32, #tpu.memory_space<vmem>>) target_semaphore(%arg13 : memref<!tpu.dma_semaphore, #tpu.memory_space<semaphore_mem>>)
    "tpu.region"() ({
      %run_scoped3A = tpu.sem_alloc : memref<!tpu.dma_semaphore, #tpu.memory_space<semaphore_mem>>
      tpu.enqueue_dma source(%arg5 : memref<8x128xf32, #tpu.memory_space<hbm>>) target(%arg10 : memref<8x128xf32, #tpu.memory_space<vmem>>) target_semaphore(%run_scoped3A : memref<!tpu.dma_semaphore, #tpu.memory_space<semaphore_mem>>)
      tpu.wait_dma2 semaphore(%run_scoped3A : memref<!tpu.dma_semaphore, #tpu.memory_space<semaphore_mem>>) src(%arg5 : memref<8x128xf32, #tpu.memory_space<hbm>>) dst(%arg10 : memref<8x128xf32, #tpu.memory_space<vmem>>)
      tpu.yield
    }) : () -> ()
    %scan3A = arith.constant 0 : i32
    %scan3A_6 = arith.constant 0 : i32
    %scan3A_7 = arith.constant 80 : i32
    %scan3A_8 = arith.addi %scan3A_6, %scan3A_7 : i32
    %scan3A_9 = arith.constant 1 : i32
    scf.for %scan3A_225 = %scan3A_6 to %scan3A_8 step %scan3A_9  : i32 {
      %mul3A_226 = arith.constant 640 : i32
      %mul3A_227 = arith.muli %arg1, %mul3A_226 : i32
      %mul3A_228 = arith.constant 8 : i32
      %mul3A_229 = arith.muli %scan3A_225, %mul3A_228 : i32
      %add3A_230 = arith.addi %mul3A_227, %mul3A_229 : i32
      "tpu.region"() ({
        %run_scoped3A = tpu.sem_alloc : memref<!tpu.dma_semaphore, #tpu.memory_space<semaphore_mem>>
        %dma_start3A_231 = arith.constant 0 : i32
        %dma_start3A_232 = tpu.memref_slice %arg11[%add3A_230, %dma_start3A_231] : memref<10240x128xf32, #tpu.memory_space<vmem_shared>> -> memref<8x128xf32, #tpu.memory_space<vmem_shared>>
        %dma_start3A_233 = arith.constant 0 : i32
        %dma_start3A_234 = tpu.memref_slice %arg11[%add3A_230, %dma_start3A_233] : memref<10240x128xf32, #tpu.memory_space<vmem_shared>> -> memref<8x128xf32, #tpu.memory_space<vmem_shared>>
        tpu.enqueue_dma source(%arg10 : memref<8x128xf32, #tpu.memory_space<vmem>>) target(%dma_start3A_234 : memref<8x128xf32, #tpu.memory_space<vmem_shared>>) target_semaphore(%run_scoped3A : memref<!tpu.dma_semaphore, #tpu.memory_space<semaphore_mem>>)
        %dma_wait3A_235 = arith.constant 0 : i32
        %dma_wait3A_236 = tpu.memref_slice %arg11[%add3A_230, %dma_wait3A_235] : memref<10240x128xf32, #tpu.memory_space<vmem_shared>> -> memref<8x128xf32, #tpu.memory_space<vmem_shared>>
        %dma_wait3A_237 = arith.constant 0 : i32
        %dma_wait3A_238 = tpu.memref_slice %arg11[%add3A_230, %dma_wait3A_237] : memref<10240x128xf32, #tpu.memory_space<vmem_shared>> -> memref<8x128xf32, #tpu.memory_space<vmem_shared>>
        tpu.wait_dma2 semaphore(%run_scoped3A : memref<!tpu.dma_semaphore, #tpu.memory_space<semaphore_mem>>) src(%arg10 : memref<8x128xf32, #tpu.memory_space<vmem>>) dst(%dma_wait3A_238 : memref<8x128xf32, #tpu.memory_space<vmem_shared>>)
        tpu.yield
      }) : () -> ()
    }
    %scan3A_10 = arith.constant 80 : i32
    %dma_wait3A = tpu.memref_slice %arg3[%mul3A_2] : memref<320000xi32, #tpu.memory_space<hbm>> -> memref<10000xi32, #tpu.memory_space<hbm>>
    %dma_wait3A_11 = tpu.memref_slice %arg3[%mul3A_2] : memref<320000xi32, #tpu.memory_space<hbm>> -> memref<10000xi32, #tpu.memory_space<hbm>>
    tpu.wait_dma2 semaphore(%arg12 : memref<!tpu.dma_semaphore, #tpu.memory_space<semaphore_mem>>) src(%dma_wait3A_11 : memref<10000xi32, #tpu.memory_space<hbm>>) dst(%arg7 : memref<10000xi32, #tpu.memory_space<vmem>>)
    %dma_wait3A_12 = tpu.memref_slice %arg4[%mul3A_2] : memref<320000xi32, #tpu.memory_space<hbm>> -> memref<10000xi32, #tpu.memory_space<hbm>>
    %dma_wait3A_13 = tpu.memref_slice %arg4[%mul3A_2] : memref<320000xi32, #tpu.memory_space<hbm>> -> memref<10000xi32, #tpu.memory_space<hbm>>
    tpu.wait_dma2 semaphore(%arg13 : memref<!tpu.dma_semaphore, #tpu.memory_space<semaphore_mem>>) src(%dma_wait3A_13 : memref<10000xi32, #tpu.memory_space<hbm>>) dst(%arg8 : memref<10000xi32, #tpu.memory_space<vmem>>)
    %barrier3A = arith.constant 0 : index
    tpu.barrier barrier_id(%barrier3A)
    %dma_start3A_14 = arith.constant 0 : i32
    %dma_start3A_15 = arith.constant 0 : i32
    %dma_start3A_16 = arith.constant 0 : i32
    %dma_start3A_17 = tpu.memref_slice %arg9[%dma_start3A_14, %dma_start3A_15, %dma_start3A_16] : memref<5x40x128xf32, #tpu.memory_space<vmem>> -> memref<1x40x128xf32, #tpu.memory_space<vmem>>
    %dma_start3A_18 = tpu.memref_squeeze %dma_start3A_17 : memref<1x40x128xf32, #tpu.memory_space<vmem>> -> memref<40x128xf32, #tpu.memory_space<vmem>>
    %dma_start3A_19 = arith.constant 0 : i32
    %dma_start3A_20 = tpu.memref_slice %arg7[%dma_start3A_19] : memref<10000xi32, #tpu.memory_space<vmem>> -> memref<40xi32, #tpu.memory_space<vmem>>
    %dma_start3A_21 = arith.constant 0 : i32
    %dma_start3A_22 = arith.constant 0 : i32
    %dma_start3A_23 = tpu.memref_slice %arg2[%dma_start3A_21, %dma_start3A_22] : memref<10000x128xf32, #tpu.memory_space<hbm>> -> memref<10000x128xf32, #tpu.memory_space<hbm>>
    tpu.enqueue_indirect_dma source(%dma_start3A_23 : memref<10000x128xf32, #tpu.memory_space<hbm>>) target(%dma_start3A_18 : memref<40x128xf32, #tpu.memory_space<vmem>>) offsets(%dma_start3A_20 : memref<40xi32, #tpu.memory_space<vmem>>) semaphore(%arg12 : memref<!tpu.dma_semaphore, #tpu.memory_space<semaphore_mem>>)
    %dma_start3A_24 = arith.constant 1 : i32
    %dma_start3A_25 = arith.constant 0 : i32
    %dma_start3A_26 = arith.constant 0 : i32
    %dma_start3A_27 = tpu.memref_slice %arg9[%dma_start3A_24, %dma_start3A_25, %dma_start3A_26] : memref<5x40x128xf32, #tpu.memory_space<vmem>> -> memref<1x40x128xf32, #tpu.memory_space<vmem>>
    %dma_start3A_28 = tpu.memref_squeeze %dma_start3A_27 : memref<1x40x128xf32, #tpu.memory_space<vmem>> -> memref<40x128xf32, #tpu.memory_space<vmem>>
    %dma_start3A_29 = arith.constant 40 : i32
    %dma_start3A_30 = tpu.memref_slice %arg7[%dma_start3A_29] : memref<10000xi32, #tpu.memory_space<vmem>> -> memref<40xi32, #tpu.memory_space<vmem>>
    %dma_start3A_31 = arith.constant 0 : i32
    %dma_start3A_32 = arith.constant 0 : i32
    %dma_start3A_33 = tpu.memref_slice %arg2[%dma_start3A_31, %dma_start3A_32] : memref<10000x128xf32, #tpu.memory_space<hbm>> -> memref<10000x128xf32, #tpu.memory_space<hbm>>
    tpu.enqueue_indirect_dma source(%dma_start3A_33 : memref<10000x128xf32, #tpu.memory_space<hbm>>) target(%dma_start3A_28 : memref<40x128xf32, #tpu.memory_space<vmem>>) offsets(%dma_start3A_30 : memref<40xi32, #tpu.memory_space<vmem>>) semaphore(%arg13 : memref<!tpu.dma_semaphore, #tpu.memory_space<semaphore_mem>>)
    %dma_start3A_34 = arith.constant 2 : i32
    %dma_start3A_35 = arith.constant 0 : i32
    %dma_start3A_36 = arith.constant 0 : i32
    %dma_start3A_37 = tpu.memref_slice %arg9[%dma_start3A_34, %dma_start3A_35, %dma_start3A_36] : memref<5x40x128xf32, #tpu.memory_space<vmem>> -> memref<1x40x128xf32, #tpu.memory_space<vmem>>
    %dma_start3A_38 = tpu.memref_squeeze %dma_start3A_37 : memref<1x40x128xf32, #tpu.memory_space<vmem>> -> memref<40x128xf32, #tpu.memory_space<vmem>>
    %dma_start3A_39 = arith.constant 80 : i32
    %dma_start3A_40 = tpu.memref_slice %arg7[%dma_start3A_39] : memref<10000xi32, #tpu.memory_space<vmem>> -> memref<40xi32, #tpu.memory_space<vmem>>
    %dma_start3A_41 = arith.constant 0 : i32
    %dma_start3A_42 = arith.constant 0 : i32
    %dma_start3A_43 = tpu.memref_slice %arg2[%dma_start3A_41, %dma_start3A_42] : memref<10000x128xf32, #tpu.memory_space<hbm>> -> memref<10000x128xf32, #tpu.memory_space<hbm>>
    tpu.enqueue_indirect_dma source(%dma_start3A_43 : memref<10000x128xf32, #tpu.memory_space<hbm>>) target(%dma_start3A_38 : memref<40x128xf32, #tpu.memory_space<vmem>>) offsets(%dma_start3A_40 : memref<40xi32, #tpu.memory_space<vmem>>) semaphore(%arg14 : memref<!tpu.dma_semaphore, #tpu.memory_space<semaphore_mem>>)
    %dma_start3A_44 = arith.constant 3 : i32
    %dma_start3A_45 = arith.constant 0 : i32
    %dma_start3A_46 = arith.constant 0 : i32
    %dma_start3A_47 = tpu.memref_slice %arg9[%dma_start3A_44, %dma_start3A_45, %dma_start3A_46] : memref<5x40x128xf32, #tpu.memory_space<vmem>> -> memref<1x40x128xf32, #tpu.memory_space<vmem>>
    %dma_start3A_48 = tpu.memref_squeeze %dma_start3A_47 : memref<1x40x128xf32, #tpu.memory_space<vmem>> -> memref<40x128xf32, #tpu.memory_space<vmem>>
    %dma_start3A_49 = arith.constant 120 : i32
    %dma_start3A_50 = tpu.memref_slice %arg7[%dma_start3A_49] : memref<10000xi32, #tpu.memory_space<vmem>> -> memref<40xi32, #tpu.memory_space<vmem>>
    %dma_start3A_51 = arith.constant 0 : i32
    %dma_start3A_52 = arith.constant 0 : i32
    %dma_start3A_53 = tpu.memref_slice %arg2[%dma_start3A_51, %dma_start3A_52] : memref<10000x128xf32, #tpu.memory_space<hbm>> -> memref<10000x128xf32, #tpu.memory_space<hbm>>
    tpu.enqueue_indirect_dma source(%dma_start3A_53 : memref<10000x128xf32, #tpu.memory_space<hbm>>) target(%dma_start3A_48 : memref<40x128xf32, #tpu.memory_space<vmem>>) offsets(%dma_start3A_50 : memref<40xi32, #tpu.memory_space<vmem>>) semaphore(%arg15 : memref<!tpu.dma_semaphore, #tpu.memory_space<semaphore_mem>>)
    %dma_start3A_54 = arith.constant 4 : i32
    %dma_start3A_55 = arith.constant 0 : i32
    %dma_start3A_56 = arith.constant 0 : i32
    %dma_start3A_57 = tpu.memref_slice %arg9[%dma_start3A_54, %dma_start3A_55, %dma_start3A_56] : memref<5x40x128xf32, #tpu.memory_space<vmem>> -> memref<1x40x128xf32, #tpu.memory_space<vmem>>
    %dma_start3A_58 = tpu.memref_squeeze %dma_start3A_57 : memref<1x40x128xf32, #tpu.memory_space<vmem>> -> memref<40x128xf32, #tpu.memory_space<vmem>>
    %dma_start3A_59 = arith.constant 160 : i32
    %dma_start3A_60 = tpu.memref_slice %arg7[%dma_start3A_59] : memref<10000xi32, #tpu.memory_space<vmem>> -> memref<40xi32, #tpu.memory_space<vmem>>
    %dma_start3A_61 = arith.constant 0 : i32
    %dma_start3A_62 = arith.constant 0 : i32
    %dma_start3A_63 = tpu.memref_slice %arg2[%dma_start3A_61, %dma_start3A_62] : memref<10000x128xf32, #tpu.memory_space<hbm>> -> memref<10000x128xf32, #tpu.memory_space<hbm>>
    tpu.enqueue_indirect_dma source(%dma_start3A_63 : memref<10000x128xf32, #tpu.memory_space<hbm>>) target(%dma_start3A_58 : memref<40x128xf32, #tpu.memory_space<vmem>>) offsets(%dma_start3A_60 : memref<40xi32, #tpu.memory_space<vmem>>) semaphore(%arg16 : memref<!tpu.dma_semaphore, #tpu.memory_space<semaphore_mem>>)
    %scan3A_64 = arith.constant 0 : i32
    %scan3A_65 = arith.constant 0 : i32
    %scan3A_66 = arith.constant 49 : i32
    %scan3A_67 = arith.addi %scan3A_65, %scan3A_66 : i32
    %scan3A_68 = arith.constant 1 : i32
    scf.for %scan3A_225 = %scan3A_65 to %scan3A_67 step %scan3A_68  : i32 {
      %mul3A_226 = arith.constant 5 : i32
      %mul3A_227 = arith.muli %scan3A_225, %mul3A_226 : i32
      %add3A_228 = arith.constant 0 : i32
      %add3A_229 = arith.addi %mul3A_227, %add3A_228 : i32
      %mul3A_230 = arith.constant 40 : i32
      %mul3A_231 = arith.muli %add3A_229, %mul3A_230 : i32
      %dma_wait3A_232 = arith.constant 0 : i32
      %dma_wait3A_233 = arith.constant 0 : i32
      %dma_wait3A_234 = arith.constant 0 : i32
      %dma_wait3A_235 = tpu.memref_slice %arg9[%dma_wait3A_232, %dma_wait3A_233, %dma_wait3A_234] : memref<5x40x128xf32, #tpu.memory_space<vmem>> -> memref<1x40x128xf32, #tpu.memory_space<vmem>>
      %dma_wait3A_236 = tpu.memref_squeeze %dma_wait3A_235 : memref<1x40x128xf32, #tpu.memory_space<vmem>> -> memref<40x128xf32, #tpu.memory_space<vmem>>
      %dma_wait3A_237 = tpu.memref_slice %arg7[%mul3A_231] : memref<10000xi32, #tpu.memory_space<vmem>> -> memref<40xi32, #tpu.memory_space<vmem>>
      %dma_wait3A_238 = arith.constant 0 : i32
      %dma_wait3A_239 = arith.constant 0 : i32
      %dma_wait3A_240 = tpu.memref_slice %arg2[%dma_wait3A_238, %dma_wait3A_239] : memref<10000x128xf32, #tpu.memory_space<hbm>> -> memref<10000x128xf32, #tpu.memory_space<hbm>>
      tpu.wait_indirect_dma semaphore(%arg12 : memref<!tpu.dma_semaphore, #tpu.memory_space<semaphore_mem>>) src(%dma_wait3A_240 : memref<10000x128xf32, #tpu.memory_space<hbm>>) dst(%dma_wait3A_236 : memref<40x128xf32, #tpu.memory_space<vmem>>)
      %add3A_241 = arith.constant 0 : i32
      %add3A_242 = arith.addi %mul3A_227, %add3A_241 : i32
      %mul3A_243 = arith.constant 40 : i32
      %mul3A_244 = arith.muli %add3A_242, %mul3A_243 : i32
      %dma_start3A_245 = arith.constant 0 : i32
      %dma_start3A_246 = arith.constant 0 : i32
      %dma_start3A_247 = arith.constant 0 : i32
      %dma_start3A_248 = tpu.memref_slice %arg9[%dma_start3A_245, %dma_start3A_246, %dma_start3A_247] : memref<5x40x128xf32, #tpu.memory_space<vmem>> -> memref<1x40x128xf32, #tpu.memory_space<vmem>>
      %dma_start3A_249 = tpu.memref_squeeze %dma_start3A_248 : memref<1x40x128xf32, #tpu.memory_space<vmem>> -> memref<40x128xf32, #tpu.memory_space<vmem>>
      %dma_start3A_250 = tpu.memref_slice %arg8[%mul3A_244] : memref<10000xi32, #tpu.memory_space<vmem>> -> memref<40xi32, #tpu.memory_space<vmem>>
      %dma_start3A_251 = arith.constant 0 : i32
      %dma_start3A_252 = arith.constant 0 : i32
      %dma_start3A_253 = tpu.memref_slice %arg11[%dma_start3A_251, %dma_start3A_252] : memref<10240x128xf32, #tpu.memory_space<vmem_shared>> -> memref<10240x128xf32, #tpu.memory_space<vmem_shared>>
      tpu.enqueue_indirect_dma source(%dma_start3A_249 : memref<40x128xf32, #tpu.memory_space<vmem>>) target(%dma_start3A_253 : memref<10240x128xf32, #tpu.memory_space<vmem_shared>>) offsets(%dma_start3A_250 : memref<40xi32, #tpu.memory_space<vmem>>) semaphore(%arg17 : memref<!tpu.dma_semaphore, #tpu.memory_space<semaphore_mem>>) {add = true}
      %add3A_254 = arith.constant 1 : i32
      %add3A_255 = arith.addi %mul3A_227, %add3A_254 : i32
      %mul3A_256 = arith.constant 40 : i32
      %mul3A_257 = arith.muli %add3A_255, %mul3A_256 : i32
      %dma_wait3A_258 = arith.constant 1 : i32
      %dma_wait3A_259 = arith.constant 0 : i32
      %dma_wait3A_260 = arith.constant 0 : i32
      %dma_wait3A_261 = tpu.memref_slice %arg9[%dma_wait3A_258, %dma_wait3A_259, %dma_wait3A_260] : memref<5x40x128xf32, #tpu.memory_space<vmem>> -> memref<1x40x128xf32, #tpu.memory_space<vmem>>
      %dma_wait3A_262 = tpu.memref_squeeze %dma_wait3A_261 : memref<1x40x128xf32, #tpu.memory_space<vmem>> -> memref<40x128xf32, #tpu.memory_space<vmem>>
      %dma_wait3A_263 = tpu.memref_slice %arg7[%mul3A_257] : memref<10000xi32, #tpu.memory_space<vmem>> -> memref<40xi32, #tpu.memory_space<vmem>>
      %dma_wait3A_264 = arith.constant 0 : i32
      %dma_wait3A_265 = arith.constant 0 : i32
      %dma_wait3A_266 = tpu.memref_slice %arg2[%dma_wait3A_264, %dma_wait3A_265] : memref<10000x128xf32, #tpu.memory_space<hbm>> -> memref<10000x128xf32, #tpu.memory_space<hbm>>
      tpu.wait_indirect_dma semaphore(%arg13 : memref<!tpu.dma_semaphore, #tpu.memory_space<semaphore_mem>>) src(%dma_wait3A_266 : memref<10000x128xf32, #tpu.memory_space<hbm>>) dst(%dma_wait3A_262 : memref<40x128xf32, #tpu.memory_space<vmem>>)
      %add3A_267 = arith.constant 1 : i32
      %add3A_268 = arith.addi %mul3A_227, %add3A_267 : i32
      %mul3A_269 = arith.constant 40 : i32
      %mul3A_270 = arith.muli %add3A_268, %mul3A_269 : i32
      %dma_start3A_271 = arith.constant 1 : i32
      %dma_start3A_272 = arith.constant 0 : i32
      %dma_start3A_273 = arith.constant 0 : i32
      %dma_start3A_274 = tpu.memref_slice %arg9[%dma_start3A_271, %dma_start3A_272, %dma_start3A_273] : memref<5x40x128xf32, #tpu.memory_space<vmem>> -> memref<1x40x128xf32, #tpu.memory_space<vmem>>
      %dma_start3A_275 = tpu.memref_squeeze %dma_start3A_274 : memref<1x40x128xf32, #tpu.memory_space<vmem>> -> memref<40x128xf32, #tpu.memory_space<vmem>>
      %dma_start3A_276 = tpu.memref_slice %arg8[%mul3A_270] : memref<10000xi32, #tpu.memory_space<vmem>> -> memref<40xi32, #tpu.memory_space<vmem>>
      %dma_start3A_277 = arith.constant 0 : i32
      %dma_start3A_278 = arith.constant 0 : i32
      %dma_start3A_279 = tpu.memref_slice %arg11[%dma_start3A_277, %dma_start3A_278] : memref<10240x128xf32, #tpu.memory_space<vmem_shared>> -> memref<10240x128xf32, #tpu.memory_space<vmem_shared>>
      tpu.enqueue_indirect_dma source(%dma_start3A_275 : memref<40x128xf32, #tpu.memory_space<vmem>>) target(%dma_start3A_279 : memref<10240x128xf32, #tpu.memory_space<vmem_shared>>) offsets(%dma_start3A_276 : memref<40xi32, #tpu.memory_space<vmem>>) semaphore(%arg18 : memref<!tpu.dma_semaphore, #tpu.memory_space<semaphore_mem>>) {add = true}
      %add3A_280 = arith.constant 2 : i32
      %add3A_281 = arith.addi %mul3A_227, %add3A_280 : i32
      %mul3A_282 = arith.constant 40 : i32
      %mul3A_283 = arith.muli %add3A_281, %mul3A_282 : i32
      %dma_wait3A_284 = arith.constant 2 : i32
      %dma_wait3A_285 = arith.constant 0 : i32
      %dma_wait3A_286 = arith.constant 0 : i32
      %dma_wait3A_287 = tpu.memref_slice %arg9[%dma_wait3A_284, %dma_wait3A_285, %dma_wait3A_286] : memref<5x40x128xf32, #tpu.memory_space<vmem>> -> memref<1x40x128xf32, #tpu.memory_space<vmem>>
      %dma_wait3A_288 = tpu.memref_squeeze %dma_wait3A_287 : memref<1x40x128xf32, #tpu.memory_space<vmem>> -> memref<40x128xf32, #tpu.memory_space<vmem>>
      %dma_wait3A_289 = tpu.memref_slice %arg7[%mul3A_283] : memref<10000xi32, #tpu.memory_space<vmem>> -> memref<40xi32, #tpu.memory_space<vmem>>
      %dma_wait3A_290 = arith.constant 0 : i32
      %dma_wait3A_291 = arith.constant 0 : i32
      %dma_wait3A_292 = tpu.memref_slice %arg2[%dma_wait3A_290, %dma_wait3A_291] : memref<10000x128xf32, #tpu.memory_space<hbm>> -> memref<10000x128xf32, #tpu.memory_space<hbm>>
      tpu.wait_indirect_dma semaphore(%arg14 : memref<!tpu.dma_semaphore, #tpu.memory_space<semaphore_mem>>) src(%dma_wait3A_292 : memref<10000x128xf32, #tpu.memory_space<hbm>>) dst(%dma_wait3A_288 : memref<40x128xf32, #tpu.memory_space<vmem>>)
      %add3A_293 = arith.constant 2 : i32
      %add3A_294 = arith.addi %mul3A_227, %add3A_293 : i32
      %mul3A_295 = arith.constant 40 : i32
      %mul3A_296 = arith.muli %add3A_294, %mul3A_295 : i32
      %dma_start3A_297 = arith.constant 2 : i32
      %dma_start3A_298 = arith.constant 0 : i32
      %dma_start3A_299 = arith.constant 0 : i32
      %dma_start3A_300 = tpu.memref_slice %arg9[%dma_start3A_297, %dma_start3A_298, %dma_start3A_299] : memref<5x40x128xf32, #tpu.memory_space<vmem>> -> memref<1x40x128xf32, #tpu.memory_space<vmem>>
      %dma_start3A_301 = tpu.memref_squeeze %dma_start3A_300 : memref<1x40x128xf32, #tpu.memory_space<vmem>> -> memref<40x128xf32, #tpu.memory_space<vmem>>
      %dma_start3A_302 = tpu.memref_slice %arg8[%mul3A_296] : memref<10000xi32, #tpu.memory_space<vmem>> -> memref<40xi32, #tpu.memory_space<vmem>>
      %dma_start3A_303 = arith.constant 0 : i32
      %dma_start3A_304 = arith.constant 0 : i32
      %dma_start3A_305 = tpu.memref_slice %arg11[%dma_start3A_303, %dma_start3A_304] : memref<10240x128xf32, #tpu.memory_space<vmem_shared>> -> memref<10240x128xf32, #tpu.memory_space<vmem_shared>>
      tpu.enqueue_indirect_dma source(%dma_start3A_301 : memref<40x128xf32, #tpu.memory_space<vmem>>) target(%dma_start3A_305 : memref<10240x128xf32, #tpu.memory_space<vmem_shared>>) offsets(%dma_start3A_302 : memref<40xi32, #tpu.memory_space<vmem>>) semaphore(%arg19 : memref<!tpu.dma_semaphore, #tpu.memory_space<semaphore_mem>>) {add = true}
      %add3A_306 = arith.constant 3 : i32
      %add3A_307 = arith.addi %mul3A_227, %add3A_306 : i32
      %mul3A_308 = arith.constant 40 : i32
      %mul3A_309 = arith.muli %add3A_307, %mul3A_308 : i32
      %dma_wait3A_310 = arith.constant 3 : i32
      %dma_wait3A_311 = arith.constant 0 : i32
      %dma_wait3A_312 = arith.constant 0 : i32
      %dma_wait3A_313 = tpu.memref_slice %arg9[%dma_wait3A_310, %dma_wait3A_311, %dma_wait3A_312] : memref<5x40x128xf32, #tpu.memory_space<vmem>> -> memref<1x40x128xf32, #tpu.memory_space<vmem>>
      %dma_wait3A_314 = tpu.memref_squeeze %dma_wait3A_313 : memref<1x40x128xf32, #tpu.memory_space<vmem>> -> memref<40x128xf32, #tpu.memory_space<vmem>>
      %dma_wait3A_315 = tpu.memref_slice %arg7[%mul3A_309] : memref<10000xi32, #tpu.memory_space<vmem>> -> memref<40xi32, #tpu.memory_space<vmem>>
      %dma_wait3A_316 = arith.constant 0 : i32
      %dma_wait3A_317 = arith.constant 0 : i32
      %dma_wait3A_318 = tpu.memref_slice %arg2[%dma_wait3A_316, %dma_wait3A_317] : memref<10000x128xf32, #tpu.memory_space<hbm>> -> memref<10000x128xf32, #tpu.memory_space<hbm>>
      tpu.wait_indirect_dma semaphore(%arg15 : memref<!tpu.dma_semaphore, #tpu.memory_space<semaphore_mem>>) src(%dma_wait3A_318 : memref<10000x128xf32, #tpu.memory_space<hbm>>) dst(%dma_wait3A_314 : memref<40x128xf32, #tpu.memory_space<vmem>>)
      %add3A_319 = arith.constant 3 : i32
      %add3A_320 = arith.addi %mul3A_227, %add3A_319 : i32
      %mul3A_321 = arith.constant 40 : i32
      %mul3A_322 = arith.muli %add3A_320, %mul3A_321 : i32
      %dma_start3A_323 = arith.constant 3 : i32
      %dma_start3A_324 = arith.constant 0 : i32
      %dma_start3A_325 = arith.constant 0 : i32
      %dma_start3A_326 = tpu.memref_slice %arg9[%dma_start3A_323, %dma_start3A_324, %dma_start3A_325] : memref<5x40x128xf32, #tpu.memory_space<vmem>> -> memref<1x40x128xf32, #tpu.memory_space<vmem>>
      %dma_start3A_327 = tpu.memref_squeeze %dma_start3A_326 : memref<1x40x128xf32, #tpu.memory_space<vmem>> -> memref<40x128xf32, #tpu.memory_space<vmem>>
      %dma_start3A_328 = tpu.memref_slice %arg8[%mul3A_322] : memref<10000xi32, #tpu.memory_space<vmem>> -> memref<40xi32, #tpu.memory_space<vmem>>
      %dma_start3A_329 = arith.constant 0 : i32
      %dma_start3A_330 = arith.constant 0 : i32
      %dma_start3A_331 = tpu.memref_slice %arg11[%dma_start3A_329, %dma_start3A_330] : memref<10240x128xf32, #tpu.memory_space<vmem_shared>> -> memref<10240x128xf32, #tpu.memory_space<vmem_shared>>
      tpu.enqueue_indirect_dma source(%dma_start3A_327 : memref<40x128xf32, #tpu.memory_space<vmem>>) target(%dma_start3A_331 : memref<10240x128xf32, #tpu.memory_space<vmem_shared>>) offsets(%dma_start3A_328 : memref<40xi32, #tpu.memory_space<vmem>>) semaphore(%arg20 : memref<!tpu.dma_semaphore, #tpu.memory_space<semaphore_mem>>) {add = true}
      %add3A_332 = arith.constant 4 : i32
      %add3A_333 = arith.addi %mul3A_227, %add3A_332 : i32
      %mul3A_334 = arith.constant 40 : i32
      %mul3A_335 = arith.muli %add3A_333, %mul3A_334 : i32
      %dma_wait3A_336 = arith.constant 4 : i32
      %dma_wait3A_337 = arith.constant 0 : i32
      %dma_wait3A_338 = arith.constant 0 : i32
      %dma_wait3A_339 = tpu.memref_slice %arg9[%dma_wait3A_336, %dma_wait3A_337, %dma_wait3A_338] : memref<5x40x128xf32, #tpu.memory_space<vmem>> -> memref<1x40x128xf32, #tpu.memory_space<vmem>>
      %dma_wait3A_340 = tpu.memref_squeeze %dma_wait3A_339 : memref<1x40x128xf32, #tpu.memory_space<vmem>> -> memref<40x128xf32, #tpu.memory_space<vmem>>
      %dma_wait3A_341 = tpu.memref_slice %arg7[%mul3A_335] : memref<10000xi32, #tpu.memory_space<vmem>> -> memref<40xi32, #tpu.memory_space<vmem>>
      %dma_wait3A_342 = arith.constant 0 : i32
      %dma_wait3A_343 = arith.constant 0 : i32
      %dma_wait3A_344 = tpu.memref_slice %arg2[%dma_wait3A_342, %dma_wait3A_343] : memref<10000x128xf32, #tpu.memory_space<hbm>> -> memref<10000x128xf32, #tpu.memory_space<hbm>>
      tpu.wait_indirect_dma semaphore(%arg16 : memref<!tpu.dma_semaphore, #tpu.memory_space<semaphore_mem>>) src(%dma_wait3A_344 : memref<10000x128xf32, #tpu.memory_space<hbm>>) dst(%dma_wait3A_340 : memref<40x128xf32, #tpu.memory_space<vmem>>)
      %add3A_345 = arith.constant 4 : i32
      %add3A_346 = arith.addi %mul3A_227, %add3A_345 : i32
      %mul3A_347 = arith.constant 40 : i32
      %mul3A_348 = arith.muli %add3A_346, %mul3A_347 : i32
      %dma_start3A_349 = arith.constant 4 : i32
      %dma_start3A_350 = arith.constant 0 : i32
      %dma_start3A_351 = arith.constant 0 : i32
      %dma_start3A_352 = tpu.memref_slice %arg9[%dma_start3A_349, %dma_start3A_350, %dma_start3A_351] : memref<5x40x128xf32, #tpu.memory_space<vmem>> -> memref<1x40x128xf32, #tpu.memory_space<vmem>>
      %dma_start3A_353 = tpu.memref_squeeze %dma_start3A_352 : memref<1x40x128xf32, #tpu.memory_space<vmem>> -> memref<40x128xf32, #tpu.memory_space<vmem>>
      %dma_start3A_354 = tpu.memref_slice %arg8[%mul3A_348] : memref<10000xi32, #tpu.memory_space<vmem>> -> memref<40xi32, #tpu.memory_space<vmem>>
      %dma_start3A_355 = arith.constant 0 : i32
      %dma_start3A_356 = arith.constant 0 : i32
      %dma_start3A_357 = tpu.memref_slice %arg11[%dma_start3A_355, %dma_start3A_356] : memref<10240x128xf32, #tpu.memory_space<vmem_shared>> -> memref<10240x128xf32, #tpu.memory_space<vmem_shared>>
      tpu.enqueue_indirect_dma source(%dma_start3A_353 : memref<40x128xf32, #tpu.memory_space<vmem>>) target(%dma_start3A_357 : memref<10240x128xf32, #tpu.memory_space<vmem_shared>>) offsets(%dma_start3A_354 : memref<40xi32, #tpu.memory_space<vmem>>) semaphore(%arg21 : memref<!tpu.dma_semaphore, #tpu.memory_space<semaphore_mem>>) {add = true}
      %add3A_358 = arith.constant 0 : i32
      %add3A_359 = arith.addi %mul3A_227, %add3A_358 : i32
      %mul3A_360 = arith.constant 40 : i32
      %mul3A_361 = arith.muli %add3A_359, %mul3A_360 : i32
      %dma_wait3A_362 = arith.constant 0 : i32
      %dma_wait3A_363 = arith.constant 0 : i32
      %dma_wait3A_364 = arith.constant 0 : i32
      %dma_wait3A_365 = tpu.memref_slice %arg9[%dma_wait3A_362, %dma_wait3A_363, %dma_wait3A_364] : memref<5x40x128xf32, #tpu.memory_space<vmem>> -> memref<1x40x128xf32, #tpu.memory_space<vmem>>
      %dma_wait3A_366 = tpu.memref_squeeze %dma_wait3A_365 : memref<1x40x128xf32, #tpu.memory_space<vmem>> -> memref<40x128xf32, #tpu.memory_space<vmem>>
      %dma_wait3A_367 = tpu.memref_slice %arg8[%mul3A_361] : memref<10000xi32, #tpu.memory_space<vmem>> -> memref<40xi32, #tpu.memory_space<vmem>>
      %dma_wait3A_368 = arith.constant 0 : i32
      %dma_wait3A_369 = arith.constant 0 : i32
      %dma_wait3A_370 = tpu.memref_slice %arg11[%dma_wait3A_368, %dma_wait3A_369] : memref<10240x128xf32, #tpu.memory_space<vmem_shared>> -> memref<10240x128xf32, #tpu.memory_space<vmem_shared>>
      tpu.wait_indirect_dma semaphore(%arg17 : memref<!tpu.dma_semaphore, #tpu.memory_space<semaphore_mem>>) src(%dma_wait3A_366 : memref<40x128xf32, #tpu.memory_space<vmem>>) dst(%dma_wait3A_370 : memref<10240x128xf32, #tpu.memory_space<vmem_shared>>)
      %add3A_371 = arith.constant 5 : i32
      %add3A_372 = arith.addi %mul3A_227, %add3A_371 : i32
      %add3A_373 = arith.constant 0 : i32
      %add3A_374 = arith.addi %add3A_372, %add3A_373 : i32
      %mul3A_375 = arith.constant 40 : i32
      %mul3A_376 = arith.muli %add3A_374, %mul3A_375 : i32
      %dma_start3A_377 = arith.constant 0 : i32
      %dma_start3A_378 = arith.constant 0 : i32
      %dma_start3A_379 = arith.constant 0 : i32
      %dma_start3A_380 = tpu.memref_slice %arg9[%dma_start3A_377, %dma_start3A_378, %dma_start3A_379] : memref<5x40x128xf32, #tpu.memory_space<vmem>> -> memref<1x40x128xf32, #tpu.memory_space<vmem>>
      %dma_start3A_381 = tpu.memref_squeeze %dma_start3A_380 : memref<1x40x128xf32, #tpu.memory_space<vmem>> -> memref<40x128xf32, #tpu.memory_space<vmem>>
      %dma_start3A_382 = tpu.memref_slice %arg7[%mul3A_376] : memref<10000xi32, #tpu.memory_space<vmem>> -> memref<40xi32, #tpu.memory_space<vmem>>
      %dma_start3A_383 = arith.constant 0 : i32
      %dma_start3A_384 = arith.constant 0 : i32
      %dma_start3A_385 = tpu.memref_slice %arg2[%dma_start3A_383, %dma_start3A_384] : memref<10000x128xf32, #tpu.memory_space<hbm>> -> memref<10000x128xf32, #tpu.memory_space<hbm>>
      tpu.enqueue_indirect_dma source(%dma_start3A_385 : memref<10000x128xf32, #tpu.memory_space<hbm>>) target(%dma_start3A_381 : memref<40x128xf32, #tpu.memory_space<vmem>>) offsets(%dma_start3A_382 : memref<40xi32, #tpu.memory_space<vmem>>) semaphore(%arg12 : memref<!tpu.dma_semaphore, #tpu.memory_space<semaphore_mem>>)
      %add3A_386 = arith.constant 1 : i32
      %add3A_387 = arith.addi %mul3A_227, %add3A_386 : i32
      %mul3A_388 = arith.constant 40 : i32
      %mul3A_389 = arith.muli %add3A_387, %mul3A_388 : i32
      %dma_wait3A_390 = arith.constant 1 : i32
      %dma_wait3A_391 = arith.constant 0 : i32
      %dma_wait3A_392 = arith.constant 0 : i32
      %dma_wait3A_393 = tpu.memref_slice %arg9[%dma_wait3A_390, %dma_wait3A_391, %dma_wait3A_392] : memref<5x40x128xf32, #tpu.memory_space<vmem>> -> memref<1x40x128xf32, #tpu.memory_space<vmem>>
      %dma_wait3A_394 = tpu.memref_squeeze %dma_wait3A_393 : memref<1x40x128xf32, #tpu.memory_space<vmem>> -> memref<40x128xf32, #tpu.memory_space<vmem>>
      %dma_wait3A_395 = tpu.memref_slice %arg8[%mul3A_389] : memref<10000xi32, #tpu.memory_space<vmem>> -> memref<40xi32, #tpu.memory_space<vmem>>
      %dma_wait3A_396 = arith.constant 0 : i32
      %dma_wait3A_397 = arith.constant 0 : i32
      %dma_wait3A_398 = tpu.memref_slice %arg11[%dma_wait3A_396, %dma_wait3A_397] : memref<10240x128xf32, #tpu.memory_space<vmem_shared>> -> memref<10240x128xf32, #tpu.memory_space<vmem_shared>>
      tpu.wait_indirect_dma semaphore(%arg18 : memref<!tpu.dma_semaphore, #tpu.memory_space<semaphore_mem>>) src(%dma_wait3A_394 : memref<40x128xf32, #tpu.memory_space<vmem>>) dst(%dma_wait3A_398 : memref<10240x128xf32, #tpu.memory_space<vmem_shared>>)
      %add3A_399 = arith.constant 5 : i32
      %add3A_400 = arith.addi %mul3A_227, %add3A_399 : i32
      %add3A_401 = arith.constant 1 : i32
      %add3A_402 = arith.addi %add3A_400, %add3A_401 : i32
      %mul3A_403 = arith.constant 40 : i32
      %mul3A_404 = arith.muli %add3A_402, %mul3A_403 : i32
      %dma_start3A_405 = arith.constant 1 : i32
      %dma_start3A_406 = arith.constant 0 : i32
      %dma_start3A_407 = arith.constant 0 : i32
      %dma_start3A_408 = tpu.memref_slice %arg9[%dma_start3A_405, %dma_start3A_406, %dma_start3A_407] : memref<5x40x128xf32, #tpu.memory_space<vmem>> -> memref<1x40x128xf32, #tpu.memory_space<vmem>>
      %dma_start3A_409 = tpu.memref_squeeze %dma_start3A_408 : memref<1x40x128xf32, #tpu.memory_space<vmem>> -> memref<40x128xf32, #tpu.memory_space<vmem>>
      %dma_start3A_410 = tpu.memref_slice %arg7[%mul3A_404] : memref<10000xi32, #tpu.memory_space<vmem>> -> memref<40xi32, #tpu.memory_space<vmem>>
      %dma_start3A_411 = arith.constant 0 : i32
      %dma_start3A_412 = arith.constant 0 : i32
      %dma_start3A_413 = tpu.memref_slice %arg2[%dma_start3A_411, %dma_start3A_412] : memref<10000x128xf32, #tpu.memory_space<hbm>> -> memref<10000x128xf32, #tpu.memory_space<hbm>>
      tpu.enqueue_indirect_dma source(%dma_start3A_413 : memref<10000x128xf32, #tpu.memory_space<hbm>>) target(%dma_start3A_409 : memref<40x128xf32, #tpu.memory_space<vmem>>) offsets(%dma_start3A_410 : memref<40xi32, #tpu.memory_space<vmem>>) semaphore(%arg13 : memref<!tpu.dma_semaphore, #tpu.memory_space<semaphore_mem>>)
      %add3A_414 = arith.constant 2 : i32
      %add3A_415 = arith.addi %mul3A_227, %add3A_414 : i32
      %mul3A_416 = arith.constant 40 : i32
      %mul3A_417 = arith.muli %add3A_415, %mul3A_416 : i32
      %dma_wait3A_418 = arith.constant 2 : i32
      %dma_wait3A_419 = arith.constant 0 : i32
      %dma_wait3A_420 = arith.constant 0 : i32
      %dma_wait3A_421 = tpu.memref_slice %arg9[%dma_wait3A_418, %dma_wait3A_419, %dma_wait3A_420] : memref<5x40x128xf32, #tpu.memory_space<vmem>> -> memref<1x40x128xf32, #tpu.memory_space<vmem>>
      %dma_wait3A_422 = tpu.memref_squeeze %dma_wait3A_421 : memref<1x40x128xf32, #tpu.memory_space<vmem>> -> memref<40x128xf32, #tpu.memory_space<vmem>>
      %dma_wait3A_423 = tpu.memref_slice %arg8[%mul3A_417] : memref<10000xi32, #tpu.memory_space<vmem>> -> memref<40xi32, #tpu.memory_space<vmem>>
      %dma_wait3A_424 = arith.constant 0 : i32
      %dma_wait3A_425 = arith.constant 0 : i32
      %dma_wait3A_426 = tpu.memref_slice %arg11[%dma_wait3A_424, %dma_wait3A_425] : memref<10240x128xf32, #tpu.memory_space<vmem_shared>> -> memref<10240x128xf32, #tpu.memory_space<vmem_shared>>
      tpu.wait_indirect_dma semaphore(%arg19 : memref<!tpu.dma_semaphore, #tpu.memory_space<semaphore_mem>>) src(%dma_wait3A_422 : memref<40x128xf32, #tpu.memory_space<vmem>>) dst(%dma_wait3A_426 : memref<10240x128xf32, #tpu.memory_space<vmem_shared>>)
      %add3A_427 = arith.constant 5 : i32
      %add3A_428 = arith.addi %mul3A_227, %add3A_427 : i32
      %add3A_429 = arith.constant 2 : i32
      %add3A_430 = arith.addi %add3A_428, %add3A_429 : i32
      %mul3A_431 = arith.constant 40 : i32
      %mul3A_432 = arith.muli %add3A_430, %mul3A_431 : i32
      %dma_start3A_433 = arith.constant 2 : i32
      %dma_start3A_434 = arith.constant 0 : i32
      %dma_start3A_435 = arith.constant 0 : i32
      %dma_start3A_436 = tpu.memref_slice %arg9[%dma_start3A_433, %dma_start3A_434, %dma_start3A_435] : memref<5x40x128xf32, #tpu.memory_space<vmem>> -> memref<1x40x128xf32, #tpu.memory_space<vmem>>
      %dma_start3A_437 = tpu.memref_squeeze %dma_start3A_436 : memref<1x40x128xf32, #tpu.memory_space<vmem>> -> memref<40x128xf32, #tpu.memory_space<vmem>>
      %dma_start3A_438 = tpu.memref_slice %arg7[%mul3A_432] : memref<10000xi32, #tpu.memory_space<vmem>> -> memref<40xi32, #tpu.memory_space<vmem>>
      %dma_start3A_439 = arith.constant 0 : i32
      %dma_start3A_440 = arith.constant 0 : i32
      %dma_start3A_441 = tpu.memref_slice %arg2[%dma_start3A_439, %dma_start3A_440] : memref<10000x128xf32, #tpu.memory_space<hbm>> -> memref<10000x128xf32, #tpu.memory_space<hbm>>
      tpu.enqueue_indirect_dma source(%dma_start3A_441 : memref<10000x128xf32, #tpu.memory_space<hbm>>) target(%dma_start3A_437 : memref<40x128xf32, #tpu.memory_space<vmem>>) offsets(%dma_start3A_438 : memref<40xi32, #tpu.memory_space<vmem>>) semaphore(%arg14 : memref<!tpu.dma_semaphore, #tpu.memory_space<semaphore_mem>>)
      %add3A_442 = arith.constant 3 : i32
      %add3A_443 = arith.addi %mul3A_227, %add3A_442 : i32
      %mul3A_444 = arith.constant 40 : i32
      %mul3A_445 = arith.muli %add3A_443, %mul3A_444 : i32
      %dma_wait3A_446 = arith.constant 3 : i32
      %dma_wait3A_447 = arith.constant 0 : i32
      %dma_wait3A_448 = arith.constant 0 : i32
      %dma_wait3A_449 = tpu.memref_slice %arg9[%dma_wait3A_446, %dma_wait3A_447, %dma_wait3A_448] : memref<5x40x128xf32, #tpu.memory_space<vmem>> -> memref<1x40x128xf32, #tpu.memory_space<vmem>>
      %dma_wait3A_450 = tpu.memref_squeeze %dma_wait3A_449 : memref<1x40x128xf32, #tpu.memory_space<vmem>> -> memref<40x128xf32, #tpu.memory_space<vmem>>
      %dma_wait3A_451 = tpu.memref_slice %arg8[%mul3A_445] : memref<10000xi32, #tpu.memory_space<vmem>> -> memref<40xi32, #tpu.memory_space<vmem>>
      %dma_wait3A_452 = arith.constant 0 : i32
      %dma_wait3A_453 = arith.constant 0 : i32
      %dma_wait3A_454 = tpu.memref_slice %arg11[%dma_wait3A_452, %dma_wait3A_453] : memref<10240x128xf32, #tpu.memory_space<vmem_shared>> -> memref<10240x128xf32, #tpu.memory_space<vmem_shared>>
      tpu.wait_indirect_dma semaphore(%arg20 : memref<!tpu.dma_semaphore, #tpu.memory_space<semaphore_mem>>) src(%dma_wait3A_450 : memref<40x128xf32, #tpu.memory_space<vmem>>) dst(%dma_wait3A_454 : memref<10240x128xf32, #tpu.memory_space<vmem_shared>>)
      %add3A_455 = arith.constant 5 : i32
      %add3A_456 = arith.addi %mul3A_227, %add3A_455 : i32
      %add3A_457 = arith.constant 3 : i32
      %add3A_458 = arith.addi %add3A_456, %add3A_457 : i32
      %mul3A_459 = arith.constant 40 : i32
      %mul3A_460 = arith.muli %add3A_458, %mul3A_459 : i32
      %dma_start3A_461 = arith.constant 3 : i32
      %dma_start3A_462 = arith.constant 0 : i32
      %dma_start3A_463 = arith.constant 0 : i32
      %dma_start3A_464 = tpu.memref_slice %arg9[%dma_start3A_461, %dma_start3A_462, %dma_start3A_463] : memref<5x40x128xf32, #tpu.memory_space<vmem>> -> memref<1x40x128xf32, #tpu.memory_space<vmem>>
      %dma_start3A_465 = tpu.memref_squeeze %dma_start3A_464 : memref<1x40x128xf32, #tpu.memory_space<vmem>> -> memref<40x128xf32, #tpu.memory_space<vmem>>
      %dma_start3A_466 = tpu.memref_slice %arg7[%mul3A_460] : memref<10000xi32, #tpu.memory_space<vmem>> -> memref<40xi32, #tpu.memory_space<vmem>>
      %dma_start3A_467 = arith.constant 0 : i32
      %dma_start3A_468 = arith.constant 0 : i32
      %dma_start3A_469 = tpu.memref_slice %arg2[%dma_start3A_467, %dma_start3A_468] : memref<10000x128xf32, #tpu.memory_space<hbm>> -> memref<10000x128xf32, #tpu.memory_space<hbm>>
      tpu.enqueue_indirect_dma source(%dma_start3A_469 : memref<10000x128xf32, #tpu.memory_space<hbm>>) target(%dma_start3A_465 : memref<40x128xf32, #tpu.memory_space<vmem>>) offsets(%dma_start3A_466 : memref<40xi32, #tpu.memory_space<vmem>>) semaphore(%arg15 : memref<!tpu.dma_semaphore, #tpu.memory_space<semaphore_mem>>)
      %add3A_470 = arith.constant 4 : i32
      %add3A_471 = arith.addi %mul3A_227, %add3A_470 : i32
      %mul3A_472 = arith.constant 40 : i32
      %mul3A_473 = arith.muli %add3A_471, %mul3A_472 : i32
      %dma_wait3A_474 = arith.constant 4 : i32
      %dma_wait3A_475 = arith.constant 0 : i32
      %dma_wait3A_476 = arith.constant 0 : i32
      %dma_wait3A_477 = tpu.memref_slice %arg9[%dma_wait3A_474, %dma_wait3A_475, %dma_wait3A_476] : memref<5x40x128xf32, #tpu.memory_space<vmem>> -> memref<1x40x128xf32, #tpu.memory_space<vmem>>
      %dma_wait3A_478 = tpu.memref_squeeze %dma_wait3A_477 : memref<1x40x128xf32, #tpu.memory_space<vmem>> -> memref<40x128xf32, #tpu.memory_space<vmem>>
      %dma_wait3A_479 = tpu.memref_slice %arg8[%mul3A_473] : memref<10000xi32, #tpu.memory_space<vmem>> -> memref<40xi32, #tpu.memory_space<vmem>>
      %dma_wait3A_480 = arith.constant 0 : i32
      %dma_wait3A_481 = arith.constant 0 : i32
      %dma_wait3A_482 = tpu.memref_slice %arg11[%dma_wait3A_480, %dma_wait3A_481] : memref<10240x128xf32, #tpu.memory_space<vmem_shared>> -> memref<10240x128xf32, #tpu.memory_space<vmem_shared>>
      tpu.wait_indirect_dma semaphore(%arg21 : memref<!tpu.dma_semaphore, #tpu.memory_space<semaphore_mem>>) src(%dma_wait3A_478 : memref<40x128xf32, #tpu.memory_space<vmem>>) dst(%dma_wait3A_482 : memref<10240x128xf32, #tpu.memory_space<vmem_shared>>)
      %add3A_483 = arith.constant 5 : i32
      %add3A_484 = arith.addi %mul3A_227, %add3A_483 : i32
      %add3A_485 = arith.constant 4 : i32
      %add3A_486 = arith.addi %add3A_484, %add3A_485 : i32
      %mul3A_487 = arith.constant 40 : i32
      %mul3A_488 = arith.muli %add3A_486, %mul3A_487 : i32
      %dma_start3A_489 = arith.constant 4 : i32
      %dma_start3A_490 = arith.constant 0 : i32
      %dma_start3A_491 = arith.constant 0 : i32
      %dma_start3A_492 = tpu.memref_slice %arg9[%dma_start3A_489, %dma_start3A_490, %dma_start3A_491] : memref<5x40x128xf32, #tpu.memory_space<vmem>> -> memref<1x40x128xf32, #tpu.memory_space<vmem>>
      %dma_start3A_493 = tpu.memref_squeeze %dma_start3A_492 : memref<1x40x128xf32, #tpu.memory_space<vmem>> -> memref<40x128xf32, #tpu.memory_space<vmem>>
      %dma_start3A_494 = tpu.memref_slice %arg7[%mul3A_488] : memref<10000xi32, #tpu.memory_space<vmem>> -> memref<40xi32, #tpu.memory_space<vmem>>
      %dma_start3A_495 = arith.constant 0 : i32
      %dma_start3A_496 = arith.constant 0 : i32
      %dma_start3A_497 = tpu.memref_slice %arg2[%dma_start3A_495, %dma_start3A_496] : memref<10000x128xf32, #tpu.memory_space<hbm>> -> memref<10000x128xf32, #tpu.memory_space<hbm>>
      tpu.enqueue_indirect_dma source(%dma_start3A_497 : memref<10000x128xf32, #tpu.memory_space<hbm>>) target(%dma_start3A_493 : memref<40x128xf32, #tpu.memory_space<vmem>>) offsets(%dma_start3A_494 : memref<40xi32, #tpu.memory_space<vmem>>) semaphore(%arg16 : memref<!tpu.dma_semaphore, #tpu.memory_space<semaphore_mem>>)
    }
    %scan3A_69 = arith.constant 49 : i32
    %dma_wait3A_70 = arith.constant 0 : i32
    %dma_wait3A_71 = arith.constant 0 : i32
    %dma_wait3A_72 = arith.constant 0 : i32
    %dma_wait3A_73 = tpu.memref_slice %arg9[%dma_wait3A_70, %dma_wait3A_71, %dma_wait3A_72] : memref<5x40x128xf32, #tpu.memory_space<vmem>> -> memref<1x40x128xf32, #tpu.memory_space<vmem>>
    %dma_wait3A_74 = tpu.memref_squeeze %dma_wait3A_73 : memref<1x40x128xf32, #tpu.memory_space<vmem>> -> memref<40x128xf32, #tpu.memory_space<vmem>>
    %dma_wait3A_75 = arith.constant 9800 : i32
    %dma_wait3A_76 = tpu.memref_slice %arg7[%dma_wait3A_75] : memref<10000xi32, #tpu.memory_space<vmem>> -> memref<40xi32, #tpu.memory_space<vmem>>
    %dma_wait3A_77 = arith.constant 0 : i32
    %dma_wait3A_78 = arith.constant 0 : i32
    %dma_wait3A_79 = tpu.memref_slice %arg2[%dma_wait3A_77, %dma_wait3A_78] : memref<10000x128xf32, #tpu.memory_space<hbm>> -> memref<10000x128xf32, #tpu.memory_space<hbm>>
    tpu.wait_indirect_dma semaphore(%arg12 : memref<!tpu.dma_semaphore, #tpu.memory_space<semaphore_mem>>) src(%dma_wait3A_79 : memref<10000x128xf32, #tpu.memory_space<hbm>>) dst(%dma_wait3A_74 : memref<40x128xf32, #tpu.memory_space<vmem>>)
    %dma_start3A_80 = arith.constant 0 : i32
    %dma_start3A_81 = arith.constant 0 : i32
    %dma_start3A_82 = arith.constant 0 : i32
    %dma_start3A_83 = tpu.memref_slice %arg9[%dma_start3A_80, %dma_start3A_81, %dma_start3A_82] : memref<5x40x128xf32, #tpu.memory_space<vmem>> -> memref<1x40x128xf32, #tpu.memory_space<vmem>>
    %dma_start3A_84 = tpu.memref_squeeze %dma_start3A_83 : memref<1x40x128xf32, #tpu.memory_space<vmem>> -> memref<40x128xf32, #tpu.memory_space<vmem>>
    %dma_start3A_85 = arith.constant 9800 : i32
    %dma_start3A_86 = tpu.memref_slice %arg8[%dma_start3A_85] : memref<10000xi32, #tpu.memory_space<vmem>> -> memref<40xi32, #tpu.memory_space<vmem>>
    %dma_start3A_87 = arith.constant 0 : i32
    %dma_start3A_88 = arith.constant 0 : i32
    %dma_start3A_89 = tpu.memref_slice %arg11[%dma_start3A_87, %dma_start3A_88] : memref<10240x128xf32, #tpu.memory_space<vmem_shared>> -> memref<10240x128xf32, #tpu.memory_space<vmem_shared>>
    tpu.enqueue_indirect_dma source(%dma_start3A_84 : memref<40x128xf32, #tpu.memory_space<vmem>>) target(%dma_start3A_89 : memref<10240x128xf32, #tpu.memory_space<vmem_shared>>) offsets(%dma_start3A_86 : memref<40xi32, #tpu.memory_space<vmem>>) semaphore(%arg17 : memref<!tpu.dma_semaphore, #tpu.memory_space<semaphore_mem>>) {add = true}
    %dma_wait3A_90 = arith.constant 1 : i32
    %dma_wait3A_91 = arith.constant 0 : i32
    %dma_wait3A_92 = arith.constant 0 : i32
    %dma_wait3A_93 = tpu.memref_slice %arg9[%dma_wait3A_90, %dma_wait3A_91, %dma_wait3A_92] : memref<5x40x128xf32, #tpu.memory_space<vmem>> -> memref<1x40x128xf32, #tpu.memory_space<vmem>>
    %dma_wait3A_94 = tpu.memref_squeeze %dma_wait3A_93 : memref<1x40x128xf32, #tpu.memory_space<vmem>> -> memref<40x128xf32, #tpu.memory_space<vmem>>
    %dma_wait3A_95 = arith.constant 9840 : i32
    %dma_wait3A_96 = tpu.memref_slice %arg7[%dma_wait3A_95] : memref<10000xi32, #tpu.memory_space<vmem>> -> memref<40xi32, #tpu.memory_space<vmem>>
    %dma_wait3A_97 = arith.constant 0 : i32
    %dma_wait3A_98 = arith.constant 0 : i32
    %dma_wait3A_99 = tpu.memref_slice %arg2[%dma_wait3A_97, %dma_wait3A_98] : memref<10000x128xf32, #tpu.memory_space<hbm>> -> memref<10000x128xf32, #tpu.memory_space<hbm>>
    tpu.wait_indirect_dma semaphore(%arg13 : memref<!tpu.dma_semaphore, #tpu.memory_space<semaphore_mem>>) src(%dma_wait3A_99 : memref<10000x128xf32, #tpu.memory_space<hbm>>) dst(%dma_wait3A_94 : memref<40x128xf32, #tpu.memory_space<vmem>>)
    %dma_start3A_100 = arith.constant 1 : i32
    %dma_start3A_101 = arith.constant 0 : i32
    %dma_start3A_102 = arith.constant 0 : i32
    %dma_start3A_103 = tpu.memref_slice %arg9[%dma_start3A_100, %dma_start3A_101, %dma_start3A_102] : memref<5x40x128xf32, #tpu.memory_space<vmem>> -> memref<1x40x128xf32, #tpu.memory_space<vmem>>
    %dma_start3A_104 = tpu.memref_squeeze %dma_start3A_103 : memref<1x40x128xf32, #tpu.memory_space<vmem>> -> memref<40x128xf32, #tpu.memory_space<vmem>>
    %dma_start3A_105 = arith.constant 9840 : i32
    %dma_start3A_106 = tpu.memref_slice %arg8[%dma_start3A_105] : memref<10000xi32, #tpu.memory_space<vmem>> -> memref<40xi32, #tpu.memory_space<vmem>>
    %dma_start3A_107 = arith.constant 0 : i32
    %dma_start3A_108 = arith.constant 0 : i32
    %dma_start3A_109 = tpu.memref_slice %arg11[%dma_start3A_107, %dma_start3A_108] : memref<10240x128xf32, #tpu.memory_space<vmem_shared>> -> memref<10240x128xf32, #tpu.memory_space<vmem_shared>>
    tpu.enqueue_indirect_dma source(%dma_start3A_104 : memref<40x128xf32, #tpu.memory_space<vmem>>) target(%dma_start3A_109 : memref<10240x128xf32, #tpu.memory_space<vmem_shared>>) offsets(%dma_start3A_106 : memref<40xi32, #tpu.memory_space<vmem>>) semaphore(%arg18 : memref<!tpu.dma_semaphore, #tpu.memory_space<semaphore_mem>>) {add = true}
    %dma_wait3A_110 = arith.constant 2 : i32
    %dma_wait3A_111 = arith.constant 0 : i32
    %dma_wait3A_112 = arith.constant 0 : i32
    %dma_wait3A_113 = tpu.memref_slice %arg9[%dma_wait3A_110, %dma_wait3A_111, %dma_wait3A_112] : memref<5x40x128xf32, #tpu.memory_space<vmem>> -> memref<1x40x128xf32, #tpu.memory_space<vmem>>
    %dma_wait3A_114 = tpu.memref_squeeze %dma_wait3A_113 : memref<1x40x128xf32, #tpu.memory_space<vmem>> -> memref<40x128xf32, #tpu.memory_space<vmem>>
    %dma_wait3A_115 = arith.constant 9880 : i32
    %dma_wait3A_116 = tpu.memref_slice %arg7[%dma_wait3A_115] : memref<10000xi32, #tpu.memory_space<vmem>> -> memref<40xi32, #tpu.memory_space<vmem>>
    %dma_wait3A_117 = arith.constant 0 : i32
    %dma_wait3A_118 = arith.constant 0 : i32
    %dma_wait3A_119 = tpu.memref_slice %arg2[%dma_wait3A_117, %dma_wait3A_118] : memref<10000x128xf32, #tpu.memory_space<hbm>> -> memref<10000x128xf32, #tpu.memory_space<hbm>>
    tpu.wait_indirect_dma semaphore(%arg14 : memref<!tpu.dma_semaphore, #tpu.memory_space<semaphore_mem>>) src(%dma_wait3A_119 : memref<10000x128xf32, #tpu.memory_space<hbm>>) dst(%dma_wait3A_114 : memref<40x128xf32, #tpu.memory_space<vmem>>)
    %dma_start3A_120 = arith.constant 2 : i32
    %dma_start3A_121 = arith.constant 0 : i32
    %dma_start3A_122 = arith.constant 0 : i32
    %dma_start3A_123 = tpu.memref_slice %arg9[%dma_start3A_120, %dma_start3A_121, %dma_start3A_122] : memref<5x40x128xf32, #tpu.memory_space<vmem>> -> memref<1x40x128xf32, #tpu.memory_space<vmem>>
    %dma_start3A_124 = tpu.memref_squeeze %dma_start3A_123 : memref<1x40x128xf32, #tpu.memory_space<vmem>> -> memref<40x128xf32, #tpu.memory_space<vmem>>
    %dma_start3A_125 = arith.constant 9880 : i32
    %dma_start3A_126 = tpu.memref_slice %arg8[%dma_start3A_125] : memref<10000xi32, #tpu.memory_space<vmem>> -> memref<40xi32, #tpu.memory_space<vmem>>
    %dma_start3A_127 = arith.constant 0 : i32
    %dma_start3A_128 = arith.constant 0 : i32
    %dma_start3A_129 = tpu.memref_slice %arg11[%dma_start3A_127, %dma_start3A_128] : memref<10240x128xf32, #tpu.memory_space<vmem_shared>> -> memref<10240x128xf32, #tpu.memory_space<vmem_shared>>
    tpu.enqueue_indirect_dma source(%dma_start3A_124 : memref<40x128xf32, #tpu.memory_space<vmem>>) target(%dma_start3A_129 : memref<10240x128xf32, #tpu.memory_space<vmem_shared>>) offsets(%dma_start3A_126 : memref<40xi32, #tpu.memory_space<vmem>>) semaphore(%arg19 : memref<!tpu.dma_semaphore, #tpu.memory_space<semaphore_mem>>) {add = true}
    %dma_wait3A_130 = arith.constant 3 : i32
    %dma_wait3A_131 = arith.constant 0 : i32
    %dma_wait3A_132 = arith.constant 0 : i32
    %dma_wait3A_133 = tpu.memref_slice %arg9[%dma_wait3A_130, %dma_wait3A_131, %dma_wait3A_132] : memref<5x40x128xf32, #tpu.memory_space<vmem>> -> memref<1x40x128xf32, #tpu.memory_space<vmem>>
    %dma_wait3A_134 = tpu.memref_squeeze %dma_wait3A_133 : memref<1x40x128xf32, #tpu.memory_space<vmem>> -> memref<40x128xf32, #tpu.memory_space<vmem>>
    %dma_wait3A_135 = arith.constant 9920 : i32
    %dma_wait3A_136 = tpu.memref_slice %arg7[%dma_wait3A_135] : memref<10000xi32, #tpu.memory_space<vmem>> -> memref<40xi32, #tpu.memory_space<vmem>>
    %dma_wait3A_137 = arith.constant 0 : i32
    %dma_wait3A_138 = arith.constant 0 : i32
    %dma_wait3A_139 = tpu.memref_slice %arg2[%dma_wait3A_137, %dma_wait3A_138] : memref<10000x128xf32, #tpu.memory_space<hbm>> -> memref<10000x128xf32, #tpu.memory_space<hbm>>
    tpu.wait_indirect_dma semaphore(%arg15 : memref<!tpu.dma_semaphore, #tpu.memory_space<semaphore_mem>>) src(%dma_wait3A_139 : memref<10000x128xf32, #tpu.memory_space<hbm>>) dst(%dma_wait3A_134 : memref<40x128xf32, #tpu.memory_space<vmem>>)
    %dma_start3A_140 = arith.constant 3 : i32
    %dma_start3A_141 = arith.constant 0 : i32
    %dma_start3A_142 = arith.constant 0 : i32
    %dma_start3A_143 = tpu.memref_slice %arg9[%dma_start3A_140, %dma_start3A_141, %dma_start3A_142] : memref<5x40x128xf32, #tpu.memory_space<vmem>> -> memref<1x40x128xf32, #tpu.memory_space<vmem>>
    %dma_start3A_144 = tpu.memref_squeeze %dma_start3A_143 : memref<1x40x128xf32, #tpu.memory_space<vmem>> -> memref<40x128xf32, #tpu.memory_space<vmem>>
    %dma_start3A_145 = arith.constant 9920 : i32
    %dma_start3A_146 = tpu.memref_slice %arg8[%dma_start3A_145] : memref<10000xi32, #tpu.memory_space<vmem>> -> memref<40xi32, #tpu.memory_space<vmem>>
    %dma_start3A_147 = arith.constant 0 : i32
    %dma_start3A_148 = arith.constant 0 : i32
    %dma_start3A_149 = tpu.memref_slice %arg11[%dma_start3A_147, %dma_start3A_148] : memref<10240x128xf32, #tpu.memory_space<vmem_shared>> -> memref<10240x128xf32, #tpu.memory_space<vmem_shared>>
    tpu.enqueue_indirect_dma source(%dma_start3A_144 : memref<40x128xf32, #tpu.memory_space<vmem>>) target(%dma_start3A_149 : memref<10240x128xf32, #tpu.memory_space<vmem_shared>>) offsets(%dma_start3A_146 : memref<40xi32, #tpu.memory_space<vmem>>) semaphore(%arg20 : memref<!tpu.dma_semaphore, #tpu.memory_space<semaphore_mem>>) {add = true}
    %dma_wait3A_150 = arith.constant 4 : i32
    %dma_wait3A_151 = arith.constant 0 : i32
    %dma_wait3A_152 = arith.constant 0 : i32
    %dma_wait3A_153 = tpu.memref_slice %arg9[%dma_wait3A_150, %dma_wait3A_151, %dma_wait3A_152] : memref<5x40x128xf32, #tpu.memory_space<vmem>> -> memref<1x40x128xf32, #tpu.memory_space<vmem>>
    %dma_wait3A_154 = tpu.memref_squeeze %dma_wait3A_153 : memref<1x40x128xf32, #tpu.memory_space<vmem>> -> memref<40x128xf32, #tpu.memory_space<vmem>>
    %dma_wait3A_155 = arith.constant 9960 : i32
    %dma_wait3A_156 = tpu.memref_slice %arg7[%dma_wait3A_155] : memref<10000xi32, #tpu.memory_space<vmem>> -> memref<40xi32, #tpu.memory_space<vmem>>
    %dma_wait3A_157 = arith.constant 0 : i32
    %dma_wait3A_158 = arith.constant 0 : i32
    %dma_wait3A_159 = tpu.memref_slice %arg2[%dma_wait3A_157, %dma_wait3A_158] : memref<10000x128xf32, #tpu.memory_space<hbm>> -> memref<10000x128xf32, #tpu.memory_space<hbm>>
    tpu.wait_indirect_dma semaphore(%arg16 : memref<!tpu.dma_semaphore, #tpu.memory_space<semaphore_mem>>) src(%dma_wait3A_159 : memref<10000x128xf32, #tpu.memory_space<hbm>>) dst(%dma_wait3A_154 : memref<40x128xf32, #tpu.memory_space<vmem>>)
    %dma_start3A_160 = arith.constant 4 : i32
    %dma_start3A_161 = arith.constant 0 : i32
    %dma_start3A_162 = arith.constant 0 : i32
    %dma_start3A_163 = tpu.memref_slice %arg9[%dma_start3A_160, %dma_start3A_161, %dma_start3A_162] : memref<5x40x128xf32, #tpu.memory_space<vmem>> -> memref<1x40x128xf32, #tpu.memory_space<vmem>>
    %dma_start3A_164 = tpu.memref_squeeze %dma_start3A_163 : memref<1x40x128xf32, #tpu.memory_space<vmem>> -> memref<40x128xf32, #tpu.memory_space<vmem>>
    %dma_start3A_165 = arith.constant 9960 : i32
    %dma_start3A_166 = tpu.memref_slice %arg8[%dma_start3A_165] : memref<10000xi32, #tpu.memory_space<vmem>> -> memref<40xi32, #tpu.memory_space<vmem>>
    %dma_start3A_167 = arith.constant 0 : i32
    %dma_start3A_168 = arith.constant 0 : i32
    %dma_start3A_169 = tpu.memref_slice %arg11[%dma_start3A_167, %dma_start3A_168] : memref<10240x128xf32, #tpu.memory_space<vmem_shared>> -> memref<10240x128xf32, #tpu.memory_space<vmem_shared>>
    tpu.enqueue_indirect_dma source(%dma_start3A_164 : memref<40x128xf32, #tpu.memory_space<vmem>>) target(%dma_start3A_169 : memref<10240x128xf32, #tpu.memory_space<vmem_shared>>) offsets(%dma_start3A_166 : memref<40xi32, #tpu.memory_space<vmem>>) semaphore(%arg21 : memref<!tpu.dma_semaphore, #tpu.memory_space<semaphore_mem>>) {add = true}
    %dma_wait3A_170 = arith.constant 0 : i32
    %dma_wait3A_171 = arith.constant 0 : i32
    %dma_wait3A_172 = arith.constant 0 : i32
    %dma_wait3A_173 = tpu.memref_slice %arg9[%dma_wait3A_170, %dma_wait3A_171, %dma_wait3A_172] : memref<5x40x128xf32, #tpu.memory_space<vmem>> -> memref<1x40x128xf32, #tpu.memory_space<vmem>>
    %dma_wait3A_174 = tpu.memref_squeeze %dma_wait3A_173 : memref<1x40x128xf32, #tpu.memory_space<vmem>> -> memref<40x128xf32, #tpu.memory_space<vmem>>
    %dma_wait3A_175 = arith.constant 9800 : i32
    %dma_wait3A_176 = tpu.memref_slice %arg8[%dma_wait3A_175] : memref<10000xi32, #tpu.memory_space<vmem>> -> memref<40xi32, #tpu.memory_space<vmem>>
    %dma_wait3A_177 = arith.constant 0 : i32
    %dma_wait3A_178 = arith.constant 0 : i32
    %dma_wait3A_179 = tpu.memref_slice %arg11[%dma_wait3A_177, %dma_wait3A_178] : memref<10240x128xf32, #tpu.memory_space<vmem_shared>> -> memref<10240x128xf32, #tpu.memory_space<vmem_shared>>
    tpu.wait_indirect_dma semaphore(%arg17 : memref<!tpu.dma_semaphore, #tpu.memory_space<semaphore_mem>>) src(%dma_wait3A_174 : memref<40x128xf32, #tpu.memory_space<vmem>>) dst(%dma_wait3A_179 : memref<10240x128xf32, #tpu.memory_space<vmem_shared>>)
    %dma_wait3A_180 = arith.constant 1 : i32
    %dma_wait3A_181 = arith.constant 0 : i32
    %dma_wait3A_182 = arith.constant 0 : i32
    %dma_wait3A_183 = tpu.memref_slice %arg9[%dma_wait3A_180, %dma_wait3A_181, %dma_wait3A_182] : memref<5x40x128xf32, #tpu.memory_space<vmem>> -> memref<1x40x128xf32, #tpu.memory_space<vmem>>
    %dma_wait3A_184 = tpu.memref_squeeze %dma_wait3A_183 : memref<1x40x128xf32, #tpu.memory_space<vmem>> -> memref<40x128xf32, #tpu.memory_space<vmem>>
    %dma_wait3A_185 = arith.constant 9840 : i32
    %dma_wait3A_186 = tpu.memref_slice %arg8[%dma_wait3A_185] : memref<10000xi32, #tpu.memory_space<vmem>> -> memref<40xi32, #tpu.memory_space<vmem>>
    %dma_wait3A_187 = arith.constant 0 : i32
    %dma_wait3A_188 = arith.constant 0 : i32
    %dma_wait3A_189 = tpu.memref_slice %arg11[%dma_wait3A_187, %dma_wait3A_188] : memref<10240x128xf32, #tpu.memory_space<vmem_shared>> -> memref<10240x128xf32, #tpu.memory_space<vmem_shared>>
    tpu.wait_indirect_dma semaphore(%arg18 : memref<!tpu.dma_semaphore, #tpu.memory_space<semaphore_mem>>) src(%dma_wait3A_184 : memref<40x128xf32, #tpu.memory_space<vmem>>) dst(%dma_wait3A_189 : memref<10240x128xf32, #tpu.memory_space<vmem_shared>>)
    %dma_wait3A_190 = arith.constant 2 : i32
    %dma_wait3A_191 = arith.constant 0 : i32
    %dma_wait3A_192 = arith.constant 0 : i32
    %dma_wait3A_193 = tpu.memref_slice %arg9[%dma_wait3A_190, %dma_wait3A_191, %dma_wait3A_192] : memref<5x40x128xf32, #tpu.memory_space<vmem>> -> memref<1x40x128xf32, #tpu.memory_space<vmem>>
    %dma_wait3A_194 = tpu.memref_squeeze %dma_wait3A_193 : memref<1x40x128xf32, #tpu.memory_space<vmem>> -> memref<40x128xf32, #tpu.memory_space<vmem>>
    %dma_wait3A_195 = arith.constant 9880 : i32
    %dma_wait3A_196 = tpu.memref_slice %arg8[%dma_wait3A_195] : memref<10000xi32, #tpu.memory_space<vmem>> -> memref<40xi32, #tpu.memory_space<vmem>>
    %dma_wait3A_197 = arith.constant 0 : i32
    %dma_wait3A_198 = arith.constant 0 : i32
    %dma_wait3A_199 = tpu.memref_slice %arg11[%dma_wait3A_197, %dma_wait3A_198] : memref<10240x128xf32, #tpu.memory_space<vmem_shared>> -> memref<10240x128xf32, #tpu.memory_space<vmem_shared>>
    tpu.wait_indirect_dma semaphore(%arg19 : memref<!tpu.dma_semaphore, #tpu.memory_space<semaphore_mem>>) src(%dma_wait3A_194 : memref<40x128xf32, #tpu.memory_space<vmem>>) dst(%dma_wait3A_199 : memref<10240x128xf32, #tpu.memory_space<vmem_shared>>)
    %dma_wait3A_200 = arith.constant 3 : i32
    %dma_wait3A_201 = arith.constant 0 : i32
    %dma_wait3A_202 = arith.constant 0 : i32
    %dma_wait3A_203 = tpu.memref_slice %arg9[%dma_wait3A_200, %dma_wait3A_201, %dma_wait3A_202] : memref<5x40x128xf32, #tpu.memory_space<vmem>> -> memref<1x40x128xf32, #tpu.memory_space<vmem>>
    %dma_wait3A_204 = tpu.memref_squeeze %dma_wait3A_203 : memref<1x40x128xf32, #tpu.memory_space<vmem>> -> memref<40x128xf32, #tpu.memory_space<vmem>>
    %dma_wait3A_205 = arith.constant 9920 : i32
    %dma_wait3A_206 = tpu.memref_slice %arg8[%dma_wait3A_205] : memref<10000xi32, #tpu.memory_space<vmem>> -> memref<40xi32, #tpu.memory_space<vmem>>
    %dma_wait3A_207 = arith.constant 0 : i32
    %dma_wait3A_208 = arith.constant 0 : i32
    %dma_wait3A_209 = tpu.memref_slice %arg11[%dma_wait3A_207, %dma_wait3A_208] : memref<10240x128xf32, #tpu.memory_space<vmem_shared>> -> memref<10240x128xf32, #tpu.memory_space<vmem_shared>>
    tpu.wait_indirect_dma semaphore(%arg20 : memref<!tpu.dma_semaphore, #tpu.memory_space<semaphore_mem>>) src(%dma_wait3A_204 : memref<40x128xf32, #tpu.memory_space<vmem>>) dst(%dma_wait3A_209 : memref<10240x128xf32, #tpu.memory_space<vmem_shared>>)
    %dma_wait3A_210 = arith.constant 4 : i32
    %dma_wait3A_211 = arith.constant 0 : i32
    %dma_wait3A_212 = arith.constant 0 : i32
    %dma_wait3A_213 = tpu.memref_slice %arg9[%dma_wait3A_210, %dma_wait3A_211, %dma_wait3A_212] : memref<5x40x128xf32, #tpu.memory_space<vmem>> -> memref<1x40x128xf32, #tpu.memory_space<vmem>>
    %dma_wait3A_214 = tpu.memref_squeeze %dma_wait3A_213 : memref<1x40x128xf32, #tpu.memory_space<vmem>> -> memref<40x128xf32, #tpu.memory_space<vmem>>
    %dma_wait3A_215 = arith.constant 9960 : i32
    %dma_wait3A_216 = tpu.memref_slice %arg8[%dma_wait3A_215] : memref<10000xi32, #tpu.memory_space<vmem>> -> memref<40xi32, #tpu.memory_space<vmem>>
    %dma_wait3A_217 = arith.constant 0 : i32
    %dma_wait3A_218 = arith.constant 0 : i32
    %dma_wait3A_219 = tpu.memref_slice %arg11[%dma_wait3A_217, %dma_wait3A_218] : memref<10240x128xf32, #tpu.memory_space<vmem_shared>> -> memref<10240x128xf32, #tpu.memory_space<vmem_shared>>
    tpu.wait_indirect_dma semaphore(%arg21 : memref<!tpu.dma_semaphore, #tpu.memory_space<semaphore_mem>>) src(%dma_wait3A_214 : memref<40x128xf32, #tpu.memory_space<vmem>>) dst(%dma_wait3A_219 : memref<10240x128xf32, #tpu.memory_space<vmem_shared>>)
    %barrier3A_220 = arith.constant 0 : index
    tpu.barrier barrier_id(%barrier3A_220)
    %mul3A_221 = arith.constant 640 : i32
    %mul3A_222 = arith.muli %arg1, %mul3A_221 : i32
    %mul3A_223 = arith.constant 640 : i32
    %mul3A_224 = arith.muli %arg1, %mul3A_223 : i32
    "tpu.region"() ({
      %run_scoped3A = tpu.sem_alloc : memref<!tpu.dma_semaphore, #tpu.memory_space<semaphore_mem>>
      %dma_start3A_225 = arith.constant 0 : i32
      %dma_start3A_226 = tpu.memref_slice %arg6[%arg0, %mul3A_224, %dma_start3A_225] : memref<2x10240x128xf32, #tpu.memory_space<hbm>> -> memref<1x640x128xf32, #tpu.memory_space<hbm>>
      %dma_start3A_227 = tpu.memref_squeeze %dma_start3A_226 : memref<1x640x128xf32, #tpu.memory_space<hbm>> -> memref<640x128xf32, #tpu.memory_space<hbm>>
      %dma_start3A_228 = arith.constant 0 : i32
      %dma_start3A_229 = tpu.memref_slice %arg11[%mul3A_222, %dma_start3A_228] : memref<10240x128xf32, #tpu.memory_space<vmem_shared>> -> memref<640x128xf32, #tpu.memory_space<vmem_shared>>
      tpu.enqueue_dma source(%dma_start3A_229 : memref<640x128xf32, #tpu.memory_space<vmem_shared>>) target(%dma_start3A_227 : memref<640x128xf32, #tpu.memory_space<hbm>>) target_semaphore(%run_scoped3A : memref<!tpu.dma_semaphore, #tpu.memory_space<semaphore_mem>>)
      %dma_wait3A_230 = arith.constant 0 : i32
      %dma_wait3A_231 = tpu.memref_slice %arg6[%arg0, %mul3A_224, %dma_wait3A_230] : memref<2x10240x128xf32, #tpu.memory_space<hbm>> -> memref<1x640x128xf32, #tpu.memory_space<hbm>>
      %dma_wait3A_232 = tpu.memref_squeeze %dma_wait3A_231 : memref<1x640x128xf32, #tpu.memory_space<hbm>> -> memref<640x128xf32, #tpu.memory_space<hbm>>
      %dma_wait3A_233 = arith.constant 0 : i32
      %dma_wait3A_234 = tpu.memref_slice %arg11[%mul3A_222, %dma_wait3A_233] : memref<10240x128xf32, #tpu.memory_space<vmem_shared>> -> memref<640x128xf32, #tpu.memory_space<vmem_shared>>
      tpu.wait_dma2 semaphore(%run_scoped3A : memref<!tpu.dma_semaphore, #tpu.memory_space<semaphore_mem>>) src(%dma_wait3A_234 : memref<640x128xf32, #tpu.memory_space<vmem_shared>>) dst(%dma_wait3A_232 : memref<640x128xf32, #tpu.memory_space<hbm>>)
      tpu.yield
    }) : () -> ()
    return
  }
}

#map = affine_map<(d0, d1) -> (0)>
#map1 = affine_map<(d0, d1) -> (0, 0)>
#map2 = affine_map<(d0, d1) -> (0, 0, 0)>
module attributes {stable_mosaic.version = 14 : i64} {
  func.func @_deg_body(%arg0: i32, %arg1: i32, %arg2: memref<320000xi32, #tpu.memory_space<hbm>>, %arg3: memref<80x128xf32, #tpu.memory_space<hbm>>, %arg4: memref<8x128xf32, #tpu.memory_space<hbm>>, %arg5: memref<2x10240x128xf32, #tpu.memory_space<hbm>>, %arg6: memref<125x80xi32, #tpu.memory_space<vmem>>, %arg7: memref<80x128xf32, #tpu.memory_space<vmem>>, %arg8: memref<8x128xf32, #tpu.memory_space<vmem>>, %arg9: memref<10240x128xf32, #tpu.memory_space<vmem_shared>>, %arg10: memref<!tpu.dma_semaphore, #tpu.memory_space<semaphore_mem>>) attributes {dimension_semantics = [#tpu.dimension_semantics<core_parallel>, #tpu.dimension_semantics<subcore_parallel>], iteration_bounds = array<i64: 2, 16>, scalar_prefetch = 0 : i64, scratch_operands = 5 : i64, tpu.core_type = #tpu.core_type<sc_vector_subcore>, window_params = [{transform_indices = #map}, {transform_indices = #map1}, {transform_indices = #map1}, {transform_indices = #map2}]} {
    %mul3A = arith.constant 16 : i32
    %mul3A_0 = arith.muli %arg0, %mul3A : i32
    %add3A = arith.addi %mul3A_0, %arg1 : i32
    %mul3A_1 = arith.constant 10000 : i32
    %mul3A_2 = arith.muli %add3A, %mul3A_1 : i32
    tpu.enqueue_dma source(%arg3 : memref<80x128xf32, #tpu.memory_space<hbm>>) target(%arg7 : memref<80x128xf32, #tpu.memory_space<vmem>>) target_semaphore(%arg10 : memref<!tpu.dma_semaphore, #tpu.memory_space<semaphore_mem>>)
    "tpu.region"() ({
      %run_scoped3A = tpu.sem_alloc : memref<!tpu.dma_semaphore, #tpu.memory_space<semaphore_mem>>
      tpu.enqueue_dma source(%arg4 : memref<8x128xf32, #tpu.memory_space<hbm>>) target(%arg8 : memref<8x128xf32, #tpu.memory_space<vmem>>) target_semaphore(%run_scoped3A : memref<!tpu.dma_semaphore, #tpu.memory_space<semaphore_mem>>)
      tpu.wait_dma2 semaphore(%run_scoped3A : memref<!tpu.dma_semaphore, #tpu.memory_space<semaphore_mem>>) src(%arg4 : memref<8x128xf32, #tpu.memory_space<hbm>>) dst(%arg8 : memref<8x128xf32, #tpu.memory_space<vmem>>)
      tpu.yield
    }) : () -> ()
    %scan3A = arith.constant 0 : i32
    %scan3A_3 = arith.constant 0 : i32
    %scan3A_4 = arith.constant 80 : i32
    %scan3A_5 = arith.addi %scan3A_3, %scan3A_4 : i32
    %scan3A_6 = arith.constant 1 : i32
    scf.for %scan3A_37 = %scan3A_3 to %scan3A_5 step %scan3A_6  : i32 {
      %mul3A_38 = arith.constant 640 : i32
      %mul3A_39 = arith.muli %arg1, %mul3A_38 : i32
      %mul3A_40 = arith.constant 8 : i32
      %mul3A_41 = arith.muli %scan3A_37, %mul3A_40 : i32
      %add3A_42 = arith.addi %mul3A_39, %mul3A_41 : i32
      "tpu.region"() ({
        %run_scoped3A = tpu.sem_alloc : memref<!tpu.dma_semaphore, #tpu.memory_space<semaphore_mem>>
        %dma_start3A = arith.constant 0 : i32
        %dma_start3A_43 = tpu.memref_slice %arg9[%add3A_42, %dma_start3A] : memref<10240x128xf32, #tpu.memory_space<vmem_shared>> -> memref<8x128xf32, #tpu.memory_space<vmem_shared>>
        %dma_start3A_44 = arith.constant 0 : i32
        %dma_start3A_45 = tpu.memref_slice %arg9[%add3A_42, %dma_start3A_44] : memref<10240x128xf32, #tpu.memory_space<vmem_shared>> -> memref<8x128xf32, #tpu.memory_space<vmem_shared>>
        tpu.enqueue_dma source(%arg8 : memref<8x128xf32, #tpu.memory_space<vmem>>) target(%dma_start3A_45 : memref<8x128xf32, #tpu.memory_space<vmem_shared>>) target_semaphore(%run_scoped3A : memref<!tpu.dma_semaphore, #tpu.memory_space<semaphore_mem>>)
        %dma_wait3A = arith.constant 0 : i32
        %dma_wait3A_46 = tpu.memref_slice %arg9[%add3A_42, %dma_wait3A] : memref<10240x128xf32, #tpu.memory_space<vmem_shared>> -> memref<8x128xf32, #tpu.memory_space<vmem_shared>>
        %dma_wait3A_47 = arith.constant 0 : i32
        %dma_wait3A_48 = tpu.memref_slice %arg9[%add3A_42, %dma_wait3A_47] : memref<10240x128xf32, #tpu.memory_space<vmem_shared>> -> memref<8x128xf32, #tpu.memory_space<vmem_shared>>
        tpu.wait_dma2 semaphore(%run_scoped3A : memref<!tpu.dma_semaphore, #tpu.memory_space<semaphore_mem>>) src(%arg8 : memref<8x128xf32, #tpu.memory_space<vmem>>) dst(%dma_wait3A_48 : memref<8x128xf32, #tpu.memory_space<vmem_shared>>)
        tpu.yield
      }) : () -> ()
    }
    %scan3A_7 = arith.constant 80 : i32
    tpu.wait_dma2 semaphore(%arg10 : memref<!tpu.dma_semaphore, #tpu.memory_space<semaphore_mem>>) src(%arg3 : memref<80x128xf32, #tpu.memory_space<hbm>>) dst(%arg7 : memref<80x128xf32, #tpu.memory_space<vmem>>)
    %scan3A_8 = arith.constant 0 : i32
    %scan3A_9 = arith.constant 0 : i32
    %scan3A_10 = arith.constant 125 : i32
    %scan3A_11 = arith.addi %scan3A_9, %scan3A_10 : i32
    %scan3A_12 = arith.constant 1 : i32
    scf.for %scan3A_37 = %scan3A_9 to %scan3A_11 step %scan3A_12  : i32 {
      %mul3A_38 = arith.constant 80 : i32
      %mul3A_39 = arith.muli %scan3A_37, %mul3A_38 : i32
      %add3A_40 = arith.addi %mul3A_2, %mul3A_39 : i32
      %dma_start3A = arith.constant 0 : i32
      %dma_start3A_41 = tpu.memref_slice %arg6[%scan3A_37, %dma_start3A] : memref<125x80xi32, #tpu.memory_space<vmem>> -> memref<1x80xi32, #tpu.memory_space<vmem>>
      %dma_start3A_42 = tpu.memref_squeeze %dma_start3A_41 : memref<1x80xi32, #tpu.memory_space<vmem>> -> memref<80xi32, #tpu.memory_space<vmem>>
      %dma_start3A_43 = tpu.memref_slice %arg2[%add3A_40] : memref<320000xi32, #tpu.memory_space<hbm>> -> memref<80xi32, #tpu.memory_space<hbm>>
      %dma_start3A_44 = arith.constant 0 : i32
      %dma_start3A_45 = tpu.memref_slice %arg6[%scan3A_37, %dma_start3A_44] : memref<125x80xi32, #tpu.memory_space<vmem>> -> memref<1x80xi32, #tpu.memory_space<vmem>>
      %dma_start3A_46 = tpu.memref_squeeze %dma_start3A_45 : memref<1x80xi32, #tpu.memory_space<vmem>> -> memref<80xi32, #tpu.memory_space<vmem>>
      %dma_start3A_47 = tpu.memref_slice %arg2[%add3A_40] : memref<320000xi32, #tpu.memory_space<hbm>> -> memref<80xi32, #tpu.memory_space<hbm>>
      tpu.enqueue_dma source(%dma_start3A_47 : memref<80xi32, #tpu.memory_space<hbm>>) target(%dma_start3A_46 : memref<80xi32, #tpu.memory_space<vmem>>) target_semaphore(%arg10 : memref<!tpu.dma_semaphore, #tpu.memory_space<semaphore_mem>>)
    }
    %scan3A_13 = arith.constant 125 : i32
    %scan3A_14 = arith.constant 0 : i32
    %scan3A_15 = arith.constant 0 : i32
    %scan3A_16 = arith.constant 125 : i32
    %scan3A_17 = arith.addi %scan3A_15, %scan3A_16 : i32
    %scan3A_18 = arith.constant 1 : i32
    scf.for %scan3A_37 = %scan3A_15 to %scan3A_17 step %scan3A_18  : i32 {
      %mul3A_38 = arith.constant 80 : i32
      %mul3A_39 = arith.muli %scan3A_37, %mul3A_38 : i32
      %add3A_40 = arith.addi %mul3A_2, %mul3A_39 : i32
      %dma_wait3A = arith.constant 0 : i32
      %dma_wait3A_41 = tpu.memref_slice %arg6[%scan3A_37, %dma_wait3A] : memref<125x80xi32, #tpu.memory_space<vmem>> -> memref<1x80xi32, #tpu.memory_space<vmem>>
      %dma_wait3A_42 = tpu.memref_squeeze %dma_wait3A_41 : memref<1x80xi32, #tpu.memory_space<vmem>> -> memref<80xi32, #tpu.memory_space<vmem>>
      %dma_wait3A_43 = tpu.memref_slice %arg2[%add3A_40] : memref<320000xi32, #tpu.memory_space<hbm>> -> memref<80xi32, #tpu.memory_space<hbm>>
      %dma_wait3A_44 = arith.constant 0 : i32
      %dma_wait3A_45 = tpu.memref_slice %arg6[%scan3A_37, %dma_wait3A_44] : memref<125x80xi32, #tpu.memory_space<vmem>> -> memref<1x80xi32, #tpu.memory_space<vmem>>
      %dma_wait3A_46 = tpu.memref_squeeze %dma_wait3A_45 : memref<1x80xi32, #tpu.memory_space<vmem>> -> memref<80xi32, #tpu.memory_space<vmem>>
      %dma_wait3A_47 = tpu.memref_slice %arg2[%add3A_40] : memref<320000xi32, #tpu.memory_space<hbm>> -> memref<80xi32, #tpu.memory_space<hbm>>
      tpu.wait_dma2 semaphore(%arg10 : memref<!tpu.dma_semaphore, #tpu.memory_space<semaphore_mem>>) src(%dma_wait3A_47 : memref<80xi32, #tpu.memory_space<hbm>>) dst(%dma_wait3A_46 : memref<80xi32, #tpu.memory_space<vmem>>)
    }
    %scan3A_19 = arith.constant 125 : i32
    %barrier3A = arith.constant 0 : index
    tpu.barrier barrier_id(%barrier3A)
    %scan3A_20 = arith.constant 0 : i32
    %scan3A_21 = arith.constant 0 : i32
    %scan3A_22 = arith.constant 125 : i32
    %scan3A_23 = arith.addi %scan3A_21, %scan3A_22 : i32
    %scan3A_24 = arith.constant 1 : i32
    scf.for %scan3A_37 = %scan3A_21 to %scan3A_23 step %scan3A_24  : i32 {
      %dma_start3A = arith.constant 0 : i32
      %dma_start3A_38 = tpu.memref_slice %arg6[%scan3A_37, %dma_start3A] : memref<125x80xi32, #tpu.memory_space<vmem>> -> memref<1x80xi32, #tpu.memory_space<vmem>>
      %dma_start3A_39 = tpu.memref_squeeze %dma_start3A_38 : memref<1x80xi32, #tpu.memory_space<vmem>> -> memref<80xi32, #tpu.memory_space<vmem>>
      %dma_start3A_40 = arith.constant 0 : i32
      %dma_start3A_41 = arith.constant 0 : i32
      %dma_start3A_42 = tpu.memref_slice %arg9[%dma_start3A_40, %dma_start3A_41] : memref<10240x128xf32, #tpu.memory_space<vmem_shared>> -> memref<10240x128xf32, #tpu.memory_space<vmem_shared>>
      tpu.enqueue_indirect_dma source(%arg7 : memref<80x128xf32, #tpu.memory_space<vmem>>) target(%dma_start3A_42 : memref<10240x128xf32, #tpu.memory_space<vmem_shared>>) offsets(%dma_start3A_39 : memref<80xi32, #tpu.memory_space<vmem>>) semaphore(%arg10 : memref<!tpu.dma_semaphore, #tpu.memory_space<semaphore_mem>>) {add = true}
    }
    %scan3A_25 = arith.constant 125 : i32
    %scan3A_26 = arith.constant 0 : i32
    %scan3A_27 = arith.constant 0 : i32
    %scan3A_28 = arith.constant 125 : i32
    %scan3A_29 = arith.addi %scan3A_27, %scan3A_28 : i32
    %scan3A_30 = arith.constant 1 : i32
    scf.for %scan3A_37 = %scan3A_27 to %scan3A_29 step %scan3A_30  : i32 {
      %dma_wait3A = arith.constant 0 : i32
      %dma_wait3A_38 = tpu.memref_slice %arg6[%scan3A_37, %dma_wait3A] : memref<125x80xi32, #tpu.memory_space<vmem>> -> memref<1x80xi32, #tpu.memory_space<vmem>>
      %dma_wait3A_39 = tpu.memref_squeeze %dma_wait3A_38 : memref<1x80xi32, #tpu.memory_space<vmem>> -> memref<80xi32, #tpu.memory_space<vmem>>
      %dma_wait3A_40 = arith.constant 0 : i32
      %dma_wait3A_41 = arith.constant 0 : i32
      %dma_wait3A_42 = tpu.memref_slice %arg9[%dma_wait3A_40, %dma_wait3A_41] : memref<10240x128xf32, #tpu.memory_space<vmem_shared>> -> memref<10240x128xf32, #tpu.memory_space<vmem_shared>>
      tpu.wait_indirect_dma semaphore(%arg10 : memref<!tpu.dma_semaphore, #tpu.memory_space<semaphore_mem>>) src(%arg7 : memref<80x128xf32, #tpu.memory_space<vmem>>) dst(%dma_wait3A_42 : memref<10240x128xf32, #tpu.memory_space<vmem_shared>>)
    }
    %scan3A_31 = arith.constant 125 : i32
    %barrier3A_32 = arith.constant 0 : index
    tpu.barrier barrier_id(%barrier3A_32)
    %mul3A_33 = arith.constant 640 : i32
    %mul3A_34 = arith.muli %arg1, %mul3A_33 : i32
    %mul3A_35 = arith.constant 640 : i32
    %mul3A_36 = arith.muli %arg1, %mul3A_35 : i32
    "tpu.region"() ({
      %run_scoped3A = tpu.sem_alloc : memref<!tpu.dma_semaphore, #tpu.memory_space<semaphore_mem>>
      %dma_start3A = arith.constant 0 : i32
      %dma_start3A_37 = tpu.memref_slice %arg5[%arg0, %mul3A_36, %dma_start3A] : memref<2x10240x128xf32, #tpu.memory_space<hbm>> -> memref<1x640x128xf32, #tpu.memory_space<hbm>>
      %dma_start3A_38 = tpu.memref_squeeze %dma_start3A_37 : memref<1x640x128xf32, #tpu.memory_space<hbm>> -> memref<640x128xf32, #tpu.memory_space<hbm>>
      %dma_start3A_39 = arith.constant 0 : i32
      %dma_start3A_40 = tpu.memref_slice %arg9[%mul3A_34, %dma_start3A_39] : memref<10240x128xf32, #tpu.memory_space<vmem_shared>> -> memref<640x128xf32, #tpu.memory_space<vmem_shared>>
      tpu.enqueue_dma source(%dma_start3A_40 : memref<640x128xf32, #tpu.memory_space<vmem_shared>>) target(%dma_start3A_38 : memref<640x128xf32, #tpu.memory_space<hbm>>) target_semaphore(%run_scoped3A : memref<!tpu.dma_semaphore, #tpu.memory_space<semaphore_mem>>)
      %dma_wait3A = arith.constant 0 : i32
      %dma_wait3A_41 = tpu.memref_slice %arg5[%arg0, %mul3A_36, %dma_wait3A] : memref<2x10240x128xf32, #tpu.memory_space<hbm>> -> memref<1x640x128xf32, #tpu.memory_space<hbm>>
      %dma_wait3A_42 = tpu.memref_squeeze %dma_wait3A_41 : memref<1x640x128xf32, #tpu.memory_space<hbm>> -> memref<640x128xf32, #tpu.memory_space<hbm>>
      %dma_wait3A_43 = arith.constant 0 : i32
      %dma_wait3A_44 = tpu.memref_slice %arg9[%mul3A_34, %dma_wait3A_43] : memref<10240x128xf32, #tpu.memory_space<vmem_shared>> -> memref<640x128xf32, #tpu.memory_space<vmem_shared>>
      tpu.wait_dma2 semaphore(%run_scoped3A : memref<!tpu.dma_semaphore, #tpu.memory_space<semaphore_mem>>) src(%dma_wait3A_44 : memref<640x128xf32, #tpu.memory_space<vmem_shared>>) dst(%dma_wait3A_42 : memref<640x128xf32, #tpu.memory_space<hbm>>)
      tpu.yield
    }) : () -> ()
    return
  }
}

#map = affine_map<(d0, d1) -> (0, 0)>
#map1 = affine_map<(d0, d1) -> (0)>
#map2 = affine_map<(d0, d1) -> (0, 0, 0)>
module attributes {stable_mosaic.version = 14 : i64} {
  func.func @_scatter_body(%arg0: i32, %arg1: i32, %arg2: memref<10000x128xf32, #tpu.memory_space<hbm>>, %arg3: memref<320000xi32, #tpu.memory_space<hbm>>, %arg4: memref<320000xi32, #tpu.memory_space<hbm>>, %arg5: memref<8x128xf32, #tpu.memory_space<hbm>>, %arg6: memref<2x10240x128xf32, #tpu.memory_space<hbm>>, %arg7: memref<10000xi32, #tpu.memory_space<vmem>>, %arg8: memref<10000xi32, #tpu.memory_space<vmem>>, %arg9: memref<5x40x128xf32, #tpu.memory_space<vmem>>, %arg10: memref<8x128xf32, #tpu.memory_space<vmem>>, %arg11: memref<10240x128xf32, #tpu.memory_space<vmem_shared>>, %arg12: memref<!tpu.dma_semaphore, #tpu.memory_space<semaphore_mem>>, %arg13: memref<!tpu.dma_semaphore, #tpu.memory_space<semaphore_mem>>, %arg14: memref<!tpu.dma_semaphore, #tpu.memory_space<semaphore_mem>>, %arg15: memref<!tpu.dma_semaphore, #tpu.memory_space<semaphore_mem>>, %arg16: memref<!tpu.dma_semaphore, #tpu.memory_space<semaphore_mem>>, %arg17: memref<!tpu.dma_semaphore, #tpu.memory_space<semaphore_mem>>, %arg18: memref<!tpu.dma_semaphore, #tpu.memory_space<semaphore_mem>>, %arg19: memref<!tpu.dma_semaphore, #tpu.memory_space<semaphore_mem>>, %arg20: memref<!tpu.dma_semaphore, #tpu.memory_space<semaphore_mem>>, %arg21: memref<!tpu.dma_semaphore, #tpu.memory_space<semaphore_mem>>) attributes {dimension_semantics = [#tpu.dimension_semantics<core_parallel>, #tpu.dimension_semantics<subcore_parallel>], iteration_bounds = array<i64: 2, 16>, scalar_prefetch = 0 : i64, scratch_operands = 15 : i64, tpu.core_type = #tpu.core_type<sc_vector_subcore>, window_params = [{transform_indices = #map}, {transform_indices = #map1}, {transform_indices = #map1}, {transform_indices = #map}, {transform_indices = #map2}]} {
    %mul3A = arith.constant 16 : i32
    %mul3A_0 = arith.muli %arg0, %mul3A : i32
    %add3A = arith.addi %mul3A_0, %arg1 : i32
    %mul3A_1 = arith.constant 10000 : i32
    %mul3A_2 = arith.muli %add3A, %mul3A_1 : i32
    %dma_start3A = tpu.memref_slice %arg3[%mul3A_2] : memref<320000xi32, #tpu.memory_space<hbm>> -> memref<10000xi32, #tpu.memory_space<hbm>>
    %dma_start3A_3 = tpu.memref_slice %arg3[%mul3A_2] : memref<320000xi32, #tpu.memory_space<hbm>> -> memref<10000xi32, #tpu.memory_space<hbm>>
    tpu.enqueue_dma source(%dma_start3A_3 : memref<10000xi32, #tpu.memory_space<hbm>>) target(%arg7 : memref<10000xi32, #tpu.memory_space<vmem>>) target_semaphore(%arg12 : memref<!tpu.dma_semaphore, #tpu.memory_space<semaphore_mem>>)
    %dma_start3A_4 = tpu.memref_slice %arg4[%mul3A_2] : memref<320000xi32, #tpu.memory_space<hbm>> -> memref<10000xi32, #tpu.memory_space<hbm>>
    %dma_start3A_5 = tpu.memref_slice %arg4[%mul3A_2] : memref<320000xi32, #tpu.memory_space<hbm>> -> memref<10000xi32, #tpu.memory_space<hbm>>
    tpu.enqueue_dma source(%dma_start3A_5 : memref<10000xi32, #tpu.memory_space<hbm>>) target(%arg8 : memref<10000xi32, #tpu.memory_space<vmem>>) target_semaphore(%arg13 : memref<!tpu.dma_semaphore, #tpu.memory_space<semaphore_mem>>)
    "tpu.region"() ({
      %run_scoped3A = tpu.sem_alloc : memref<!tpu.dma_semaphore, #tpu.memory_space<semaphore_mem>>
      tpu.enqueue_dma source(%arg5 : memref<8x128xf32, #tpu.memory_space<hbm>>) target(%arg10 : memref<8x128xf32, #tpu.memory_space<vmem>>) target_semaphore(%run_scoped3A : memref<!tpu.dma_semaphore, #tpu.memory_space<semaphore_mem>>)
      tpu.wait_dma2 semaphore(%run_scoped3A : memref<!tpu.dma_semaphore, #tpu.memory_space<semaphore_mem>>) src(%arg5 : memref<8x128xf32, #tpu.memory_space<hbm>>) dst(%arg10 : memref<8x128xf32, #tpu.memory_space<vmem>>)
      tpu.yield
    }) : () -> ()
    %scan3A = arith.constant 0 : i32
    %scan3A_6 = arith.constant 0 : i32
    %scan3A_7 = arith.constant 80 : i32
    %scan3A_8 = arith.addi %scan3A_6, %scan3A_7 : i32
    %scan3A_9 = arith.constant 1 : i32
    scf.for %scan3A_225 = %scan3A_6 to %scan3A_8 step %scan3A_9  : i32 {
      %mul3A_226 = arith.constant 640 : i32
      %mul3A_227 = arith.muli %arg1, %mul3A_226 : i32
      %mul3A_228 = arith.constant 8 : i32
      %mul3A_229 = arith.muli %scan3A_225, %mul3A_228 : i32
      %add3A_230 = arith.addi %mul3A_227, %mul3A_229 : i32
      "tpu.region"() ({
        %run_scoped3A = tpu.sem_alloc : memref<!tpu.dma_semaphore, #tpu.memory_space<semaphore_mem>>
        %dma_start3A_231 = arith.constant 0 : i32
        %dma_start3A_232 = tpu.memref_slice %arg11[%add3A_230, %dma_start3A_231] : memref<10240x128xf32, #tpu.memory_space<vmem_shared>> -> memref<8x128xf32, #tpu.memory_space<vmem_shared>>
        %dma_start3A_233 = arith.constant 0 : i32
        %dma_start3A_234 = tpu.memref_slice %arg11[%add3A_230, %dma_start3A_233] : memref<10240x128xf32, #tpu.memory_space<vmem_shared>> -> memref<8x128xf32, #tpu.memory_space<vmem_shared>>
        tpu.enqueue_dma source(%arg10 : memref<8x128xf32, #tpu.memory_space<vmem>>) target(%dma_start3A_234 : memref<8x128xf32, #tpu.memory_space<vmem_shared>>) target_semaphore(%run_scoped3A : memref<!tpu.dma_semaphore, #tpu.memory_space<semaphore_mem>>)
        %dma_wait3A_235 = arith.constant 0 : i32
        %dma_wait3A_236 = tpu.memref_slice %arg11[%add3A_230, %dma_wait3A_235] : memref<10240x128xf32, #tpu.memory_space<vmem_shared>> -> memref<8x128xf32, #tpu.memory_space<vmem_shared>>
        %dma_wait3A_237 = arith.constant 0 : i32
        %dma_wait3A_238 = tpu.memref_slice %arg11[%add3A_230, %dma_wait3A_237] : memref<10240x128xf32, #tpu.memory_space<vmem_shared>> -> memref<8x128xf32, #tpu.memory_space<vmem_shared>>
        tpu.wait_dma2 semaphore(%run_scoped3A : memref<!tpu.dma_semaphore, #tpu.memory_space<semaphore_mem>>) src(%arg10 : memref<8x128xf32, #tpu.memory_space<vmem>>) dst(%dma_wait3A_238 : memref<8x128xf32, #tpu.memory_space<vmem_shared>>)
        tpu.yield
      }) : () -> ()
    }
    %scan3A_10 = arith.constant 80 : i32
    %dma_wait3A = tpu.memref_slice %arg3[%mul3A_2] : memref<320000xi32, #tpu.memory_space<hbm>> -> memref<10000xi32, #tpu.memory_space<hbm>>
    %dma_wait3A_11 = tpu.memref_slice %arg3[%mul3A_2] : memref<320000xi32, #tpu.memory_space<hbm>> -> memref<10000xi32, #tpu.memory_space<hbm>>
    tpu.wait_dma2 semaphore(%arg12 : memref<!tpu.dma_semaphore, #tpu.memory_space<semaphore_mem>>) src(%dma_wait3A_11 : memref<10000xi32, #tpu.memory_space<hbm>>) dst(%arg7 : memref<10000xi32, #tpu.memory_space<vmem>>)
    %dma_wait3A_12 = tpu.memref_slice %arg4[%mul3A_2] : memref<320000xi32, #tpu.memory_space<hbm>> -> memref<10000xi32, #tpu.memory_space<hbm>>
    %dma_wait3A_13 = tpu.memref_slice %arg4[%mul3A_2] : memref<320000xi32, #tpu.memory_space<hbm>> -> memref<10000xi32, #tpu.memory_space<hbm>>
    tpu.wait_dma2 semaphore(%arg13 : memref<!tpu.dma_semaphore, #tpu.memory_space<semaphore_mem>>) src(%dma_wait3A_13 : memref<10000xi32, #tpu.memory_space<hbm>>) dst(%arg8 : memref<10000xi32, #tpu.memory_space<vmem>>)
    %barrier3A = arith.constant 0 : index
    tpu.barrier barrier_id(%barrier3A)
    %dma_start3A_14 = arith.constant 0 : i32
    %dma_start3A_15 = arith.constant 0 : i32
    %dma_start3A_16 = arith.constant 0 : i32
    %dma_start3A_17 = tpu.memref_slice %arg9[%dma_start3A_14, %dma_start3A_15, %dma_start3A_16] : memref<5x40x128xf32, #tpu.memory_space<vmem>> -> memref<1x40x128xf32, #tpu.memory_space<vmem>>
    %dma_start3A_18 = tpu.memref_squeeze %dma_start3A_17 : memref<1x40x128xf32, #tpu.memory_space<vmem>> -> memref<40x128xf32, #tpu.memory_space<vmem>>
    %dma_start3A_19 = arith.constant 0 : i32
    %dma_start3A_20 = tpu.memref_slice %arg7[%dma_start3A_19] : memref<10000xi32, #tpu.memory_space<vmem>> -> memref<40xi32, #tpu.memory_space<vmem>>
    %dma_start3A_21 = arith.constant 0 : i32
    %dma_start3A_22 = arith.constant 0 : i32
    %dma_start3A_23 = tpu.memref_slice %arg2[%dma_start3A_21, %dma_start3A_22] : memref<10000x128xf32, #tpu.memory_space<hbm>> -> memref<10000x128xf32, #tpu.memory_space<hbm>>
    tpu.enqueue_indirect_dma source(%dma_start3A_23 : memref<10000x128xf32, #tpu.memory_space<hbm>>) target(%dma_start3A_18 : memref<40x128xf32, #tpu.memory_space<vmem>>) offsets(%dma_start3A_20 : memref<40xi32, #tpu.memory_space<vmem>>) semaphore(%arg12 : memref<!tpu.dma_semaphore, #tpu.memory_space<semaphore_mem>>)
    %dma_start3A_24 = arith.constant 1 : i32
    %dma_start3A_25 = arith.constant 0 : i32
    %dma_start3A_26 = arith.constant 0 : i32
    %dma_start3A_27 = tpu.memref_slice %arg9[%dma_start3A_24, %dma_start3A_25, %dma_start3A_26] : memref<5x40x128xf32, #tpu.memory_space<vmem>> -> memref<1x40x128xf32, #tpu.memory_space<vmem>>
    %dma_start3A_28 = tpu.memref_squeeze %dma_start3A_27 : memref<1x40x128xf32, #tpu.memory_space<vmem>> -> memref<40x128xf32, #tpu.memory_space<vmem>>
    %dma_start3A_29 = arith.constant 40 : i32
    %dma_start3A_30 = tpu.memref_slice %arg7[%dma_start3A_29] : memref<10000xi32, #tpu.memory_space<vmem>> -> memref<40xi32, #tpu.memory_space<vmem>>
    %dma_start3A_31 = arith.constant 0 : i32
    %dma_start3A_32 = arith.constant 0 : i32
    %dma_start3A_33 = tpu.memref_slice %arg2[%dma_start3A_31, %dma_start3A_32] : memref<10000x128xf32, #tpu.memory_space<hbm>> -> memref<10000x128xf32, #tpu.memory_space<hbm>>
    tpu.enqueue_indirect_dma source(%dma_start3A_33 : memref<10000x128xf32, #tpu.memory_space<hbm>>) target(%dma_start3A_28 : memref<40x128xf32, #tpu.memory_space<vmem>>) offsets(%dma_start3A_30 : memref<40xi32, #tpu.memory_space<vmem>>) semaphore(%arg13 : memref<!tpu.dma_semaphore, #tpu.memory_space<semaphore_mem>>)
    %dma_start3A_34 = arith.constant 2 : i32
    %dma_start3A_35 = arith.constant 0 : i32
    %dma_start3A_36 = arith.constant 0 : i32
    %dma_start3A_37 = tpu.memref_slice %arg9[%dma_start3A_34, %dma_start3A_35, %dma_start3A_36] : memref<5x40x128xf32, #tpu.memory_space<vmem>> -> memref<1x40x128xf32, #tpu.memory_space<vmem>>
    %dma_start3A_38 = tpu.memref_squeeze %dma_start3A_37 : memref<1x40x128xf32, #tpu.memory_space<vmem>> -> memref<40x128xf32, #tpu.memory_space<vmem>>
    %dma_start3A_39 = arith.constant 80 : i32
    %dma_start3A_40 = tpu.memref_slice %arg7[%dma_start3A_39] : memref<10000xi32, #tpu.memory_space<vmem>> -> memref<40xi32, #tpu.memory_space<vmem>>
    %dma_start3A_41 = arith.constant 0 : i32
    %dma_start3A_42 = arith.constant 0 : i32
    %dma_start3A_43 = tpu.memref_slice %arg2[%dma_start3A_41, %dma_start3A_42] : memref<10000x128xf32, #tpu.memory_space<hbm>> -> memref<10000x128xf32, #tpu.memory_space<hbm>>
    tpu.enqueue_indirect_dma source(%dma_start3A_43 : memref<10000x128xf32, #tpu.memory_space<hbm>>) target(%dma_start3A_38 : memref<40x128xf32, #tpu.memory_space<vmem>>) offsets(%dma_start3A_40 : memref<40xi32, #tpu.memory_space<vmem>>) semaphore(%arg14 : memref<!tpu.dma_semaphore, #tpu.memory_space<semaphore_mem>>)
    %dma_start3A_44 = arith.constant 3 : i32
    %dma_start3A_45 = arith.constant 0 : i32
    %dma_start3A_46 = arith.constant 0 : i32
    %dma_start3A_47 = tpu.memref_slice %arg9[%dma_start3A_44, %dma_start3A_45, %dma_start3A_46] : memref<5x40x128xf32, #tpu.memory_space<vmem>> -> memref<1x40x128xf32, #tpu.memory_space<vmem>>
    %dma_start3A_48 = tpu.memref_squeeze %dma_start3A_47 : memref<1x40x128xf32, #tpu.memory_space<vmem>> -> memref<40x128xf32, #tpu.memory_space<vmem>>
    %dma_start3A_49 = arith.constant 120 : i32
    %dma_start3A_50 = tpu.memref_slice %arg7[%dma_start3A_49] : memref<10000xi32, #tpu.memory_space<vmem>> -> memref<40xi32, #tpu.memory_space<vmem>>
    %dma_start3A_51 = arith.constant 0 : i32
    %dma_start3A_52 = arith.constant 0 : i32
    %dma_start3A_53 = tpu.memref_slice %arg2[%dma_start3A_51, %dma_start3A_52] : memref<10000x128xf32, #tpu.memory_space<hbm>> -> memref<10000x128xf32, #tpu.memory_space<hbm>>
    tpu.enqueue_indirect_dma source(%dma_start3A_53 : memref<10000x128xf32, #tpu.memory_space<hbm>>) target(%dma_start3A_48 : memref<40x128xf32, #tpu.memory_space<vmem>>) offsets(%dma_start3A_50 : memref<40xi32, #tpu.memory_space<vmem>>) semaphore(%arg15 : memref<!tpu.dma_semaphore, #tpu.memory_space<semaphore_mem>>)
    %dma_start3A_54 = arith.constant 4 : i32
    %dma_start3A_55 = arith.constant 0 : i32
    %dma_start3A_56 = arith.constant 0 : i32
    %dma_start3A_57 = tpu.memref_slice %arg9[%dma_start3A_54, %dma_start3A_55, %dma_start3A_56] : memref<5x40x128xf32, #tpu.memory_space<vmem>> -> memref<1x40x128xf32, #tpu.memory_space<vmem>>
    %dma_start3A_58 = tpu.memref_squeeze %dma_start3A_57 : memref<1x40x128xf32, #tpu.memory_space<vmem>> -> memref<40x128xf32, #tpu.memory_space<vmem>>
    %dma_start3A_59 = arith.constant 160 : i32
    %dma_start3A_60 = tpu.memref_slice %arg7[%dma_start3A_59] : memref<10000xi32, #tpu.memory_space<vmem>> -> memref<40xi32, #tpu.memory_space<vmem>>
    %dma_start3A_61 = arith.constant 0 : i32
    %dma_start3A_62 = arith.constant 0 : i32
    %dma_start3A_63 = tpu.memref_slice %arg2[%dma_start3A_61, %dma_start3A_62] : memref<10000x128xf32, #tpu.memory_space<hbm>> -> memref<10000x128xf32, #tpu.memory_space<hbm>>
    tpu.enqueue_indirect_dma source(%dma_start3A_63 : memref<10000x128xf32, #tpu.memory_space<hbm>>) target(%dma_start3A_58 : memref<40x128xf32, #tpu.memory_space<vmem>>) offsets(%dma_start3A_60 : memref<40xi32, #tpu.memory_space<vmem>>) semaphore(%arg16 : memref<!tpu.dma_semaphore, #tpu.memory_space<semaphore_mem>>)
    %scan3A_64 = arith.constant 0 : i32
    %scan3A_65 = arith.constant 0 : i32
    %scan3A_66 = arith.constant 49 : i32
    %scan3A_67 = arith.addi %scan3A_65, %scan3A_66 : i32
    %scan3A_68 = arith.constant 1 : i32
    scf.for %scan3A_225 = %scan3A_65 to %scan3A_67 step %scan3A_68  : i32 {
      %mul3A_226 = arith.constant 5 : i32
      %mul3A_227 = arith.muli %scan3A_225, %mul3A_226 : i32
      %add3A_228 = arith.constant 0 : i32
      %add3A_229 = arith.addi %mul3A_227, %add3A_228 : i32
      %mul3A_230 = arith.constant 40 : i32
      %mul3A_231 = arith.muli %add3A_229, %mul3A_230 : i32
      %dma_wait3A_232 = arith.constant 0 : i32
      %dma_wait3A_233 = arith.constant 0 : i32
      %dma_wait3A_234 = arith.constant 0 : i32
      %dma_wait3A_235 = tpu.memref_slice %arg9[%dma_wait3A_232, %dma_wait3A_233, %dma_wait3A_234] : memref<5x40x128xf32, #tpu.memory_space<vmem>> -> memref<1x40x128xf32, #tpu.memory_space<vmem>>
      %dma_wait3A_236 = tpu.memref_squeeze %dma_wait3A_235 : memref<1x40x128xf32, #tpu.memory_space<vmem>> -> memref<40x128xf32, #tpu.memory_space<vmem>>
      %dma_wait3A_237 = tpu.memref_slice %arg7[%mul3A_231] : memref<10000xi32, #tpu.memory_space<vmem>> -> memref<40xi32, #tpu.memory_space<vmem>>
      %dma_wait3A_238 = arith.constant 0 : i32
      %dma_wait3A_239 = arith.constant 0 : i32
      %dma_wait3A_240 = tpu.memref_slice %arg2[%dma_wait3A_238, %dma_wait3A_239] : memref<10000x128xf32, #tpu.memory_space<hbm>> -> memref<10000x128xf32, #tpu.memory_space<hbm>>
      tpu.wait_indirect_dma semaphore(%arg12 : memref<!tpu.dma_semaphore, #tpu.memory_space<semaphore_mem>>) src(%dma_wait3A_240 : memref<10000x128xf32, #tpu.memory_space<hbm>>) dst(%dma_wait3A_236 : memref<40x128xf32, #tpu.memory_space<vmem>>)
      %add3A_241 = arith.constant 0 : i32
      %add3A_242 = arith.addi %mul3A_227, %add3A_241 : i32
      %mul3A_243 = arith.constant 40 : i32
      %mul3A_244 = arith.muli %add3A_242, %mul3A_243 : i32
      %dma_start3A_245 = arith.constant 0 : i32
      %dma_start3A_246 = arith.constant 0 : i32
      %dma_start3A_247 = arith.constant 0 : i32
      %dma_start3A_248 = tpu.memref_slice %arg9[%dma_start3A_245, %dma_start3A_246, %dma_start3A_247] : memref<5x40x128xf32, #tpu.memory_space<vmem>> -> memref<1x40x128xf32, #tpu.memory_space<vmem>>
      %dma_start3A_249 = tpu.memref_squeeze %dma_start3A_248 : memref<1x40x128xf32, #tpu.memory_space<vmem>> -> memref<40x128xf32, #tpu.memory_space<vmem>>
      %dma_start3A_250 = tpu.memref_slice %arg8[%mul3A_244] : memref<10000xi32, #tpu.memory_space<vmem>> -> memref<40xi32, #tpu.memory_space<vmem>>
      %dma_start3A_251 = arith.constant 0 : i32
      %dma_start3A_252 = arith.constant 0 : i32
      %dma_start3A_253 = tpu.memref_slice %arg11[%dma_start3A_251, %dma_start3A_252] : memref<10240x128xf32, #tpu.memory_space<vmem_shared>> -> memref<10240x128xf32, #tpu.memory_space<vmem_shared>>
      tpu.enqueue_indirect_dma source(%dma_start3A_249 : memref<40x128xf32, #tpu.memory_space<vmem>>) target(%dma_start3A_253 : memref<10240x128xf32, #tpu.memory_space<vmem_shared>>) offsets(%dma_start3A_250 : memref<40xi32, #tpu.memory_space<vmem>>) semaphore(%arg17 : memref<!tpu.dma_semaphore, #tpu.memory_space<semaphore_mem>>) {add = true}
      %add3A_254 = arith.constant 1 : i32
      %add3A_255 = arith.addi %mul3A_227, %add3A_254 : i32
      %mul3A_256 = arith.constant 40 : i32
      %mul3A_257 = arith.muli %add3A_255, %mul3A_256 : i32
      %dma_wait3A_258 = arith.constant 1 : i32
      %dma_wait3A_259 = arith.constant 0 : i32
      %dma_wait3A_260 = arith.constant 0 : i32
      %dma_wait3A_261 = tpu.memref_slice %arg9[%dma_wait3A_258, %dma_wait3A_259, %dma_wait3A_260] : memref<5x40x128xf32, #tpu.memory_space<vmem>> -> memref<1x40x128xf32, #tpu.memory_space<vmem>>
      %dma_wait3A_262 = tpu.memref_squeeze %dma_wait3A_261 : memref<1x40x128xf32, #tpu.memory_space<vmem>> -> memref<40x128xf32, #tpu.memory_space<vmem>>
      %dma_wait3A_263 = tpu.memref_slice %arg7[%mul3A_257] : memref<10000xi32, #tpu.memory_space<vmem>> -> memref<40xi32, #tpu.memory_space<vmem>>
      %dma_wait3A_264 = arith.constant 0 : i32
      %dma_wait3A_265 = arith.constant 0 : i32
      %dma_wait3A_266 = tpu.memref_slice %arg2[%dma_wait3A_264, %dma_wait3A_265] : memref<10000x128xf32, #tpu.memory_space<hbm>> -> memref<10000x128xf32, #tpu.memory_space<hbm>>
      tpu.wait_indirect_dma semaphore(%arg13 : memref<!tpu.dma_semaphore, #tpu.memory_space<semaphore_mem>>) src(%dma_wait3A_266 : memref<10000x128xf32, #tpu.memory_space<hbm>>) dst(%dma_wait3A_262 : memref<40x128xf32, #tpu.memory_space<vmem>>)
      %add3A_267 = arith.constant 1 : i32
      %add3A_268 = arith.addi %mul3A_227, %add3A_267 : i32
      %mul3A_269 = arith.constant 40 : i32
      %mul3A_270 = arith.muli %add3A_268, %mul3A_269 : i32
      %dma_start3A_271 = arith.constant 1 : i32
      %dma_start3A_272 = arith.constant 0 : i32
      %dma_start3A_273 = arith.constant 0 : i32
      %dma_start3A_274 = tpu.memref_slice %arg9[%dma_start3A_271, %dma_start3A_272, %dma_start3A_273] : memref<5x40x128xf32, #tpu.memory_space<vmem>> -> memref<1x40x128xf32, #tpu.memory_space<vmem>>
      %dma_start3A_275 = tpu.memref_squeeze %dma_start3A_274 : memref<1x40x128xf32, #tpu.memory_space<vmem>> -> memref<40x128xf32, #tpu.memory_space<vmem>>
      %dma_start3A_276 = tpu.memref_slice %arg8[%mul3A_270] : memref<10000xi32, #tpu.memory_space<vmem>> -> memref<40xi32, #tpu.memory_space<vmem>>
      %dma_start3A_277 = arith.constant 0 : i32
      %dma_start3A_278 = arith.constant 0 : i32
      %dma_start3A_279 = tpu.memref_slice %arg11[%dma_start3A_277, %dma_start3A_278] : memref<10240x128xf32, #tpu.memory_space<vmem_shared>> -> memref<10240x128xf32, #tpu.memory_space<vmem_shared>>
      tpu.enqueue_indirect_dma source(%dma_start3A_275 : memref<40x128xf32, #tpu.memory_space<vmem>>) target(%dma_start3A_279 : memref<10240x128xf32, #tpu.memory_space<vmem_shared>>) offsets(%dma_start3A_276 : memref<40xi32, #tpu.memory_space<vmem>>) semaphore(%arg18 : memref<!tpu.dma_semaphore, #tpu.memory_space<semaphore_mem>>) {add = true}
      %add3A_280 = arith.constant 2 : i32
      %add3A_281 = arith.addi %mul3A_227, %add3A_280 : i32
      %mul3A_282 = arith.constant 40 : i32
      %mul3A_283 = arith.muli %add3A_281, %mul3A_282 : i32
      %dma_wait3A_284 = arith.constant 2 : i32
      %dma_wait3A_285 = arith.constant 0 : i32
      %dma_wait3A_286 = arith.constant 0 : i32
      %dma_wait3A_287 = tpu.memref_slice %arg9[%dma_wait3A_284, %dma_wait3A_285, %dma_wait3A_286] : memref<5x40x128xf32, #tpu.memory_space<vmem>> -> memref<1x40x128xf32, #tpu.memory_space<vmem>>
      %dma_wait3A_288 = tpu.memref_squeeze %dma_wait3A_287 : memref<1x40x128xf32, #tpu.memory_space<vmem>> -> memref<40x128xf32, #tpu.memory_space<vmem>>
      %dma_wait3A_289 = tpu.memref_slice %arg7[%mul3A_283] : memref<10000xi32, #tpu.memory_space<vmem>> -> memref<40xi32, #tpu.memory_space<vmem>>
      %dma_wait3A_290 = arith.constant 0 : i32
      %dma_wait3A_291 = arith.constant 0 : i32
      %dma_wait3A_292 = tpu.memref_slice %arg2[%dma_wait3A_290, %dma_wait3A_291] : memref<10000x128xf32, #tpu.memory_space<hbm>> -> memref<10000x128xf32, #tpu.memory_space<hbm>>
      tpu.wait_indirect_dma semaphore(%arg14 : memref<!tpu.dma_semaphore, #tpu.memory_space<semaphore_mem>>) src(%dma_wait3A_292 : memref<10000x128xf32, #tpu.memory_space<hbm>>) dst(%dma_wait3A_288 : memref<40x128xf32, #tpu.memory_space<vmem>>)
      %add3A_293 = arith.constant 2 : i32
      %add3A_294 = arith.addi %mul3A_227, %add3A_293 : i32
      %mul3A_295 = arith.constant 40 : i32
      %mul3A_296 = arith.muli %add3A_294, %mul3A_295 : i32
      %dma_start3A_297 = arith.constant 2 : i32
      %dma_start3A_298 = arith.constant 0 : i32
      %dma_start3A_299 = arith.constant 0 : i32
      %dma_start3A_300 = tpu.memref_slice %arg9[%dma_start3A_297, %dma_start3A_298, %dma_start3A_299] : memref<5x40x128xf32, #tpu.memory_space<vmem>> -> memref<1x40x128xf32, #tpu.memory_space<vmem>>
      %dma_start3A_301 = tpu.memref_squeeze %dma_start3A_300 : memref<1x40x128xf32, #tpu.memory_space<vmem>> -> memref<40x128xf32, #tpu.memory_space<vmem>>
      %dma_start3A_302 = tpu.memref_slice %arg8[%mul3A_296] : memref<10000xi32, #tpu.memory_space<vmem>> -> memref<40xi32, #tpu.memory_space<vmem>>
      %dma_start3A_303 = arith.constant 0 : i32
      %dma_start3A_304 = arith.constant 0 : i32
      %dma_start3A_305 = tpu.memref_slice %arg11[%dma_start3A_303, %dma_start3A_304] : memref<10240x128xf32, #tpu.memory_space<vmem_shared>> -> memref<10240x128xf32, #tpu.memory_space<vmem_shared>>
      tpu.enqueue_indirect_dma source(%dma_start3A_301 : memref<40x128xf32, #tpu.memory_space<vmem>>) target(%dma_start3A_305 : memref<10240x128xf32, #tpu.memory_space<vmem_shared>>) offsets(%dma_start3A_302 : memref<40xi32, #tpu.memory_space<vmem>>) semaphore(%arg19 : memref<!tpu.dma_semaphore, #tpu.memory_space<semaphore_mem>>) {add = true}
      %add3A_306 = arith.constant 3 : i32
      %add3A_307 = arith.addi %mul3A_227, %add3A_306 : i32
      %mul3A_308 = arith.constant 40 : i32
      %mul3A_309 = arith.muli %add3A_307, %mul3A_308 : i32
      %dma_wait3A_310 = arith.constant 3 : i32
      %dma_wait3A_311 = arith.constant 0 : i32
      %dma_wait3A_312 = arith.constant 0 : i32
      %dma_wait3A_313 = tpu.memref_slice %arg9[%dma_wait3A_310, %dma_wait3A_311, %dma_wait3A_312] : memref<5x40x128xf32, #tpu.memory_space<vmem>> -> memref<1x40x128xf32, #tpu.memory_space<vmem>>
      %dma_wait3A_314 = tpu.memref_squeeze %dma_wait3A_313 : memref<1x40x128xf32, #tpu.memory_space<vmem>> -> memref<40x128xf32, #tpu.memory_space<vmem>>
      %dma_wait3A_315 = tpu.memref_slice %arg7[%mul3A_309] : memref<10000xi32, #tpu.memory_space<vmem>> -> memref<40xi32, #tpu.memory_space<vmem>>
      %dma_wait3A_316 = arith.constant 0 : i32
      %dma_wait3A_317 = arith.constant 0 : i32
      %dma_wait3A_318 = tpu.memref_slice %arg2[%dma_wait3A_316, %dma_wait3A_317] : memref<10000x128xf32, #tpu.memory_space<hbm>> -> memref<10000x128xf32, #tpu.memory_space<hbm>>
      tpu.wait_indirect_dma semaphore(%arg15 : memref<!tpu.dma_semaphore, #tpu.memory_space<semaphore_mem>>) src(%dma_wait3A_318 : memref<10000x128xf32, #tpu.memory_space<hbm>>) dst(%dma_wait3A_314 : memref<40x128xf32, #tpu.memory_space<vmem>>)
      %add3A_319 = arith.constant 3 : i32
      %add3A_320 = arith.addi %mul3A_227, %add3A_319 : i32
      %mul3A_321 = arith.constant 40 : i32
      %mul3A_322 = arith.muli %add3A_320, %mul3A_321 : i32
      %dma_start3A_323 = arith.constant 3 : i32
      %dma_start3A_324 = arith.constant 0 : i32
      %dma_start3A_325 = arith.constant 0 : i32
      %dma_start3A_326 = tpu.memref_slice %arg9[%dma_start3A_323, %dma_start3A_324, %dma_start3A_325] : memref<5x40x128xf32, #tpu.memory_space<vmem>> -> memref<1x40x128xf32, #tpu.memory_space<vmem>>
      %dma_start3A_327 = tpu.memref_squeeze %dma_start3A_326 : memref<1x40x128xf32, #tpu.memory_space<vmem>> -> memref<40x128xf32, #tpu.memory_space<vmem>>
      %dma_start3A_328 = tpu.memref_slice %arg8[%mul3A_322] : memref<10000xi32, #tpu.memory_space<vmem>> -> memref<40xi32, #tpu.memory_space<vmem>>
      %dma_start3A_329 = arith.constant 0 : i32
      %dma_start3A_330 = arith.constant 0 : i32
      %dma_start3A_331 = tpu.memref_slice %arg11[%dma_start3A_329, %dma_start3A_330] : memref<10240x128xf32, #tpu.memory_space<vmem_shared>> -> memref<10240x128xf32, #tpu.memory_space<vmem_shared>>
      tpu.enqueue_indirect_dma source(%dma_start3A_327 : memref<40x128xf32, #tpu.memory_space<vmem>>) target(%dma_start3A_331 : memref<10240x128xf32, #tpu.memory_space<vmem_shared>>) offsets(%dma_start3A_328 : memref<40xi32, #tpu.memory_space<vmem>>) semaphore(%arg20 : memref<!tpu.dma_semaphore, #tpu.memory_space<semaphore_mem>>) {add = true}
      %add3A_332 = arith.constant 4 : i32
      %add3A_333 = arith.addi %mul3A_227, %add3A_332 : i32
      %mul3A_334 = arith.constant 40 : i32
      %mul3A_335 = arith.muli %add3A_333, %mul3A_334 : i32
      %dma_wait3A_336 = arith.constant 4 : i32
      %dma_wait3A_337 = arith.constant 0 : i32
      %dma_wait3A_338 = arith.constant 0 : i32
      %dma_wait3A_339 = tpu.memref_slice %arg9[%dma_wait3A_336, %dma_wait3A_337, %dma_wait3A_338] : memref<5x40x128xf32, #tpu.memory_space<vmem>> -> memref<1x40x128xf32, #tpu.memory_space<vmem>>
      %dma_wait3A_340 = tpu.memref_squeeze %dma_wait3A_339 : memref<1x40x128xf32, #tpu.memory_space<vmem>> -> memref<40x128xf32, #tpu.memory_space<vmem>>
      %dma_wait3A_341 = tpu.memref_slice %arg7[%mul3A_335] : memref<10000xi32, #tpu.memory_space<vmem>> -> memref<40xi32, #tpu.memory_space<vmem>>
      %dma_wait3A_342 = arith.constant 0 : i32
      %dma_wait3A_343 = arith.constant 0 : i32
      %dma_wait3A_344 = tpu.memref_slice %arg2[%dma_wait3A_342, %dma_wait3A_343] : memref<10000x128xf32, #tpu.memory_space<hbm>> -> memref<10000x128xf32, #tpu.memory_space<hbm>>
      tpu.wait_indirect_dma semaphore(%arg16 : memref<!tpu.dma_semaphore, #tpu.memory_space<semaphore_mem>>) src(%dma_wait3A_344 : memref<10000x128xf32, #tpu.memory_space<hbm>>) dst(%dma_wait3A_340 : memref<40x128xf32, #tpu.memory_space<vmem>>)
      %add3A_345 = arith.constant 4 : i32
      %add3A_346 = arith.addi %mul3A_227, %add3A_345 : i32
      %mul3A_347 = arith.constant 40 : i32
      %mul3A_348 = arith.muli %add3A_346, %mul3A_347 : i32
      %dma_start3A_349 = arith.constant 4 : i32
      %dma_start3A_350 = arith.constant 0 : i32
      %dma_start3A_351 = arith.constant 0 : i32
      %dma_start3A_352 = tpu.memref_slice %arg9[%dma_start3A_349, %dma_start3A_350, %dma_start3A_351] : memref<5x40x128xf32, #tpu.memory_space<vmem>> -> memref<1x40x128xf32, #tpu.memory_space<vmem>>
      %dma_start3A_353 = tpu.memref_squeeze %dma_start3A_352 : memref<1x40x128xf32, #tpu.memory_space<vmem>> -> memref<40x128xf32, #tpu.memory_space<vmem>>
      %dma_start3A_354 = tpu.memref_slice %arg8[%mul3A_348] : memref<10000xi32, #tpu.memory_space<vmem>> -> memref<40xi32, #tpu.memory_space<vmem>>
      %dma_start3A_355 = arith.constant 0 : i32
      %dma_start3A_356 = arith.constant 0 : i32
      %dma_start3A_357 = tpu.memref_slice %arg11[%dma_start3A_355, %dma_start3A_356] : memref<10240x128xf32, #tpu.memory_space<vmem_shared>> -> memref<10240x128xf32, #tpu.memory_space<vmem_shared>>
      tpu.enqueue_indirect_dma source(%dma_start3A_353 : memref<40x128xf32, #tpu.memory_space<vmem>>) target(%dma_start3A_357 : memref<10240x128xf32, #tpu.memory_space<vmem_shared>>) offsets(%dma_start3A_354 : memref<40xi32, #tpu.memory_space<vmem>>) semaphore(%arg21 : memref<!tpu.dma_semaphore, #tpu.memory_space<semaphore_mem>>) {add = true}
      %add3A_358 = arith.constant 0 : i32
      %add3A_359 = arith.addi %mul3A_227, %add3A_358 : i32
      %mul3A_360 = arith.constant 40 : i32
      %mul3A_361 = arith.muli %add3A_359, %mul3A_360 : i32
      %dma_wait3A_362 = arith.constant 0 : i32
      %dma_wait3A_363 = arith.constant 0 : i32
      %dma_wait3A_364 = arith.constant 0 : i32
      %dma_wait3A_365 = tpu.memref_slice %arg9[%dma_wait3A_362, %dma_wait3A_363, %dma_wait3A_364] : memref<5x40x128xf32, #tpu.memory_space<vmem>> -> memref<1x40x128xf32, #tpu.memory_space<vmem>>
      %dma_wait3A_366 = tpu.memref_squeeze %dma_wait3A_365 : memref<1x40x128xf32, #tpu.memory_space<vmem>> -> memref<40x128xf32, #tpu.memory_space<vmem>>
      %dma_wait3A_367 = tpu.memref_slice %arg8[%mul3A_361] : memref<10000xi32, #tpu.memory_space<vmem>> -> memref<40xi32, #tpu.memory_space<vmem>>
      %dma_wait3A_368 = arith.constant 0 : i32
      %dma_wait3A_369 = arith.constant 0 : i32
      %dma_wait3A_370 = tpu.memref_slice %arg11[%dma_wait3A_368, %dma_wait3A_369] : memref<10240x128xf32, #tpu.memory_space<vmem_shared>> -> memref<10240x128xf32, #tpu.memory_space<vmem_shared>>
      tpu.wait_indirect_dma semaphore(%arg17 : memref<!tpu.dma_semaphore, #tpu.memory_space<semaphore_mem>>) src(%dma_wait3A_366 : memref<40x128xf32, #tpu.memory_space<vmem>>) dst(%dma_wait3A_370 : memref<10240x128xf32, #tpu.memory_space<vmem_shared>>)
      %add3A_371 = arith.constant 5 : i32
      %add3A_372 = arith.addi %mul3A_227, %add3A_371 : i32
      %add3A_373 = arith.constant 0 : i32
      %add3A_374 = arith.addi %add3A_372, %add3A_373 : i32
      %mul3A_375 = arith.constant 40 : i32
      %mul3A_376 = arith.muli %add3A_374, %mul3A_375 : i32
      %dma_start3A_377 = arith.constant 0 : i32
      %dma_start3A_378 = arith.constant 0 : i32
      %dma_start3A_379 = arith.constant 0 : i32
      %dma_start3A_380 = tpu.memref_slice %arg9[%dma_start3A_377, %dma_start3A_378, %dma_start3A_379] : memref<5x40x128xf32, #tpu.memory_space<vmem>> -> memref<1x40x128xf32, #tpu.memory_space<vmem>>
      %dma_start3A_381 = tpu.memref_squeeze %dma_start3A_380 : memref<1x40x128xf32, #tpu.memory_space<vmem>> -> memref<40x128xf32, #tpu.memory_space<vmem>>
      %dma_start3A_382 = tpu.memref_slice %arg7[%mul3A_376] : memref<10000xi32, #tpu.memory_space<vmem>> -> memref<40xi32, #tpu.memory_space<vmem>>
      %dma_start3A_383 = arith.constant 0 : i32
      %dma_start3A_384 = arith.constant 0 : i32
      %dma_start3A_385 = tpu.memref_slice %arg2[%dma_start3A_383, %dma_start3A_384] : memref<10000x128xf32, #tpu.memory_space<hbm>> -> memref<10000x128xf32, #tpu.memory_space<hbm>>
      tpu.enqueue_indirect_dma source(%dma_start3A_385 : memref<10000x128xf32, #tpu.memory_space<hbm>>) target(%dma_start3A_381 : memref<40x128xf32, #tpu.memory_space<vmem>>) offsets(%dma_start3A_382 : memref<40xi32, #tpu.memory_space<vmem>>) semaphore(%arg12 : memref<!tpu.dma_semaphore, #tpu.memory_space<semaphore_mem>>)
      %add3A_386 = arith.constant 1 : i32
      %add3A_387 = arith.addi %mul3A_227, %add3A_386 : i32
      %mul3A_388 = arith.constant 40 : i32
      %mul3A_389 = arith.muli %add3A_387, %mul3A_388 : i32
      %dma_wait3A_390 = arith.constant 1 : i32
      %dma_wait3A_391 = arith.constant 0 : i32
      %dma_wait3A_392 = arith.constant 0 : i32
      %dma_wait3A_393 = tpu.memref_slice %arg9[%dma_wait3A_390, %dma_wait3A_391, %dma_wait3A_392] : memref<5x40x128xf32, #tpu.memory_space<vmem>> -> memref<1x40x128xf32, #tpu.memory_space<vmem>>
      %dma_wait3A_394 = tpu.memref_squeeze %dma_wait3A_393 : memref<1x40x128xf32, #tpu.memory_space<vmem>> -> memref<40x128xf32, #tpu.memory_space<vmem>>
      %dma_wait3A_395 = tpu.memref_slice %arg8[%mul3A_389] : memref<10000xi32, #tpu.memory_space<vmem>> -> memref<40xi32, #tpu.memory_space<vmem>>
      %dma_wait3A_396 = arith.constant 0 : i32
      %dma_wait3A_397 = arith.constant 0 : i32
      %dma_wait3A_398 = tpu.memref_slice %arg11[%dma_wait3A_396, %dma_wait3A_397] : memref<10240x128xf32, #tpu.memory_space<vmem_shared>> -> memref<10240x128xf32, #tpu.memory_space<vmem_shared>>
      tpu.wait_indirect_dma semaphore(%arg18 : memref<!tpu.dma_semaphore, #tpu.memory_space<semaphore_mem>>) src(%dma_wait3A_394 : memref<40x128xf32, #tpu.memory_space<vmem>>) dst(%dma_wait3A_398 : memref<10240x128xf32, #tpu.memory_space<vmem_shared>>)
      %add3A_399 = arith.constant 5 : i32
      %add3A_400 = arith.addi %mul3A_227, %add3A_399 : i32
      %add3A_401 = arith.constant 1 : i32
      %add3A_402 = arith.addi %add3A_400, %add3A_401 : i32
      %mul3A_403 = arith.constant 40 : i32
      %mul3A_404 = arith.muli %add3A_402, %mul3A_403 : i32
      %dma_start3A_405 = arith.constant 1 : i32
      %dma_start3A_406 = arith.constant 0 : i32
      %dma_start3A_407 = arith.constant 0 : i32
      %dma_start3A_408 = tpu.memref_slice %arg9[%dma_start3A_405, %dma_start3A_406, %dma_start3A_407] : memref<5x40x128xf32, #tpu.memory_space<vmem>> -> memref<1x40x128xf32, #tpu.memory_space<vmem>>
      %dma_start3A_409 = tpu.memref_squeeze %dma_start3A_408 : memref<1x40x128xf32, #tpu.memory_space<vmem>> -> memref<40x128xf32, #tpu.memory_space<vmem>>
      %dma_start3A_410 = tpu.memref_slice %arg7[%mul3A_404] : memref<10000xi32, #tpu.memory_space<vmem>> -> memref<40xi32, #tpu.memory_space<vmem>>
      %dma_start3A_411 = arith.constant 0 : i32
      %dma_start3A_412 = arith.constant 0 : i32
      %dma_start3A_413 = tpu.memref_slice %arg2[%dma_start3A_411, %dma_start3A_412] : memref<10000x128xf32, #tpu.memory_space<hbm>> -> memref<10000x128xf32, #tpu.memory_space<hbm>>
      tpu.enqueue_indirect_dma source(%dma_start3A_413 : memref<10000x128xf32, #tpu.memory_space<hbm>>) target(%dma_start3A_409 : memref<40x128xf32, #tpu.memory_space<vmem>>) offsets(%dma_start3A_410 : memref<40xi32, #tpu.memory_space<vmem>>) semaphore(%arg13 : memref<!tpu.dma_semaphore, #tpu.memory_space<semaphore_mem>>)
      %add3A_414 = arith.constant 2 : i32
      %add3A_415 = arith.addi %mul3A_227, %add3A_414 : i32
      %mul3A_416 = arith.constant 40 : i32
      %mul3A_417 = arith.muli %add3A_415, %mul3A_416 : i32
      %dma_wait3A_418 = arith.constant 2 : i32
      %dma_wait3A_419 = arith.constant 0 : i32
      %dma_wait3A_420 = arith.constant 0 : i32
      %dma_wait3A_421 = tpu.memref_slice %arg9[%dma_wait3A_418, %dma_wait3A_419, %dma_wait3A_420] : memref<5x40x128xf32, #tpu.memory_space<vmem>> -> memref<1x40x128xf32, #tpu.memory_space<vmem>>
      %dma_wait3A_422 = tpu.memref_squeeze %dma_wait3A_421 : memref<1x40x128xf32, #tpu.memory_space<vmem>> -> memref<40x128xf32, #tpu.memory_space<vmem>>
      %dma_wait3A_423 = tpu.memref_slice %arg8[%mul3A_417] : memref<10000xi32, #tpu.memory_space<vmem>> -> memref<40xi32, #tpu.memory_space<vmem>>
      %dma_wait3A_424 = arith.constant 0 : i32
      %dma_wait3A_425 = arith.constant 0 : i32
      %dma_wait3A_426 = tpu.memref_slice %arg11[%dma_wait3A_424, %dma_wait3A_425] : memref<10240x128xf32, #tpu.memory_space<vmem_shared>> -> memref<10240x128xf32, #tpu.memory_space<vmem_shared>>
      tpu.wait_indirect_dma semaphore(%arg19 : memref<!tpu.dma_semaphore, #tpu.memory_space<semaphore_mem>>) src(%dma_wait3A_422 : memref<40x128xf32, #tpu.memory_space<vmem>>) dst(%dma_wait3A_426 : memref<10240x128xf32, #tpu.memory_space<vmem_shared>>)
      %add3A_427 = arith.constant 5 : i32
      %add3A_428 = arith.addi %mul3A_227, %add3A_427 : i32
      %add3A_429 = arith.constant 2 : i32
      %add3A_430 = arith.addi %add3A_428, %add3A_429 : i32
      %mul3A_431 = arith.constant 40 : i32
      %mul3A_432 = arith.muli %add3A_430, %mul3A_431 : i32
      %dma_start3A_433 = arith.constant 2 : i32
      %dma_start3A_434 = arith.constant 0 : i32
      %dma_start3A_435 = arith.constant 0 : i32
      %dma_start3A_436 = tpu.memref_slice %arg9[%dma_start3A_433, %dma_start3A_434, %dma_start3A_435] : memref<5x40x128xf32, #tpu.memory_space<vmem>> -> memref<1x40x128xf32, #tpu.memory_space<vmem>>
      %dma_start3A_437 = tpu.memref_squeeze %dma_start3A_436 : memref<1x40x128xf32, #tpu.memory_space<vmem>> -> memref<40x128xf32, #tpu.memory_space<vmem>>
      %dma_start3A_438 = tpu.memref_slice %arg7[%mul3A_432] : memref<10000xi32, #tpu.memory_space<vmem>> -> memref<40xi32, #tpu.memory_space<vmem>>
      %dma_start3A_439 = arith.constant 0 : i32
      %dma_start3A_440 = arith.constant 0 : i32
      %dma_start3A_441 = tpu.memref_slice %arg2[%dma_start3A_439, %dma_start3A_440] : memref<10000x128xf32, #tpu.memory_space<hbm>> -> memref<10000x128xf32, #tpu.memory_space<hbm>>
      tpu.enqueue_indirect_dma source(%dma_start3A_441 : memref<10000x128xf32, #tpu.memory_space<hbm>>) target(%dma_start3A_437 : memref<40x128xf32, #tpu.memory_space<vmem>>) offsets(%dma_start3A_438 : memref<40xi32, #tpu.memory_space<vmem>>) semaphore(%arg14 : memref<!tpu.dma_semaphore, #tpu.memory_space<semaphore_mem>>)
      %add3A_442 = arith.constant 3 : i32
      %add3A_443 = arith.addi %mul3A_227, %add3A_442 : i32
      %mul3A_444 = arith.constant 40 : i32
      %mul3A_445 = arith.muli %add3A_443, %mul3A_444 : i32
      %dma_wait3A_446 = arith.constant 3 : i32
      %dma_wait3A_447 = arith.constant 0 : i32
      %dma_wait3A_448 = arith.constant 0 : i32
      %dma_wait3A_449 = tpu.memref_slice %arg9[%dma_wait3A_446, %dma_wait3A_447, %dma_wait3A_448] : memref<5x40x128xf32, #tpu.memory_space<vmem>> -> memref<1x40x128xf32, #tpu.memory_space<vmem>>
      %dma_wait3A_450 = tpu.memref_squeeze %dma_wait3A_449 : memref<1x40x128xf32, #tpu.memory_space<vmem>> -> memref<40x128xf32, #tpu.memory_space<vmem>>
      %dma_wait3A_451 = tpu.memref_slice %arg8[%mul3A_445] : memref<10000xi32, #tpu.memory_space<vmem>> -> memref<40xi32, #tpu.memory_space<vmem>>
      %dma_wait3A_452 = arith.constant 0 : i32
      %dma_wait3A_453 = arith.constant 0 : i32
      %dma_wait3A_454 = tpu.memref_slice %arg11[%dma_wait3A_452, %dma_wait3A_453] : memref<10240x128xf32, #tpu.memory_space<vmem_shared>> -> memref<10240x128xf32, #tpu.memory_space<vmem_shared>>
      tpu.wait_indirect_dma semaphore(%arg20 : memref<!tpu.dma_semaphore, #tpu.memory_space<semaphore_mem>>) src(%dma_wait3A_450 : memref<40x128xf32, #tpu.memory_space<vmem>>) dst(%dma_wait3A_454 : memref<10240x128xf32, #tpu.memory_space<vmem_shared>>)
      %add3A_455 = arith.constant 5 : i32
      %add3A_456 = arith.addi %mul3A_227, %add3A_455 : i32
      %add3A_457 = arith.constant 3 : i32
      %add3A_458 = arith.addi %add3A_456, %add3A_457 : i32
      %mul3A_459 = arith.constant 40 : i32
      %mul3A_460 = arith.muli %add3A_458, %mul3A_459 : i32
      %dma_start3A_461 = arith.constant 3 : i32
      %dma_start3A_462 = arith.constant 0 : i32
      %dma_start3A_463 = arith.constant 0 : i32
      %dma_start3A_464 = tpu.memref_slice %arg9[%dma_start3A_461, %dma_start3A_462, %dma_start3A_463] : memref<5x40x128xf32, #tpu.memory_space<vmem>> -> memref<1x40x128xf32, #tpu.memory_space<vmem>>
      %dma_start3A_465 = tpu.memref_squeeze %dma_start3A_464 : memref<1x40x128xf32, #tpu.memory_space<vmem>> -> memref<40x128xf32, #tpu.memory_space<vmem>>
      %dma_start3A_466 = tpu.memref_slice %arg7[%mul3A_460] : memref<10000xi32, #tpu.memory_space<vmem>> -> memref<40xi32, #tpu.memory_space<vmem>>
      %dma_start3A_467 = arith.constant 0 : i32
      %dma_start3A_468 = arith.constant 0 : i32
      %dma_start3A_469 = tpu.memref_slice %arg2[%dma_start3A_467, %dma_start3A_468] : memref<10000x128xf32, #tpu.memory_space<hbm>> -> memref<10000x128xf32, #tpu.memory_space<hbm>>
      tpu.enqueue_indirect_dma source(%dma_start3A_469 : memref<10000x128xf32, #tpu.memory_space<hbm>>) target(%dma_start3A_465 : memref<40x128xf32, #tpu.memory_space<vmem>>) offsets(%dma_start3A_466 : memref<40xi32, #tpu.memory_space<vmem>>) semaphore(%arg15 : memref<!tpu.dma_semaphore, #tpu.memory_space<semaphore_mem>>)
      %add3A_470 = arith.constant 4 : i32
      %add3A_471 = arith.addi %mul3A_227, %add3A_470 : i32
      %mul3A_472 = arith.constant 40 : i32
      %mul3A_473 = arith.muli %add3A_471, %mul3A_472 : i32
      %dma_wait3A_474 = arith.constant 4 : i32
      %dma_wait3A_475 = arith.constant 0 : i32
      %dma_wait3A_476 = arith.constant 0 : i32
      %dma_wait3A_477 = tpu.memref_slice %arg9[%dma_wait3A_474, %dma_wait3A_475, %dma_wait3A_476] : memref<5x40x128xf32, #tpu.memory_space<vmem>> -> memref<1x40x128xf32, #tpu.memory_space<vmem>>
      %dma_wait3A_478 = tpu.memref_squeeze %dma_wait3A_477 : memref<1x40x128xf32, #tpu.memory_space<vmem>> -> memref<40x128xf32, #tpu.memory_space<vmem>>
      %dma_wait3A_479 = tpu.memref_slice %arg8[%mul3A_473] : memref<10000xi32, #tpu.memory_space<vmem>> -> memref<40xi32, #tpu.memory_space<vmem>>
      %dma_wait3A_480 = arith.constant 0 : i32
      %dma_wait3A_481 = arith.constant 0 : i32
      %dma_wait3A_482 = tpu.memref_slice %arg11[%dma_wait3A_480, %dma_wait3A_481] : memref<10240x128xf32, #tpu.memory_space<vmem_shared>> -> memref<10240x128xf32, #tpu.memory_space<vmem_shared>>
      tpu.wait_indirect_dma semaphore(%arg21 : memref<!tpu.dma_semaphore, #tpu.memory_space<semaphore_mem>>) src(%dma_wait3A_478 : memref<40x128xf32, #tpu.memory_space<vmem>>) dst(%dma_wait3A_482 : memref<10240x128xf32, #tpu.memory_space<vmem_shared>>)
      %add3A_483 = arith.constant 5 : i32
      %add3A_484 = arith.addi %mul3A_227, %add3A_483 : i32
      %add3A_485 = arith.constant 4 : i32
      %add3A_486 = arith.addi %add3A_484, %add3A_485 : i32
      %mul3A_487 = arith.constant 40 : i32
      %mul3A_488 = arith.muli %add3A_486, %mul3A_487 : i32
      %dma_start3A_489 = arith.constant 4 : i32
      %dma_start3A_490 = arith.constant 0 : i32
      %dma_start3A_491 = arith.constant 0 : i32
      %dma_start3A_492 = tpu.memref_slice %arg9[%dma_start3A_489, %dma_start3A_490, %dma_start3A_491] : memref<5x40x128xf32, #tpu.memory_space<vmem>> -> memref<1x40x128xf32, #tpu.memory_space<vmem>>
      %dma_start3A_493 = tpu.memref_squeeze %dma_start3A_492 : memref<1x40x128xf32, #tpu.memory_space<vmem>> -> memref<40x128xf32, #tpu.memory_space<vmem>>
      %dma_start3A_494 = tpu.memref_slice %arg7[%mul3A_488] : memref<10000xi32, #tpu.memory_space<vmem>> -> memref<40xi32, #tpu.memory_space<vmem>>
      %dma_start3A_495 = arith.constant 0 : i32
      %dma_start3A_496 = arith.constant 0 : i32
      %dma_start3A_497 = tpu.memref_slice %arg2[%dma_start3A_495, %dma_start3A_496] : memref<10000x128xf32, #tpu.memory_space<hbm>> -> memref<10000x128xf32, #tpu.memory_space<hbm>>
      tpu.enqueue_indirect_dma source(%dma_start3A_497 : memref<10000x128xf32, #tpu.memory_space<hbm>>) target(%dma_start3A_493 : memref<40x128xf32, #tpu.memory_space<vmem>>) offsets(%dma_start3A_494 : memref<40xi32, #tpu.memory_space<vmem>>) semaphore(%arg16 : memref<!tpu.dma_semaphore, #tpu.memory_space<semaphore_mem>>)
    }
    %scan3A_69 = arith.constant 49 : i32
    %dma_wait3A_70 = arith.constant 0 : i32
    %dma_wait3A_71 = arith.constant 0 : i32
    %dma_wait3A_72 = arith.constant 0 : i32
    %dma_wait3A_73 = tpu.memref_slice %arg9[%dma_wait3A_70, %dma_wait3A_71, %dma_wait3A_72] : memref<5x40x128xf32, #tpu.memory_space<vmem>> -> memref<1x40x128xf32, #tpu.memory_space<vmem>>
    %dma_wait3A_74 = tpu.memref_squeeze %dma_wait3A_73 : memref<1x40x128xf32, #tpu.memory_space<vmem>> -> memref<40x128xf32, #tpu.memory_space<vmem>>
    %dma_wait3A_75 = arith.constant 9800 : i32
    %dma_wait3A_76 = tpu.memref_slice %arg7[%dma_wait3A_75] : memref<10000xi32, #tpu.memory_space<vmem>> -> memref<40xi32, #tpu.memory_space<vmem>>
    %dma_wait3A_77 = arith.constant 0 : i32
    %dma_wait3A_78 = arith.constant 0 : i32
    %dma_wait3A_79 = tpu.memref_slice %arg2[%dma_wait3A_77, %dma_wait3A_78] : memref<10000x128xf32, #tpu.memory_space<hbm>> -> memref<10000x128xf32, #tpu.memory_space<hbm>>
    tpu.wait_indirect_dma semaphore(%arg12 : memref<!tpu.dma_semaphore, #tpu.memory_space<semaphore_mem>>) src(%dma_wait3A_79 : memref<10000x128xf32, #tpu.memory_space<hbm>>) dst(%dma_wait3A_74 : memref<40x128xf32, #tpu.memory_space<vmem>>)
    %dma_start3A_80 = arith.constant 0 : i32
    %dma_start3A_81 = arith.constant 0 : i32
    %dma_start3A_82 = arith.constant 0 : i32
    %dma_start3A_83 = tpu.memref_slice %arg9[%dma_start3A_80, %dma_start3A_81, %dma_start3A_82] : memref<5x40x128xf32, #tpu.memory_space<vmem>> -> memref<1x40x128xf32, #tpu.memory_space<vmem>>
    %dma_start3A_84 = tpu.memref_squeeze %dma_start3A_83 : memref<1x40x128xf32, #tpu.memory_space<vmem>> -> memref<40x128xf32, #tpu.memory_space<vmem>>
    %dma_start3A_85 = arith.constant 9800 : i32
    %dma_start3A_86 = tpu.memref_slice %arg8[%dma_start3A_85] : memref<10000xi32, #tpu.memory_space<vmem>> -> memref<40xi32, #tpu.memory_space<vmem>>
    %dma_start3A_87 = arith.constant 0 : i32
    %dma_start3A_88 = arith.constant 0 : i32
    %dma_start3A_89 = tpu.memref_slice %arg11[%dma_start3A_87, %dma_start3A_88] : memref<10240x128xf32, #tpu.memory_space<vmem_shared>> -> memref<10240x128xf32, #tpu.memory_space<vmem_shared>>
    tpu.enqueue_indirect_dma source(%dma_start3A_84 : memref<40x128xf32, #tpu.memory_space<vmem>>) target(%dma_start3A_89 : memref<10240x128xf32, #tpu.memory_space<vmem_shared>>) offsets(%dma_start3A_86 : memref<40xi32, #tpu.memory_space<vmem>>) semaphore(%arg17 : memref<!tpu.dma_semaphore, #tpu.memory_space<semaphore_mem>>) {add = true}
    %dma_wait3A_90 = arith.constant 1 : i32
    %dma_wait3A_91 = arith.constant 0 : i32
    %dma_wait3A_92 = arith.constant 0 : i32
    %dma_wait3A_93 = tpu.memref_slice %arg9[%dma_wait3A_90, %dma_wait3A_91, %dma_wait3A_92] : memref<5x40x128xf32, #tpu.memory_space<vmem>> -> memref<1x40x128xf32, #tpu.memory_space<vmem>>
    %dma_wait3A_94 = tpu.memref_squeeze %dma_wait3A_93 : memref<1x40x128xf32, #tpu.memory_space<vmem>> -> memref<40x128xf32, #tpu.memory_space<vmem>>
    %dma_wait3A_95 = arith.constant 9840 : i32
    %dma_wait3A_96 = tpu.memref_slice %arg7[%dma_wait3A_95] : memref<10000xi32, #tpu.memory_space<vmem>> -> memref<40xi32, #tpu.memory_space<vmem>>
    %dma_wait3A_97 = arith.constant 0 : i32
    %dma_wait3A_98 = arith.constant 0 : i32
    %dma_wait3A_99 = tpu.memref_slice %arg2[%dma_wait3A_97, %dma_wait3A_98] : memref<10000x128xf32, #tpu.memory_space<hbm>> -> memref<10000x128xf32, #tpu.memory_space<hbm>>
    tpu.wait_indirect_dma semaphore(%arg13 : memref<!tpu.dma_semaphore, #tpu.memory_space<semaphore_mem>>) src(%dma_wait3A_99 : memref<10000x128xf32, #tpu.memory_space<hbm>>) dst(%dma_wait3A_94 : memref<40x128xf32, #tpu.memory_space<vmem>>)
    %dma_start3A_100 = arith.constant 1 : i32
    %dma_start3A_101 = arith.constant 0 : i32
    %dma_start3A_102 = arith.constant 0 : i32
    %dma_start3A_103 = tpu.memref_slice %arg9[%dma_start3A_100, %dma_start3A_101, %dma_start3A_102] : memref<5x40x128xf32, #tpu.memory_space<vmem>> -> memref<1x40x128xf32, #tpu.memory_space<vmem>>
    %dma_start3A_104 = tpu.memref_squeeze %dma_start3A_103 : memref<1x40x128xf32, #tpu.memory_space<vmem>> -> memref<40x128xf32, #tpu.memory_space<vmem>>
    %dma_start3A_105 = arith.constant 9840 : i32
    %dma_start3A_106 = tpu.memref_slice %arg8[%dma_start3A_105] : memref<10000xi32, #tpu.memory_space<vmem>> -> memref<40xi32, #tpu.memory_space<vmem>>
    %dma_start3A_107 = arith.constant 0 : i32
    %dma_start3A_108 = arith.constant 0 : i32
    %dma_start3A_109 = tpu.memref_slice %arg11[%dma_start3A_107, %dma_start3A_108] : memref<10240x128xf32, #tpu.memory_space<vmem_shared>> -> memref<10240x128xf32, #tpu.memory_space<vmem_shared>>
    tpu.enqueue_indirect_dma source(%dma_start3A_104 : memref<40x128xf32, #tpu.memory_space<vmem>>) target(%dma_start3A_109 : memref<10240x128xf32, #tpu.memory_space<vmem_shared>>) offsets(%dma_start3A_106 : memref<40xi32, #tpu.memory_space<vmem>>) semaphore(%arg18 : memref<!tpu.dma_semaphore, #tpu.memory_space<semaphore_mem>>) {add = true}
    %dma_wait3A_110 = arith.constant 2 : i32
    %dma_wait3A_111 = arith.constant 0 : i32
    %dma_wait3A_112 = arith.constant 0 : i32
    %dma_wait3A_113 = tpu.memref_slice %arg9[%dma_wait3A_110, %dma_wait3A_111, %dma_wait3A_112] : memref<5x40x128xf32, #tpu.memory_space<vmem>> -> memref<1x40x128xf32, #tpu.memory_space<vmem>>
    %dma_wait3A_114 = tpu.memref_squeeze %dma_wait3A_113 : memref<1x40x128xf32, #tpu.memory_space<vmem>> -> memref<40x128xf32, #tpu.memory_space<vmem>>
    %dma_wait3A_115 = arith.constant 9880 : i32
    %dma_wait3A_116 = tpu.memref_slice %arg7[%dma_wait3A_115] : memref<10000xi32, #tpu.memory_space<vmem>> -> memref<40xi32, #tpu.memory_space<vmem>>
    %dma_wait3A_117 = arith.constant 0 : i32
    %dma_wait3A_118 = arith.constant 0 : i32
    %dma_wait3A_119 = tpu.memref_slice %arg2[%dma_wait3A_117, %dma_wait3A_118] : memref<10000x128xf32, #tpu.memory_space<hbm>> -> memref<10000x128xf32, #tpu.memory_space<hbm>>
    tpu.wait_indirect_dma semaphore(%arg14 : memref<!tpu.dma_semaphore, #tpu.memory_space<semaphore_mem>>) src(%dma_wait3A_119 : memref<10000x128xf32, #tpu.memory_space<hbm>>) dst(%dma_wait3A_114 : memref<40x128xf32, #tpu.memory_space<vmem>>)
    %dma_start3A_120 = arith.constant 2 : i32
    %dma_start3A_121 = arith.constant 0 : i32
    %dma_start3A_122 = arith.constant 0 : i32
    %dma_start3A_123 = tpu.memref_slice %arg9[%dma_start3A_120, %dma_start3A_121, %dma_start3A_122] : memref<5x40x128xf32, #tpu.memory_space<vmem>> -> memref<1x40x128xf32, #tpu.memory_space<vmem>>
    %dma_start3A_124 = tpu.memref_squeeze %dma_start3A_123 : memref<1x40x128xf32, #tpu.memory_space<vmem>> -> memref<40x128xf32, #tpu.memory_space<vmem>>
    %dma_start3A_125 = arith.constant 9880 : i32
    %dma_start3A_126 = tpu.memref_slice %arg8[%dma_start3A_125] : memref<10000xi32, #tpu.memory_space<vmem>> -> memref<40xi32, #tpu.memory_space<vmem>>
    %dma_start3A_127 = arith.constant 0 : i32
    %dma_start3A_128 = arith.constant 0 : i32
    %dma_start3A_129 = tpu.memref_slice %arg11[%dma_start3A_127, %dma_start3A_128] : memref<10240x128xf32, #tpu.memory_space<vmem_shared>> -> memref<10240x128xf32, #tpu.memory_space<vmem_shared>>
    tpu.enqueue_indirect_dma source(%dma_start3A_124 : memref<40x128xf32, #tpu.memory_space<vmem>>) target(%dma_start3A_129 : memref<10240x128xf32, #tpu.memory_space<vmem_shared>>) offsets(%dma_start3A_126 : memref<40xi32, #tpu.memory_space<vmem>>) semaphore(%arg19 : memref<!tpu.dma_semaphore, #tpu.memory_space<semaphore_mem>>) {add = true}
    %dma_wait3A_130 = arith.constant 3 : i32
    %dma_wait3A_131 = arith.constant 0 : i32
    %dma_wait3A_132 = arith.constant 0 : i32
    %dma_wait3A_133 = tpu.memref_slice %arg9[%dma_wait3A_130, %dma_wait3A_131, %dma_wait3A_132] : memref<5x40x128xf32, #tpu.memory_space<vmem>> -> memref<1x40x128xf32, #tpu.memory_space<vmem>>
    %dma_wait3A_134 = tpu.memref_squeeze %dma_wait3A_133 : memref<1x40x128xf32, #tpu.memory_space<vmem>> -> memref<40x128xf32, #tpu.memory_space<vmem>>
    %dma_wait3A_135 = arith.constant 9920 : i32
    %dma_wait3A_136 = tpu.memref_slice %arg7[%dma_wait3A_135] : memref<10000xi32, #tpu.memory_space<vmem>> -> memref<40xi32, #tpu.memory_space<vmem>>
    %dma_wait3A_137 = arith.constant 0 : i32
    %dma_wait3A_138 = arith.constant 0 : i32
    %dma_wait3A_139 = tpu.memref_slice %arg2[%dma_wait3A_137, %dma_wait3A_138] : memref<10000x128xf32, #tpu.memory_space<hbm>> -> memref<10000x128xf32, #tpu.memory_space<hbm>>
    tpu.wait_indirect_dma semaphore(%arg15 : memref<!tpu.dma_semaphore, #tpu.memory_space<semaphore_mem>>) src(%dma_wait3A_139 : memref<10000x128xf32, #tpu.memory_space<hbm>>) dst(%dma_wait3A_134 : memref<40x128xf32, #tpu.memory_space<vmem>>)
    %dma_start3A_140 = arith.constant 3 : i32
    %dma_start3A_141 = arith.constant 0 : i32
    %dma_start3A_142 = arith.constant 0 : i32
    %dma_start3A_143 = tpu.memref_slice %arg9[%dma_start3A_140, %dma_start3A_141, %dma_start3A_142] : memref<5x40x128xf32, #tpu.memory_space<vmem>> -> memref<1x40x128xf32, #tpu.memory_space<vmem>>
    %dma_start3A_144 = tpu.memref_squeeze %dma_start3A_143 : memref<1x40x128xf32, #tpu.memory_space<vmem>> -> memref<40x128xf32, #tpu.memory_space<vmem>>
    %dma_start3A_145 = arith.constant 9920 : i32
    %dma_start3A_146 = tpu.memref_slice %arg8[%dma_start3A_145] : memref<10000xi32, #tpu.memory_space<vmem>> -> memref<40xi32, #tpu.memory_space<vmem>>
    %dma_start3A_147 = arith.constant 0 : i32
    %dma_start3A_148 = arith.constant 0 : i32
    %dma_start3A_149 = tpu.memref_slice %arg11[%dma_start3A_147, %dma_start3A_148] : memref<10240x128xf32, #tpu.memory_space<vmem_shared>> -> memref<10240x128xf32, #tpu.memory_space<vmem_shared>>
    tpu.enqueue_indirect_dma source(%dma_start3A_144 : memref<40x128xf32, #tpu.memory_space<vmem>>) target(%dma_start3A_149 : memref<10240x128xf32, #tpu.memory_space<vmem_shared>>) offsets(%dma_start3A_146 : memref<40xi32, #tpu.memory_space<vmem>>) semaphore(%arg20 : memref<!tpu.dma_semaphore, #tpu.memory_space<semaphore_mem>>) {add = true}
    %dma_wait3A_150 = arith.constant 4 : i32
    %dma_wait3A_151 = arith.constant 0 : i32
    %dma_wait3A_152 = arith.constant 0 : i32
    %dma_wait3A_153 = tpu.memref_slice %arg9[%dma_wait3A_150, %dma_wait3A_151, %dma_wait3A_152] : memref<5x40x128xf32, #tpu.memory_space<vmem>> -> memref<1x40x128xf32, #tpu.memory_space<vmem>>
    %dma_wait3A_154 = tpu.memref_squeeze %dma_wait3A_153 : memref<1x40x128xf32, #tpu.memory_space<vmem>> -> memref<40x128xf32, #tpu.memory_space<vmem>>
    %dma_wait3A_155 = arith.constant 9960 : i32
    %dma_wait3A_156 = tpu.memref_slice %arg7[%dma_wait3A_155] : memref<10000xi32, #tpu.memory_space<vmem>> -> memref<40xi32, #tpu.memory_space<vmem>>
    %dma_wait3A_157 = arith.constant 0 : i32
    %dma_wait3A_158 = arith.constant 0 : i32
    %dma_wait3A_159 = tpu.memref_slice %arg2[%dma_wait3A_157, %dma_wait3A_158] : memref<10000x128xf32, #tpu.memory_space<hbm>> -> memref<10000x128xf32, #tpu.memory_space<hbm>>
    tpu.wait_indirect_dma semaphore(%arg16 : memref<!tpu.dma_semaphore, #tpu.memory_space<semaphore_mem>>) src(%dma_wait3A_159 : memref<10000x128xf32, #tpu.memory_space<hbm>>) dst(%dma_wait3A_154 : memref<40x128xf32, #tpu.memory_space<vmem>>)
    %dma_start3A_160 = arith.constant 4 : i32
    %dma_start3A_161 = arith.constant 0 : i32
    %dma_start3A_162 = arith.constant 0 : i32
    %dma_start3A_163 = tpu.memref_slice %arg9[%dma_start3A_160, %dma_start3A_161, %dma_start3A_162] : memref<5x40x128xf32, #tpu.memory_space<vmem>> -> memref<1x40x128xf32, #tpu.memory_space<vmem>>
    %dma_start3A_164 = tpu.memref_squeeze %dma_start3A_163 : memref<1x40x128xf32, #tpu.memory_space<vmem>> -> memref<40x128xf32, #tpu.memory_space<vmem>>
    %dma_start3A_165 = arith.constant 9960 : i32
    %dma_start3A_166 = tpu.memref_slice %arg8[%dma_start3A_165] : memref<10000xi32, #tpu.memory_space<vmem>> -> memref<40xi32, #tpu.memory_space<vmem>>
    %dma_start3A_167 = arith.constant 0 : i32
    %dma_start3A_168 = arith.constant 0 : i32
    %dma_start3A_169 = tpu.memref_slice %arg11[%dma_start3A_167, %dma_start3A_168] : memref<10240x128xf32, #tpu.memory_space<vmem_shared>> -> memref<10240x128xf32, #tpu.memory_space<vmem_shared>>
    tpu.enqueue_indirect_dma source(%dma_start3A_164 : memref<40x128xf32, #tpu.memory_space<vmem>>) target(%dma_start3A_169 : memref<10240x128xf32, #tpu.memory_space<vmem_shared>>) offsets(%dma_start3A_166 : memref<40xi32, #tpu.memory_space<vmem>>) semaphore(%arg21 : memref<!tpu.dma_semaphore, #tpu.memory_space<semaphore_mem>>) {add = true}
    %dma_wait3A_170 = arith.constant 0 : i32
    %dma_wait3A_171 = arith.constant 0 : i32
    %dma_wait3A_172 = arith.constant 0 : i32
    %dma_wait3A_173 = tpu.memref_slice %arg9[%dma_wait3A_170, %dma_wait3A_171, %dma_wait3A_172] : memref<5x40x128xf32, #tpu.memory_space<vmem>> -> memref<1x40x128xf32, #tpu.memory_space<vmem>>
    %dma_wait3A_174 = tpu.memref_squeeze %dma_wait3A_173 : memref<1x40x128xf32, #tpu.memory_space<vmem>> -> memref<40x128xf32, #tpu.memory_space<vmem>>
    %dma_wait3A_175 = arith.constant 9800 : i32
    %dma_wait3A_176 = tpu.memref_slice %arg8[%dma_wait3A_175] : memref<10000xi32, #tpu.memory_space<vmem>> -> memref<40xi32, #tpu.memory_space<vmem>>
    %dma_wait3A_177 = arith.constant 0 : i32
    %dma_wait3A_178 = arith.constant 0 : i32
    %dma_wait3A_179 = tpu.memref_slice %arg11[%dma_wait3A_177, %dma_wait3A_178] : memref<10240x128xf32, #tpu.memory_space<vmem_shared>> -> memref<10240x128xf32, #tpu.memory_space<vmem_shared>>
    tpu.wait_indirect_dma semaphore(%arg17 : memref<!tpu.dma_semaphore, #tpu.memory_space<semaphore_mem>>) src(%dma_wait3A_174 : memref<40x128xf32, #tpu.memory_space<vmem>>) dst(%dma_wait3A_179 : memref<10240x128xf32, #tpu.memory_space<vmem_shared>>)
    %dma_wait3A_180 = arith.constant 1 : i32
    %dma_wait3A_181 = arith.constant 0 : i32
    %dma_wait3A_182 = arith.constant 0 : i32
    %dma_wait3A_183 = tpu.memref_slice %arg9[%dma_wait3A_180, %dma_wait3A_181, %dma_wait3A_182] : memref<5x40x128xf32, #tpu.memory_space<vmem>> -> memref<1x40x128xf32, #tpu.memory_space<vmem>>
    %dma_wait3A_184 = tpu.memref_squeeze %dma_wait3A_183 : memref<1x40x128xf32, #tpu.memory_space<vmem>> -> memref<40x128xf32, #tpu.memory_space<vmem>>
    %dma_wait3A_185 = arith.constant 9840 : i32
    %dma_wait3A_186 = tpu.memref_slice %arg8[%dma_wait3A_185] : memref<10000xi32, #tpu.memory_space<vmem>> -> memref<40xi32, #tpu.memory_space<vmem>>
    %dma_wait3A_187 = arith.constant 0 : i32
    %dma_wait3A_188 = arith.constant 0 : i32
    %dma_wait3A_189 = tpu.memref_slice %arg11[%dma_wait3A_187, %dma_wait3A_188] : memref<10240x128xf32, #tpu.memory_space<vmem_shared>> -> memref<10240x128xf32, #tpu.memory_space<vmem_shared>>
    tpu.wait_indirect_dma semaphore(%arg18 : memref<!tpu.dma_semaphore, #tpu.memory_space<semaphore_mem>>) src(%dma_wait3A_184 : memref<40x128xf32, #tpu.memory_space<vmem>>) dst(%dma_wait3A_189 : memref<10240x128xf32, #tpu.memory_space<vmem_shared>>)
    %dma_wait3A_190 = arith.constant 2 : i32
    %dma_wait3A_191 = arith.constant 0 : i32
    %dma_wait3A_192 = arith.constant 0 : i32
    %dma_wait3A_193 = tpu.memref_slice %arg9[%dma_wait3A_190, %dma_wait3A_191, %dma_wait3A_192] : memref<5x40x128xf32, #tpu.memory_space<vmem>> -> memref<1x40x128xf32, #tpu.memory_space<vmem>>
    %dma_wait3A_194 = tpu.memref_squeeze %dma_wait3A_193 : memref<1x40x128xf32, #tpu.memory_space<vmem>> -> memref<40x128xf32, #tpu.memory_space<vmem>>
    %dma_wait3A_195 = arith.constant 9880 : i32
    %dma_wait3A_196 = tpu.memref_slice %arg8[%dma_wait3A_195] : memref<10000xi32, #tpu.memory_space<vmem>> -> memref<40xi32, #tpu.memory_space<vmem>>
    %dma_wait3A_197 = arith.constant 0 : i32
    %dma_wait3A_198 = arith.constant 0 : i32
    %dma_wait3A_199 = tpu.memref_slice %arg11[%dma_wait3A_197, %dma_wait3A_198] : memref<10240x128xf32, #tpu.memory_space<vmem_shared>> -> memref<10240x128xf32, #tpu.memory_space<vmem_shared>>
    tpu.wait_indirect_dma semaphore(%arg19 : memref<!tpu.dma_semaphore, #tpu.memory_space<semaphore_mem>>) src(%dma_wait3A_194 : memref<40x128xf32, #tpu.memory_space<vmem>>) dst(%dma_wait3A_199 : memref<10240x128xf32, #tpu.memory_space<vmem_shared>>)
    %dma_wait3A_200 = arith.constant 3 : i32
    %dma_wait3A_201 = arith.constant 0 : i32
    %dma_wait3A_202 = arith.constant 0 : i32
    %dma_wait3A_203 = tpu.memref_slice %arg9[%dma_wait3A_200, %dma_wait3A_201, %dma_wait3A_202] : memref<5x40x128xf32, #tpu.memory_space<vmem>> -> memref<1x40x128xf32, #tpu.memory_space<vmem>>
    %dma_wait3A_204 = tpu.memref_squeeze %dma_wait3A_203 : memref<1x40x128xf32, #tpu.memory_space<vmem>> -> memref<40x128xf32, #tpu.memory_space<vmem>>
    %dma_wait3A_205 = arith.constant 9920 : i32
    %dma_wait3A_206 = tpu.memref_slice %arg8[%dma_wait3A_205] : memref<10000xi32, #tpu.memory_space<vmem>> -> memref<40xi32, #tpu.memory_space<vmem>>
    %dma_wait3A_207 = arith.constant 0 : i32
    %dma_wait3A_208 = arith.constant 0 : i32
    %dma_wait3A_209 = tpu.memref_slice %arg11[%dma_wait3A_207, %dma_wait3A_208] : memref<10240x128xf32, #tpu.memory_space<vmem_shared>> -> memref<10240x128xf32, #tpu.memory_space<vmem_shared>>
    tpu.wait_indirect_dma semaphore(%arg20 : memref<!tpu.dma_semaphore, #tpu.memory_space<semaphore_mem>>) src(%dma_wait3A_204 : memref<40x128xf32, #tpu.memory_space<vmem>>) dst(%dma_wait3A_209 : memref<10240x128xf32, #tpu.memory_space<vmem_shared>>)
    %dma_wait3A_210 = arith.constant 4 : i32
    %dma_wait3A_211 = arith.constant 0 : i32
    %dma_wait3A_212 = arith.constant 0 : i32
    %dma_wait3A_213 = tpu.memref_slice %arg9[%dma_wait3A_210, %dma_wait3A_211, %dma_wait3A_212] : memref<5x40x128xf32, #tpu.memory_space<vmem>> -> memref<1x40x128xf32, #tpu.memory_space<vmem>>
    %dma_wait3A_214 = tpu.memref_squeeze %dma_wait3A_213 : memref<1x40x128xf32, #tpu.memory_space<vmem>> -> memref<40x128xf32, #tpu.memory_space<vmem>>
    %dma_wait3A_215 = arith.constant 9960 : i32
    %dma_wait3A_216 = tpu.memref_slice %arg8[%dma_wait3A_215] : memref<10000xi32, #tpu.memory_space<vmem>> -> memref<40xi32, #tpu.memory_space<vmem>>
    %dma_wait3A_217 = arith.constant 0 : i32
    %dma_wait3A_218 = arith.constant 0 : i32
    %dma_wait3A_219 = tpu.memref_slice %arg11[%dma_wait3A_217, %dma_wait3A_218] : memref<10240x128xf32, #tpu.memory_space<vmem_shared>> -> memref<10240x128xf32, #tpu.memory_space<vmem_shared>>
    tpu.wait_indirect_dma semaphore(%arg21 : memref<!tpu.dma_semaphore, #tpu.memory_space<semaphore_mem>>) src(%dma_wait3A_214 : memref<40x128xf32, #tpu.memory_space<vmem>>) dst(%dma_wait3A_219 : memref<10240x128xf32, #tpu.memory_space<vmem_shared>>)
    %barrier3A_220 = arith.constant 0 : index
    tpu.barrier barrier_id(%barrier3A_220)
    %mul3A_221 = arith.constant 640 : i32
    %mul3A_222 = arith.muli %arg1, %mul3A_221 : i32
    %mul3A_223 = arith.constant 640 : i32
    %mul3A_224 = arith.muli %arg1, %mul3A_223 : i32
    "tpu.region"() ({
      %run_scoped3A = tpu.sem_alloc : memref<!tpu.dma_semaphore, #tpu.memory_space<semaphore_mem>>
      %dma_start3A_225 = arith.constant 0 : i32
      %dma_start3A_226 = tpu.memref_slice %arg6[%arg0, %mul3A_224, %dma_start3A_225] : memref<2x10240x128xf32, #tpu.memory_space<hbm>> -> memref<1x640x128xf32, #tpu.memory_space<hbm>>
      %dma_start3A_227 = tpu.memref_squeeze %dma_start3A_226 : memref<1x640x128xf32, #tpu.memory_space<hbm>> -> memref<640x128xf32, #tpu.memory_space<hbm>>
      %dma_start3A_228 = arith.constant 0 : i32
      %dma_start3A_229 = tpu.memref_slice %arg11[%mul3A_222, %dma_start3A_228] : memref<10240x128xf32, #tpu.memory_space<vmem_shared>> -> memref<640x128xf32, #tpu.memory_space<vmem_shared>>
      tpu.enqueue_dma source(%dma_start3A_229 : memref<640x128xf32, #tpu.memory_space<vmem_shared>>) target(%dma_start3A_227 : memref<640x128xf32, #tpu.memory_space<hbm>>) target_semaphore(%run_scoped3A : memref<!tpu.dma_semaphore, #tpu.memory_space<semaphore_mem>>)
      %dma_wait3A_230 = arith.constant 0 : i32
      %dma_wait3A_231 = tpu.memref_slice %arg6[%arg0, %mul3A_224, %dma_wait3A_230] : memref<2x10240x128xf32, #tpu.memory_space<hbm>> -> memref<1x640x128xf32, #tpu.memory_space<hbm>>
      %dma_wait3A_232 = tpu.memref_squeeze %dma_wait3A_231 : memref<1x640x128xf32, #tpu.memory_space<hbm>> -> memref<640x128xf32, #tpu.memory_space<hbm>>
      %dma_wait3A_233 = arith.constant 0 : i32
      %dma_wait3A_234 = tpu.memref_slice %arg11[%mul3A_222, %dma_wait3A_233] : memref<10240x128xf32, #tpu.memory_space<vmem_shared>> -> memref<640x128xf32, #tpu.memory_space<vmem_shared>>
      tpu.wait_dma2 semaphore(%run_scoped3A : memref<!tpu.dma_semaphore, #tpu.memory_space<semaphore_mem>>) src(%dma_wait3A_234 : memref<640x128xf32, #tpu.memory_space<vmem_shared>>) dst(%dma_wait3A_232 : memref<640x128xf32, #tpu.memory_space<hbm>>)
      tpu.yield
    }) : () -> ()
    return
  }
}

module attributes {stable_mosaic.version = 14 : i64} {
  func.func @_colfix_body(%arg0: memref<2500x128xi32, #tpu.memory_space<vmem>>, %arg1: memref<2500x128xi32, #tpu.memory_space<vmem>>, %arg2: memref<2500x128xi32, #tpu.memory_space<vmem>>) attributes {dimension_semantics = [], scalar_prefetch = 0 : i64, scratch_operands = 0 : i64, tpu.core_type = #tpu.core_type<tc>} {
    %get3A = arith.constant 0 : index
    %get3A_0 = arith.constant 0 : index
    %get3A_1 = vector.load %arg0[%get3A, %get3A_0] : memref<2500x128xi32, #tpu.memory_space<vmem>>, vector<2500x128xi32>
    %get3A_2 = arith.constant 0 : index
    %get3A_3 = arith.constant 0 : index
    %get3A_4 = vector.load %arg1[%get3A_2, %get3A_3] : memref<2500x128xi32, #tpu.memory_space<vmem>>, vector<2500x128xi32>
    %eq3A = arith.cmpi eq, %get3A_1, %get3A_4 : vector<2500x128xi32>
    %get3A_5 = arith.constant 0 : index
    %get3A_6 = arith.constant 0 : index
    %get3A_7 = vector.load %arg1[%get3A_5, %get3A_6] : memref<2500x128xi32, #tpu.memory_space<vmem>>, vector<2500x128xi32>
    %jit3A = arith.constant 10000 : i32
    %broadcast_in_dim3A = vector.broadcast %jit3A : i32 to vector<2500x128xi32>
    %select_n3A = arith.select %eq3A, %broadcast_in_dim3A, %get3A_7 : vector<2500x128xi1>, vector<2500x128xi32>
    %swap3A = arith.constant 0 : index
    %swap3A_8 = arith.constant 0 : index
    %swap3A_9 = vector.load %arg2[%swap3A, %swap3A_8] : memref<2500x128xi32, #tpu.memory_space<vmem>>, vector<2500x128xi32>
    tpu.vector_store %arg2[%swap3A, %swap3A_8], %select_n3A {strides = array<i32>} : memref<2500x128xi32, #tpu.memory_space<vmem>>, vector<2500x128xi32>,
    return
  }
}

module attributes {stable_mosaic.version = 14 : i64} {
  func.func @_mm1_body(%arg0: i32, %arg1: memref<1000x128xf32, #tpu.memory_space<vmem>>, %arg2: memref<128x128xf32, #tpu.memory_space<vmem>>, %arg3: memref<1x128xf32, #tpu.memory_space<vmem>>, %arg4: memref<1000x128xf32, #tpu.memory_space<vmem>>) attributes {dimension_semantics = [#tpu.dimension_semantics<arbitrary>], iteration_bounds = array<i64: 10>, scalar_prefetch = 0 : i64, scratch_operands = 0 : i64, tpu.core_type = #tpu.core_type<tc>, window_params = [{transform_indices = @transform_0, window_bounds = array<i64: 1000, 128>}, {pipeline_mode = #tpu.pipeline_mode<synchronous>, transform_indices = @transform_1, window_bounds = array<i64: 128, 128>}, {pipeline_mode = #tpu.pipeline_mode<synchronous>, transform_indices = @transform_2, window_bounds = array<i64: 1, 128>}, {transform_indices = @transform_3, window_bounds = array<i64: 1000, 128>}]} {
    %get3A = arith.constant 0 : index
    %get3A_0 = arith.constant 0 : index
    %get3A_1 = vector.load %arg1[%get3A, %get3A_0] : memref<1000x128xf32, #tpu.memory_space<vmem>>, vector<1000x128xf32>
    %get3A_2 = arith.constant 0 : index
    %get3A_3 = arith.constant 0 : index
    %get3A_4 = vector.load %arg2[%get3A_2, %get3A_3] : memref<128x128xf32, #tpu.memory_space<vmem>>, vector<128x128xf32>
    %dot_general3A = arith.constant dense<0.000000e+00> : vector<1000x128xf32>
    %dot_general3A_5 = tpu.matmul %get3A_1, %get3A_4, %dot_general3A {dimension_numbers = #tpu.dot_dimension_numbers<[1], [0], [0], [1], [0, 0, 1, 1], [], []>, precision = #tpu.contract_precision<fp32>, transpose_lhs_hint = false} : vector<1000x128xf32>, vector<128x128xf32>, vector<1000x128xf32> -> vector<1000x128xf32>
    %get3A_6 = arith.constant 0 : index
    %get3A_7 = arith.constant 0 : index
    %get3A_8 = vector.load %arg3[%get3A_6, %get3A_7] : memref<1x128xf32, #tpu.memory_space<vmem>>, vector<1x128xf32>
    %get3A_9 = vector.shape_cast %get3A_8 : vector<1x128xf32> to vector<128xf32>
    %broadcast_in_dim3A = vector.shape_cast %get3A_9 : vector<128xf32> to vector<1x128xf32>
    %add3A = vector.broadcast %broadcast_in_dim3A : vector<1x128xf32> to vector<1000x128xf32>
    %add3A_10 = arith.addf %dot_general3A_5, %add3A : vector<1000x128xf32>
    %swap3A = arith.constant 0 : index
    %swap3A_11 = arith.constant 0 : index
    %swap3A_12 = vector.load %arg4[%swap3A, %swap3A_11] : memref<1000x128xf32, #tpu.memory_space<vmem>>, vector<1000x128xf32>
    tpu.vector_store %arg4[%swap3A, %swap3A_11], %add3A_10 {strides = array<i32>} : memref<1000x128xf32, #tpu.memory_space<vmem>>, vector<1000x128xf32>,
    return
  }
  func.func @transform_0(%arg0: i32) -> (i32, i32) {
    %c0_i32 = arith.constant 0 : i32
    %c0_i32_0 = arith.constant 0 : i32
    return %arg0, %c0_i32 : i32, i32
  }
  func.func @transform_1(%arg0: i32) -> (i32, i32) {
    %c0_i32 = arith.constant 0 : i32
    %c0_i32_0 = arith.constant 0 : i32
    %c0_i32_1 = arith.constant 0 : i32
    return %c0_i32, %c0_i32_0 : i32, i32
  }
  func.func @transform_2(%arg0: i32) -> (i32, i32) {
    %c0_i32 = arith.constant 0 : i32
    %c0_i32_0 = arith.constant 0 : i32
    %c0_i32_1 = arith.constant 0 : i32
    return %c0_i32, %c0_i32_0 : i32, i32
  }
  func.func @transform_3(%arg0: i32) -> (i32, i32) {
    %c0_i32 = arith.constant 0 : i32
    %c0_i32_0 = arith.constant 0 : i32
    return %arg0, %c0_i32 : i32, i32
  }
}

module attributes {stable_mosaic.version = 14 : i64} {
  func.func @_scale_body(%arg0: i32, %arg1: memref<1000x128xf32, #tpu.memory_space<vmem>>, %arg2: memref<2x1000x128xf32, #tpu.memory_space<vmem>>, %arg3: memref<1000x128xf32, #tpu.memory_space<vmem>>, %arg4: memref<1000x1xf32, #tpu.memory_space<vmem>>) attributes {dimension_semantics = [#tpu.dimension_semantics<arbitrary>], iteration_bounds = array<i64: 10>, scalar_prefetch = 0 : i64, scratch_operands = 0 : i64, tpu.core_type = #tpu.core_type<tc>, window_params = [{transform_indices = @transform_0, window_bounds = array<i64: 1000, 128>}, {transform_indices = @transform_1, window_bounds = array<i64: 2, 1000, 128>}, {transform_indices = @transform_2, window_bounds = array<i64: 1000, 128>}, {transform_indices = @transform_3, window_bounds = array<i64: 1000, 1>}]} {
    %get3A = arith.constant 0 : index
    %get3A_0 = arith.constant 0 : index
    %get3A_1 = arith.constant 0 : index
    %get3A_2 = vector.load %arg2[%get3A, %get3A_0, %get3A_1] : memref<2x1000x128xf32, #tpu.memory_space<vmem>>, vector<1x1000x128xf32>
    %get3A_3 = vector.shape_cast %get3A_2 : vector<1x1000x128xf32> to vector<1000x128xf32>
    %reduce_sum3A = arith.constant dense<0.000000e+00> : vector<1000xf32>
    %reduce_sum3A_4 = vector.multi_reduction <add>, %get3A_3, %reduce_sum3A [1] : vector<1000x128xf32> to vector<1000xf32>
    %get3A_5 = arith.constant 1 : index
    %get3A_6 = arith.constant 0 : index
    %get3A_7 = arith.constant 0 : index
    %get3A_8 = vector.load %arg2[%get3A_5, %get3A_6, %get3A_7] : memref<2x1000x128xf32, #tpu.memory_space<vmem>>, vector<1x1000x128xf32>
    %get3A_9 = vector.shape_cast %get3A_8 : vector<1x1000x128xf32> to vector<1000x128xf32>
    %reduce_sum3A_10 = arith.constant dense<0.000000e+00> : vector<1000xf32>
    %reduce_sum3A_11 = vector.multi_reduction <add>, %get3A_9, %reduce_sum3A_10 [1] : vector<1000x128xf32> to vector<1000xf32>
    %add3A = arith.addf %reduce_sum3A_4, %reduce_sum3A_11 : vector<1000xf32>
    %add3A_12 = arith.constant 1.000000e+00 : f32
    %add3A_13 = vector.broadcast %add3A_12 : f32 to vector<1000xf32>
    %add3A_14 = arith.addf %add3A, %add3A_13 : vector<1000xf32>
    %rsqrt3A = math.rsqrt %add3A_14 : vector<1000xf32>
    %get3A_15 = arith.constant 0 : index
    %get3A_16 = arith.constant 0 : index
    %get3A_17 = vector.load %arg1[%get3A_15, %get3A_16] : memref<1000x128xf32, #tpu.memory_space<vmem>>, vector<1000x128xf32>
    %broadcast_in_dim3A = vector.shape_cast %rsqrt3A : vector<1000xf32> to vector<1000x1xf32>
    %mul3A = vector.broadcast %broadcast_in_dim3A : vector<1000x1xf32> to vector<1000x128xf32>
    %mul3A_18 = arith.mulf %get3A_17, %mul3A : vector<1000x128xf32>
    %swap3A = arith.constant 0 : index
    %swap3A_19 = arith.constant 0 : index
    %swap3A_20 = vector.load %arg3[%swap3A, %swap3A_19] : memref<1000x128xf32, #tpu.memory_space<vmem>>, vector<1000x128xf32>
    tpu.vector_store %arg3[%swap3A, %swap3A_19], %mul3A_18 {strides = array<i32>} : memref<1000x128xf32, #tpu.memory_space<vmem>>, vector<1000x128xf32>,
    %broadcast_in_dim3A_21 = vector.shape_cast %rsqrt3A : vector<1000xf32> to vector<1000x1xf32>
    %swap3A_22 = arith.constant 0 : index
    %swap3A_23 = arith.constant 0 : index
    %swap3A_24 = vector.load %arg4[%swap3A_22, %swap3A_23] : memref<1000x1xf32, #tpu.memory_space<vmem>>, vector<1000x1xf32>
    tpu.vector_store %arg4[%swap3A_22, %swap3A_23], %broadcast_in_dim3A_21 {strides = array<i32>} : memref<1000x1xf32, #tpu.memory_space<vmem>>, vector<1000x1xf32>,
    return
  }
  func.func @transform_0(%arg0: i32) -> (i32, i32) {
    %c0_i32 = arith.constant 0 : i32
    %c0_i32_0 = arith.constant 0 : i32
    return %arg0, %c0_i32 : i32, i32
  }
  func.func @transform_1(%arg0: i32) -> (i32, i32, i32) {
    %c0_i32 = arith.constant 0 : i32
    %c0_i32_0 = arith.constant 0 : i32
    %c0_i32_1 = arith.constant 0 : i32
    return %c0_i32, %arg0, %c0_i32_0 : i32, i32, i32
  }
  func.func @transform_2(%arg0: i32) -> (i32, i32) {
    %c0_i32 = arith.constant 0 : i32
    %c0_i32_0 = arith.constant 0 : i32
    return %arg0, %c0_i32 : i32, i32
  }
  func.func @transform_3(%arg0: i32) -> (i32, i32) {
    %c0_i32 = arith.constant 0 : i32
    %c0_i32_0 = arith.constant 0 : i32
    return %arg0, %c0_i32 : i32, i32
  }
}

module attributes {stable_mosaic.version = 14 : i64} {
  func.func @_stats_body(%arg0: i32, %arg1: memref<2x1000x128xf32, #tpu.memory_space<vmem>>, %arg2: memref<1000x128xf32, #tpu.memory_space<vmem>>, %arg3: memref<1000x1xf32, #tpu.memory_space<vmem>>, %arg4: memref<1000x128xf32, #tpu.memory_space<vmem>>, %arg5: memref<2x128xf32, #tpu.memory_space<vmem>>) attributes {dimension_semantics = [#tpu.dimension_semantics<arbitrary>], iteration_bounds = array<i64: 10>, scalar_prefetch = 0 : i64, scratch_operands = 0 : i64, tpu.core_type = #tpu.core_type<tc>, window_params = [{transform_indices = @transform_0, window_bounds = array<i64: 2, 1000, 128>}, {transform_indices = @transform_1, window_bounds = array<i64: 1000, 128>}, {transform_indices = @transform_2, window_bounds = array<i64: 1000, 1>}, {transform_indices = @transform_3, window_bounds = array<i64: 1000, 128>}, {pipeline_mode = #tpu.pipeline_mode<synchronous>, transform_indices = @transform_4, window_bounds = array<i64: 2, 128>}]} {
    %get3A = arith.constant 0 : index
    %get3A_0 = arith.constant 0 : index
    %get3A_1 = arith.constant 0 : index
    %get3A_2 = vector.load %arg1[%get3A, %get3A_0, %get3A_1] : memref<2x1000x128xf32, #tpu.memory_space<vmem>>, vector<1x1000x128xf32>
    %get3A_3 = vector.shape_cast %get3A_2 : vector<1x1000x128xf32> to vector<1000x128xf32>
    %get3A_4 = arith.constant 1 : index
    %get3A_5 = arith.constant 0 : index
    %get3A_6 = arith.constant 0 : index
    %get3A_7 = vector.load %arg1[%get3A_4, %get3A_5, %get3A_6] : memref<2x1000x128xf32, #tpu.memory_space<vmem>>, vector<1x1000x128xf32>
    %get3A_8 = vector.shape_cast %get3A_7 : vector<1x1000x128xf32> to vector<1000x128xf32>
    %add3A = arith.addf %get3A_3, %get3A_8 : vector<1000x128xf32>
    %get3A_9 = arith.constant 0 : index
    %get3A_10 = arith.constant 0 : index
    %get3A_11 = vector.load %arg2[%get3A_9, %get3A_10] : memref<1000x128xf32, #tpu.memory_space<vmem>>, vector<1000x128xf32>
    %add3A_12 = arith.addf %add3A, %get3A_11 : vector<1000x128xf32>
    %get3A_13 = arith.constant 0 : index
    %get3A_14 = arith.constant 0 : index
    %get3A_15 = vector.load %arg3[%get3A_13, %get3A_14] : memref<1000x1xf32, #tpu.memory_space<vmem>>, vector<1000x1xf32>
    %mul3A = vector.broadcast %get3A_15 : vector<1000x1xf32> to vector<1000x128xf32>
    %mul3A_16 = arith.mulf %add3A_12, %mul3A : vector<1000x128xf32>
    %swap3A = arith.constant 0 : index
    %swap3A_17 = arith.constant 0 : index
    %swap3A_18 = vector.load %arg4[%swap3A, %swap3A_17] : memref<1000x128xf32, #tpu.memory_space<vmem>>, vector<1000x128xf32>
    tpu.vector_store %arg4[%swap3A, %swap3A_17], %mul3A_16 {strides = array<i32>} : memref<1000x128xf32, #tpu.memory_space<vmem>>, vector<1000x128xf32>,
    %reduce_sum3A = arith.constant dense<0.000000e+00> : vector<128xf32>
    %reduce_sum3A_19 = vector.multi_reduction <add>, %mul3A_16, %reduce_sum3A [0] : vector<1000x128xf32> to vector<128xf32>
    %mul3A_20 = arith.mulf %mul3A_16, %mul3A_16 : vector<1000x128xf32>
    %reduce_sum3A_21 = arith.constant dense<0.000000e+00> : vector<128xf32>
    %reduce_sum3A_22 = vector.multi_reduction <add>, %mul3A_20, %reduce_sum3A_21 [0] : vector<1000x128xf32> to vector<128xf32>
    %stack3A = vector.shape_cast %reduce_sum3A_19 : vector<128xf32> to vector<1x128xf32>
    %stack3A_23 = vector.shape_cast %reduce_sum3A_22 : vector<128xf32> to vector<1x128xf32>
    %stack3A_24 = tpu.concatenate %stack3A, %stack3A_23 in 0 : vector<1x128xf32>, vector<1x128xf32> -> vector<2x128xf32>
    %eq3A = arith.constant 0 : i32
    %eq3A_25 = arith.cmpi eq, %arg0, %eq3A : i32
    %convert_element_type3A = arith.extui %eq3A_25 : i1 to i32
    %cond3A = arith.constant 0 : i32
    %cond3A_26 = arith.cmpi ne, %convert_element_type3A, %cond3A : i32
    scf.if %cond3A_26 {
      %swap3A_31 = arith.constant 0 : index
      %swap3A_32 = arith.constant 0 : index
      %swap3A_33 = vector.load %arg5[%swap3A_31, %swap3A_32] : memref<2x128xf32, #tpu.memory_space<vmem>>, vector<2x128xf32>
      tpu.vector_store %arg5[%swap3A_31, %swap3A_32], %stack3A_24 {strides = array<i32>} : memref<2x128xf32, #tpu.memory_space<vmem>>, vector<2x128xf32>,
    } else {
    }
    %gt3A = arith.constant 0 : i32
    %gt3A_27 = arith.cmpi sgt, %arg0, %gt3A : i32
    %convert_element_type3A_28 = arith.extui %gt3A_27 : i1 to i32
    %cond3A_29 = arith.constant 0 : i32
    %cond3A_30 = arith.cmpi ne, %convert_element_type3A_28, %cond3A_29 : i32
    scf.if %cond3A_30 {
      %get3A_31 = arith.constant 0 : index
      %get3A_32 = arith.constant 0 : index
      %get3A_33 = vector.load %arg5[%get3A_31, %get3A_32] : memref<2x128xf32, #tpu.memory_space<vmem>>, vector<2x128xf32>
      %add3A_34 = arith.addf %get3A_33, %stack3A_24 : vector<2x128xf32>
      %swap3A_35 = arith.constant 0 : index
      %swap3A_36 = arith.constant 0 : index
      %swap3A_37 = vector.load %arg5[%swap3A_35, %swap3A_36] : memref<2x128xf32, #tpu.memory_space<vmem>>, vector<2x128xf32>
      tpu.vector_store %arg5[%swap3A_35, %swap3A_36], %add3A_34 {strides = array<i32>} : memref<2x128xf32, #tpu.memory_space<vmem>>, vector<2x128xf32>,
    } else {
    }
    return
  }
  func.func @transform_0(%arg0: i32) -> (i32, i32, i32) {
    %c0_i32 = arith.constant 0 : i32
    %c0_i32_0 = arith.constant 0 : i32
    %c0_i32_1 = arith.constant 0 : i32
    return %c0_i32, %arg0, %c0_i32_0 : i32, i32, i32
  }
  func.func @transform_1(%arg0: i32) -> (i32, i32) {
    %c0_i32 = arith.constant 0 : i32
    %c0_i32_0 = arith.constant 0 : i32
    return %arg0, %c0_i32 : i32, i32
  }
  func.func @transform_2(%arg0: i32) -> (i32, i32) {
    %c0_i32 = arith.constant 0 : i32
    %c0_i32_0 = arith.constant 0 : i32
    return %arg0, %c0_i32 : i32, i32
  }
  func.func @transform_3(%arg0: i32) -> (i32, i32) {
    %c0_i32 = arith.constant 0 : i32
    %c0_i32_0 = arith.constant 0 : i32
    return %arg0, %c0_i32 : i32, i32
  }
  func.func @transform_4(%arg0: i32) -> (i32, i32) {
    %c0_i32 = arith.constant 0 : i32
    %c0_i32_0 = arith.constant 0 : i32
    %c0_i32_1 = arith.constant 0 : i32
    return %c0_i32, %c0_i32_0 : i32, i32
  }
}

module attributes {stable_mosaic.version = 14 : i64} {
  func.func @_dense2_body(%arg0: i32, %arg1: memref<1000x128xf32, #tpu.memory_space<vmem>>, %arg2: memref<2x128xf32, #tpu.memory_space<vmem>>, %arg3: memref<1x128xf32, #tpu.memory_space<vmem>>, %arg4: memref<1x128xf32, #tpu.memory_space<vmem>>, %arg5: memref<128x128xf32, #tpu.memory_space<vmem>>, %arg6: memref<1x128xf32, #tpu.memory_space<vmem>>, %arg7: memref<1000x1xf32, #tpu.memory_space<vmem>>, %arg8: memref<1000x128xf32, #tpu.memory_space<vmem>>) attributes {dimension_semantics = [#tpu.dimension_semantics<arbitrary>], iteration_bounds = array<i64: 10>, scalar_prefetch = 0 : i64, scratch_operands = 0 : i64, tpu.core_type = #tpu.core_type<tc>, window_params = [{transform_indices = @transform_0, window_bounds = array<i64: 1000, 128>}, {pipeline_mode = #tpu.pipeline_mode<synchronous>, transform_indices = @transform_1, window_bounds = array<i64: 2, 128>}, {pipeline_mode = #tpu.pipeline_mode<synchronous>, transform_indices = @transform_2, window_bounds = array<i64: 1, 128>}, {pipeline_mode = #tpu.pipeline_mode<synchronous>, transform_indices = @transform_3, window_bounds = array<i64: 1, 128>}, {pipeline_mode = #tpu.pipeline_mode<synchronous>, transform_indices = @transform_4, window_bounds = array<i64: 128, 128>}, {pipeline_mode = #tpu.pipeline_mode<synchronous>, transform_indices = @transform_5, window_bounds = array<i64: 1, 128>}, {transform_indices = @transform_6, window_bounds = array<i64: 1000, 1>}, {transform_indices = @transform_7, window_bounds = array<i64: 1000, 128>}]} {
    %get3A = arith.constant 0 : index
    %get3A_0 = arith.constant 0 : index
    %get3A_1 = vector.load %arg2[%get3A, %get3A_0] : memref<2x128xf32, #tpu.memory_space<vmem>>, vector<1x128xf32>
    %get3A_2 = vector.shape_cast %get3A_1 : vector<1x128xf32> to vector<128xf32>
    %div3A = arith.constant 1.000000e+04 : f32
    %div3A_3 = vector.broadcast %div3A : f32 to vector<128xf32>
    %div3A_4 = arith.divf %get3A_2, %div3A_3 : vector<128xf32>
    %get3A_5 = arith.constant 1 : index
    %get3A_6 = arith.constant 0 : index
    %get3A_7 = vector.load %arg2[%get3A_5, %get3A_6] : memref<2x128xf32, #tpu.memory_space<vmem>>, vector<1x128xf32>
    %get3A_8 = vector.shape_cast %get3A_7 : vector<1x128xf32> to vector<128xf32>
    %div3A_9 = arith.constant 1.000000e+04 : f32
    %div3A_10 = vector.broadcast %div3A_9 : f32 to vector<128xf32>
    %div3A_11 = arith.divf %get3A_8, %div3A_10 : vector<128xf32>
    %mul3A = arith.mulf %div3A_4, %div3A_4 : vector<128xf32>
    %sub3A = arith.subf %div3A_11, %mul3A : vector<128xf32>
    %add3A = arith.constant 9.99999974E-6 : f32
    %add3A_12 = vector.broadcast %add3A : f32 to vector<128xf32>
    %add3A_13 = arith.addf %sub3A, %add3A_12 : vector<128xf32>
    %rsqrt3A = math.rsqrt %add3A_13 : vector<128xf32>
    %get3A_14 = arith.constant 0 : index
    %get3A_15 = arith.constant 0 : index
    %get3A_16 = vector.load %arg1[%get3A_14, %get3A_15] : memref<1000x128xf32, #tpu.memory_space<vmem>>, vector<1000x128xf32>
    %broadcast_in_dim3A = vector.shape_cast %div3A_4 : vector<128xf32> to vector<1x128xf32>
    %sub3A_17 = vector.broadcast %broadcast_in_dim3A : vector<1x128xf32> to vector<1000x128xf32>
    %sub3A_18 = arith.subf %get3A_16, %sub3A_17 : vector<1000x128xf32>
    %get3A_19 = arith.constant 0 : index
    %get3A_20 = arith.constant 0 : index
    %get3A_21 = vector.load %arg3[%get3A_19, %get3A_20] : memref<1x128xf32, #tpu.memory_space<vmem>>, vector<1x128xf32>
    %get3A_22 = vector.shape_cast %get3A_21 : vector<1x128xf32> to vector<128xf32>
    %mul3A_23 = arith.mulf %rsqrt3A, %get3A_22 : vector<128xf32>
    %broadcast_in_dim3A_24 = vector.shape_cast %mul3A_23 : vector<128xf32> to vector<1x128xf32>
    %mul3A_25 = vector.broadcast %broadcast_in_dim3A_24 : vector<1x128xf32> to vector<1000x128xf32>
    %mul3A_26 = arith.mulf %sub3A_18, %mul3A_25 : vector<1000x128xf32>
    %get3A_27 = arith.constant 0 : index
    %get3A_28 = arith.constant 0 : index
    %get3A_29 = vector.load %arg4[%get3A_27, %get3A_28] : memref<1x128xf32, #tpu.memory_space<vmem>>, vector<1x128xf32>
    %get3A_30 = vector.shape_cast %get3A_29 : vector<1x128xf32> to vector<128xf32>
    %broadcast_in_dim3A_31 = vector.shape_cast %get3A_30 : vector<128xf32> to vector<1x128xf32>
    %add3A_32 = vector.broadcast %broadcast_in_dim3A_31 : vector<1x128xf32> to vector<1000x128xf32>
    %add3A_33 = arith.addf %mul3A_26, %add3A_32 : vector<1000x128xf32>
    %max3A = arith.constant 0.000000e+00 : f32
    %max3A_34 = vector.broadcast %max3A : f32 to vector<1000x128xf32>
    %max3A_35 = arith.maximumf %add3A_33, %max3A_34 : vector<1000x128xf32>
    %get3A_36 = arith.constant 0 : index
    %get3A_37 = arith.constant 0 : index
    %get3A_38 = vector.load %arg5[%get3A_36, %get3A_37] : memref<128x128xf32, #tpu.memory_space<vmem>>, vector<128x128xf32>
    %dot_general3A = arith.constant dense<0.000000e+00> : vector<1000x128xf32>
    %dot_general3A_39 = tpu.matmul %max3A_35, %get3A_38, %dot_general3A {dimension_numbers = #tpu.dot_dimension_numbers<[1], [0], [0], [1], [0, 0, 1, 1], [], []>, precision = #tpu.contract_precision<fp32>, transpose_lhs_hint = false} : vector<1000x128xf32>, vector<128x128xf32>, vector<1000x128xf32> -> vector<1000x128xf32>
    %get3A_40 = arith.constant 0 : index
    %get3A_41 = arith.constant 0 : index
    %get3A_42 = vector.load %arg6[%get3A_40, %get3A_41] : memref<1x128xf32, #tpu.memory_space<vmem>>, vector<1x128xf32>
    %get3A_43 = vector.shape_cast %get3A_42 : vector<1x128xf32> to vector<128xf32>
    %broadcast_in_dim3A_44 = vector.shape_cast %get3A_43 : vector<128xf32> to vector<1x128xf32>
    %add3A_45 = vector.broadcast %broadcast_in_dim3A_44 : vector<1x128xf32> to vector<1000x128xf32>
    %add3A_46 = arith.addf %dot_general3A_39, %add3A_45 : vector<1000x128xf32>
    %get3A_47 = arith.constant 0 : index
    %get3A_48 = arith.constant 0 : index
    %get3A_49 = vector.load %arg7[%get3A_47, %get3A_48] : memref<1000x1xf32, #tpu.memory_space<vmem>>, vector<1000x1xf32>
    %mul3A_50 = vector.broadcast %get3A_49 : vector<1000x1xf32> to vector<1000x128xf32>
    %mul3A_51 = arith.mulf %add3A_46, %mul3A_50 : vector<1000x128xf32>
    %swap3A = arith.constant 0 : index
    %swap3A_52 = arith.constant 0 : index
    %swap3A_53 = vector.load %arg8[%swap3A, %swap3A_52] : memref<1000x128xf32, #tpu.memory_space<vmem>>, vector<1000x128xf32>
    tpu.vector_store %arg8[%swap3A, %swap3A_52], %mul3A_51 {strides = array<i32>} : memref<1000x128xf32, #tpu.memory_space<vmem>>, vector<1000x128xf32>,
    return
  }
  func.func @transform_0(%arg0: i32) -> (i32, i32) {
    %c0_i32 = arith.constant 0 : i32
    %c0_i32_0 = arith.constant 0 : i32
    return %arg0, %c0_i32 : i32, i32
  }
  func.func @transform_1(%arg0: i32) -> (i32, i32) {
    %c0_i32 = arith.constant 0 : i32
    %c0_i32_0 = arith.constant 0 : i32
    %c0_i32_1 = arith.constant 0 : i32
    return %c0_i32, %c0_i32_0 : i32, i32
  }
  func.func @transform_2(%arg0: i32) -> (i32, i32) {
    %c0_i32 = arith.constant 0 : i32
    %c0_i32_0 = arith.constant 0 : i32
    %c0_i32_1 = arith.constant 0 : i32
    return %c0_i32, %c0_i32_0 : i32, i32
  }
  func.func @transform_3(%arg0: i32) -> (i32, i32) {
    %c0_i32 = arith.constant 0 : i32
    %c0_i32_0 = arith.constant 0 : i32
    %c0_i32_1 = arith.constant 0 : i32
    return %c0_i32, %c0_i32_0 : i32, i32
  }
  func.func @transform_4(%arg0: i32) -> (i32, i32) {
    %c0_i32 = arith.constant 0 : i32
    %c0_i32_0 = arith.constant 0 : i32
    %c0_i32_1 = arith.constant 0 : i32
    return %c0_i32, %c0_i32_0 : i32, i32
  }
  func.func @transform_5(%arg0: i32) -> (i32, i32) {
    %c0_i32 = arith.constant 0 : i32
    %c0_i32_0 = arith.constant 0 : i32
    %c0_i32_1 = arith.constant 0 : i32
    return %c0_i32, %c0_i32_0 : i32, i32
  }
  func.func @transform_6(%arg0: i32) -> (i32, i32) {
    %c0_i32 = arith.constant 0 : i32
    %c0_i32_0 = arith.constant 0 : i32
    return %arg0, %c0_i32 : i32, i32
  }
  func.func @transform_7(%arg0: i32) -> (i32, i32) {
    %c0_i32 = arith.constant 0 : i32
    %c0_i32_0 = arith.constant 0 : i32
    return %arg0, %c0_i32 : i32, i32
  }
}

module attributes {stable_mosaic.version = 14 : i64} {
  func.func @_final_body(%arg0: i32, %arg1: memref<2x1000x128xf32, #tpu.memory_space<vmem>>, %arg2: memref<1000x128xf32, #tpu.memory_space<vmem>>, %arg3: memref<1000x1xf32, #tpu.memory_space<vmem>>, %arg4: memref<1000x128xf32, #tpu.memory_space<vmem>>) attributes {dimension_semantics = [#tpu.dimension_semantics<arbitrary>], iteration_bounds = array<i64: 10>, scalar_prefetch = 0 : i64, scratch_operands = 0 : i64, tpu.core_type = #tpu.core_type<tc>, window_params = [{transform_indices = @transform_0, window_bounds = array<i64: 2, 1000, 128>}, {transform_indices = @transform_1, window_bounds = array<i64: 1000, 128>}, {transform_indices = @transform_2, window_bounds = array<i64: 1000, 1>}, {transform_indices = @transform_3, window_bounds = array<i64: 1000, 128>}]} {
    %get3A = arith.constant 0 : index
    %get3A_0 = arith.constant 0 : index
    %get3A_1 = arith.constant 0 : index
    %get3A_2 = vector.load %arg1[%get3A, %get3A_0, %get3A_1] : memref<2x1000x128xf32, #tpu.memory_space<vmem>>, vector<1x1000x128xf32>
    %get3A_3 = vector.shape_cast %get3A_2 : vector<1x1000x128xf32> to vector<1000x128xf32>
    %get3A_4 = arith.constant 1 : index
    %get3A_5 = arith.constant 0 : index
    %get3A_6 = arith.constant 0 : index
    %get3A_7 = vector.load %arg1[%get3A_4, %get3A_5, %get3A_6] : memref<2x1000x128xf32, #tpu.memory_space<vmem>>, vector<1x1000x128xf32>
    %get3A_8 = vector.shape_cast %get3A_7 : vector<1x1000x128xf32> to vector<1000x128xf32>
    %add3A = arith.addf %get3A_3, %get3A_8 : vector<1000x128xf32>
    %get3A_9 = arith.constant 0 : index
    %get3A_10 = arith.constant 0 : index
    %get3A_11 = vector.load %arg2[%get3A_9, %get3A_10] : memref<1000x128xf32, #tpu.memory_space<vmem>>, vector<1000x128xf32>
    %add3A_12 = arith.addf %add3A, %get3A_11 : vector<1000x128xf32>
    %get3A_13 = arith.constant 0 : index
    %get3A_14 = arith.constant 0 : index
    %get3A_15 = vector.load %arg3[%get3A_13, %get3A_14] : memref<1000x1xf32, #tpu.memory_space<vmem>>, vector<1000x1xf32>
    %mul3A = vector.broadcast %get3A_15 : vector<1000x1xf32> to vector<1000x128xf32>
    %mul3A_16 = arith.mulf %add3A_12, %mul3A : vector<1000x128xf32>
    %reduce_max3A = arith.constant dense<0xFF800000> : vector<1000xf32>
    %reduce_max3A_17 = vector.multi_reduction <maximumf>, %mul3A_16, %reduce_max3A [1] : vector<1000x128xf32> to vector<1000xf32>
    %broadcast_in_dim3A = vector.shape_cast %reduce_max3A_17 : vector<1000xf32> to vector<1000x1xf32>
    %sub3A = vector.broadcast %broadcast_in_dim3A : vector<1000x1xf32> to vector<1000x128xf32>
    %sub3A_18 = arith.subf %mul3A_16, %sub3A : vector<1000x128xf32>
    %exp3A = math.exp %sub3A_18 : vector<1000x128xf32>
    %reduce_sum3A = arith.constant dense<0.000000e+00> : vector<1000xf32>
    %reduce_sum3A_19 = vector.multi_reduction <add>, %exp3A, %reduce_sum3A [1] : vector<1000x128xf32> to vector<1000xf32>
    %broadcast_in_dim3A_20 = vector.shape_cast %reduce_sum3A_19 : vector<1000xf32> to vector<1000x1xf32>
    %log3A = math.log %broadcast_in_dim3A_20 : vector<1000x1xf32>
    %add3A_21 = arith.addf %log3A, %broadcast_in_dim3A : vector<1000x1xf32>
    %sub3A_22 = vector.broadcast %add3A_21 : vector<1000x1xf32> to vector<1000x128xf32>
    %sub3A_23 = arith.subf %mul3A_16, %sub3A_22 : vector<1000x128xf32>
    %swap3A = arith.constant 0 : index
    %swap3A_24 = arith.constant 0 : index
    %swap3A_25 = vector.load %arg4[%swap3A, %swap3A_24] : memref<1000x128xf32, #tpu.memory_space<vmem>>, vector<1000x128xf32>
    tpu.vector_store %arg4[%swap3A, %swap3A_24], %sub3A_23 {strides = array<i32>} : memref<1000x128xf32, #tpu.memory_space<vmem>>, vector<1000x128xf32>,
    return
  }
  func.func @transform_0(%arg0: i32) -> (i32, i32, i32) {
    %c0_i32 = arith.constant 0 : i32
    %c0_i32_0 = arith.constant 0 : i32
    %c0_i32_1 = arith.constant 0 : i32
    return %c0_i32, %arg0, %c0_i32_0 : i32, i32, i32
  }
  func.func @transform_1(%arg0: i32) -> (i32, i32) {
    %c0_i32 = arith.constant 0 : i32
    %c0_i32_0 = arith.constant 0 : i32
    return %arg0, %c0_i32 : i32, i32
  }
  func.func @transform_2(%arg0: i32) -> (i32, i32) {
    %c0_i32 = arith.constant 0 : i32
    %c0_i32_0 = arith.constant 0 : i32
    return %arg0, %c0_i32 : i32, i32
  }
  func.func @transform_3(%arg0: i32) -> (i32, i32) {
    %c0_i32 = arith.constant 0 : i32
    %c0_i32_0 = arith.constant 0 : i32
    return %arg0, %c0_i32 : i32, i32
  }
}

</mosaic_0001>

<sc_bundles>
// kernel: kernel.11.cloned.1.call-start
scs
__scs_entry_jumppad:
0x0: {  	(pc) =	sbr.rel $0x88, $3  }
0x1: {  	(tag) =	ssettag $0x0;
	lr =	simm.s32 $0x1  }
0x2: {  	[smem:$0x3F99] =	sst lr;
	_ =	strace $0xD0000000  }
0x3: {  	_ = 	snop  }
0x4: {  	_ = 	snop  }
0x5: {  	_ = 	snop  }
0x6: {  	_ = 	snop  }
0x7: {  	_ = 	snop  }
__scs_overlays_trampoline_lowered:
0x8: {  	[smem:$0x3FA8] =	sst s0  }
0x9: {  	[smem:$0x3FA9] =	sst s1  }
0xa: {  	[smem:$0x3FAA] =	sst s2  }
0xb: {  	[smem:$0x3FAB] =	sst s3  }
0xc: {  	[smem:$0x3FAC] =	sst s4  }
0xd: {  	[smem:$0x3FAD] =	sst s5  }
0xe: {  	[smem:$0x3FAE] =	sst s6  }
0xf: {  	[smem:$0x3FAF] =	sst s7  }
0x10: {  	[smem:$0x3FB0] =	sst s8  }
0x11: {  	[smem:$0x3FB1] =	sst s9;
	s0 =	simm.s32 @!p0 $0x0  }
0x12: {  	s1 =	sld [smem:$0x3F97];
	s0 =	simm.s32 @p0 $0x1  }
0x13: {  	[smem:$0x3FB2] =	sst s0;
	s0 =	simm.s32 @!p1 $0x0  }
0x14: {  	s2 =	sld [smem:$0x3F96];
	s0 =	simm.s32 @p1 $0x1  }
0x15: {  	[smem:$0x3FB3] =	sst s0;
	s0 =	simm.s32 @!p2 $0x0  }
0x16: {  	s3 =	sld [smem:$0x3FDB];
	s0 =	simm.s32 @p2 $0x1  }
0x17: {  	s4 =	simm.s32 $0x1BF5;
	[smem:$0x3FB5] =	sst s0  }
0x18: {  	s0 =	sld [smem:$0x3F98];
	_ =	swait.ge [sflag:s4], $0x0  }
0x19: {  	s7 =	sld [smem:$0x3F99]  }
0x1a: {  	s8 =	sadd.s32 $0xFFFFE003, lr  }
0x1b: {  	s9 =	sadd.s32 $0xFFFFFEF7, lr;
	s5 =	simm.s32 $0xFFFFFFFF;
	p2 =	slt.u32 s8, $0xFFFFF086  }
0x1c: {  	p1 =	slt.u32 s9, $0xF7A;
	s5 =	simm.s32 @!p2 $0x0  }
0x1d: {  	s5 =	simm.s32 @p1 $0x1;
	p0 =	seq.s32 s7, s2  }
0x1e: {  	s7 =	smul.u32 @!p0 $0xF7A, s2;
	p2 =	seq.s32 @!p0 s5, $0x0  }
0x1f: {  	s9 =	smul.u32 $0xF7A, s1;
	s8 =	simm.s32 @!p0 $0x1BF5;
	p2 =	por !p2, p0  }
0x20: {  	[sflag:s8] =	ssyncset.s32 @!p0 $0xFFFFF086;
	s6 =	sadd.s32 @!p0 s3, s7;
	s7 =	simm.s32 @!p0 $0x108  }
0x21: {  	s3 =	sadd.s32 s3, s9;
	s6 =	sadd.s32 @!p0 $0x88, s6;
	s7 =	simm.s32 @p2 $0x1082  }
0x22: {  	[simem:s7], [sflag:s8] =	dma.local @!p0 [hbm:s6], $0xF7A  }
0x23: {  	s9 =	sor.u32 $0xD0000000, s2;
	s6 =	simm.s32 $0x108;
	_ =	swait.ge @!p0 [sflag:s8], $0x0  }
0x24: {  	s3 =	sadd.s32 $0x88, s3;
	s6 =	simm.s32 @!p1 $0x1082;
	[sflag:s4] =	ssyncset.s32 $0xFFFFF086  }
0x25: {  	[simem:s6], [sflag:s4] =	dma.local [hbm:s3], $0xF7A  }
0x26: {  	[smem:$0x3F99] =	sst s1;
	(tag) =	ssettag s2;
	_ =	strace s9  }
0x27: {  	s1 =	sld [smem:$0x3FA9]  }
0x28: {  	s2 =	sld [smem:$0x3FAA]  }
0x29: {  	s4 =	sld [smem:$0x3FAC]  }
0x2a: {  	p0 =	seq.s32 s5, $0x0;
	s5 =	sld [smem:$0x3FAD]  }
0x2b: {  	s6 =	sld [smem:$0x3FAE]  }
0x2c: {  	s7 =	sld [smem:$0x3FAF]  }
0x2d: {  	s3 =	simm.s32 $0x108;
	s8 =	sld [smem:$0x3FB0]  }
0x2e: {  	s3 =	simm.s32 @!p0 $0x1082;
	s9 =	sld [smem:$0x3FB1]  }
0x2f: {  	lr =	sadd.s32 s0, s3;
	s0 =	sld [smem:$0x3FA8]  }
0x30: {  	s3 =	sld [smem:$0x3FAB]  }
0x31: {  	[smem:$0x3FB4] =	sst s10  }
0x32: {  	s10 =	sld [smem:$0x3FB2];
	_ =	sdelay $0x3  }
0x33: {  	p0 =	seq.s32 s10, $0x1;
	s10 =	sld [smem:$0x3FB4];
	_ =	sdelay $0x3  }
0x34: {  	[smem:$0x3FB4] =	sst s10  }
0x35: {  	s10 =	sld [smem:$0x3FB3];
	_ =	sdelay $0x3  }
0x36: {  	p1 =	seq.s32 s10, $0x1;
	s10 =	sld [smem:$0x3FB4];
	_ =	sdelay $0x3  }
0x37: {  	[smem:$0x3FB4] =	sst s10  }
0x38: {  	s10 =	sld [smem:$0x3FB5]  }
0x39: {  	_ = 	snop;
	(pc) =	sbr.ind lr, $3  }
0x3a: {  	_ = 	snop  }
0x3b: {  	_ = 	snop  }
0x3c: {  	p2 =	seq.s32 s10, $0x1;
	s10 =	sld [smem:$0x3FB4]  }
0x3d: {  	_ =	shalt  }
0x3e: {  	_ =	shalt  }
0x3f: {  	_ =	shalt  }
0x40: {  	_ =	shalt  }
0x41: {  	_ =	shalt  }
0x42: {  	_ =	shalt  }
0x43: {  	_ =	shalt  }
0x44: {  	_ =	shalt  }
0x45: {  	_ =	shalt  }
0x46: {  	_ =	shalt  }
0x47: {  	_ =	shalt  }
0x48: {  	_ =	shalt  }
0x49: {  	_ =	shalt  }
0x4a: {  	_ =	shalt  }
0x4b: {  	_ =	shalt  }
0x4c: {  	_ =	shalt  }
0x4d: {  	_ =	shalt  }
0x4e: {  	_ =	shalt  }
0x4f: {  	_ =	shalt  }
0x50: {  	_ =	shalt  }
0x51: {  	_ =	shalt  }
0x52: {  	_ =	shalt  }
0x53: {  	_ =	shalt  }
0x54: {  	_ =	shalt  }
0x55: {  	_ =	shalt  }
0x56: {  	_ =	shalt  }
0x57: {  	_ =	shalt  }
0x58: {  	_ =	shalt  }
0x59: {  	_ =	shalt  }
0x5a: {  	_ =	shalt  }
0x5b: {  	_ =	shalt  }
0x5c: {  	_ =	shalt  }
0x5d: {  	_ =	shalt  }
0x5e: {  	_ =	shalt  }
0x5f: {  	_ =	shalt  }
0x60: {  	_ =	shalt  }
0x61: {  	_ =	shalt  }
0x62: {  	_ =	shalt  }
0x63: {  	_ =	shalt  }
0x64: {  	_ =	shalt  }
0x65: {  	_ =	shalt  }
0x66: {  	_ =	shalt  }
0x67: {  	_ =	shalt  }
0x68: {  	_ =	shalt  }
0x69: {  	_ =	shalt  }
0x6a: {  	_ =	shalt  }
0x6b: {  	_ =	shalt  }
0x6c: {  	_ =	shalt  }
0x6d: {  	_ =	shalt  }
0x6e: {  	_ =	shalt  }
0x6f: {  	_ =	shalt  }
0x70: {  	_ =	shalt  }
0x71: {  	_ =	shalt  }
0x72: {  	_ =	shalt  }
0x73: {  	_ =	shalt  }
0x74: {  	_ =	shalt  }
0x75: {  	_ =	shalt  }
0x76: {  	_ =	shalt  }
0x77: {  	_ =	shalt  }
0x78: {  	_ =	shalt  }
0x79: {  	_ =	shalt  }
0x7a: {  	_ =	shalt  }
0x7b: {  	_ =	shalt  }
0x7c: {  	_ =	shalt  }
0x7d: {  	_ =	shalt  }
0x7e: {  	_ =	shalt  }
0x7f: {  	_ =	shalt  }
0x80: {  	_ =	shalt  }
0x81: {  	_ =	shalt  }
0x82: {  	_ =	shalt  }
0x83: {  	_ =	shalt  }
0x84: {  	_ =	shalt  }
0x85: {  	_ =	shalt  }
0x86: {  	_ =	shalt  }
0x87: {  	_ =	shalt  }
.Lfunc_end0:
.L_simem_size_0:
called_computation_lowered:
.L_overlay_start_0:
0x88: {  	s2 =	sld [smem:$0x3FD9]  }
0x89: {  	s3 =	sld [smem:$0x3FFE];
	_ =	sdelay $0x1  }
0x8a: {  	s1 =	srdreg.scid  }
0x8b: {  	s0 =	sand.u32 $0x1, s1  }
0x8c: {  	s17 =	sshll.u32 s0, $0xA;
	s2 =	sadd.s32 s3, s2  }
0x8d: {  	s2 =	sadd.s32 s2, s17  }
0x8e: {  	[smem:$0x3FC0] =	sst s2  }
0x8f: {  	_ = 	snop  }
0x90: {  	s2 =	sld [smem:$0x3FD0];
	(tm) =	ssettm $0x1  }
0x91: {  	s18 =	sld [smem:$0x3FFB];
	_ =	sdelay $0x3  }
0x92: {  	_ =	strace s18  }
0x93: {  	s3 =	sld [smem:$0x3FFC];
	_ =	sdelay $0x3  }
0x94: {  	_ =	strace s3  }
0x95: {  	s3 =	sld [smem:$0x3FFD];
	_ =	sdelay $0x3  }
0x96: {  	_ =	strace s3  }
0x97: {  	_ =	strace $0x8FFFFFFF  }
0x98: {  	s19 =	sld [smem:$0x3FDB];
	_ =	sdelay $0x1  }
0x99: {  	s4 =	simm.s32 $_scs_section_size  }
0x9a: {  	s5 =	simm.s32 $_size__tile_overlayer_lowered;
	s6 =	simm.s32 $_tile_overlayer_lowered  }
0x9b: {  	s22 =	simm.s32 $0x1BFF;
	s21 =	sshll.u32 s6, $0x1;
	s3 =	sadd.s32 s4, s19  }
0x9c: {  	s7 =	simm.s32 $0x0;
	s20 =	sshll.u32 s5, $0x1;
	s5 =	sadd.s32 s21, s3  }
0x9d: {  	[timem:s7], [sflag:s22] =	dma.local [hbm:s5], s20  }
0x9e: {  	_ =	swait.ge [sflag:s22], s20  }
0x9f: {  	s4 =	ssub.s32 $0x0, s20;
	[sflag:s22] =	ssyncset.done $0x0  }
0xa0: {  	[sflag:s22] =	ssyncadd.s32 s4;
	_ =	sdelay $0x1  }
0xa1: {  	s23 =	simm.s32 $0x1B8B  }
0xa2: {  	_ =	swait.ge [sflag:s23], $0x1  }
0xa3: {  	[sflag:s23] =	ssyncset.done $0x0  }
0xa4: {  	s25 =	simm.s32 $0x1B8E;
	s24 =	sld [smem:$0x3FFE];
	[sflag:s23] =	ssyncadd.s32 $0xFFFFFFFF  }
0xa5: {  	s26 =	simm.s32 $execute0_lowered;
	[smem:$0x3FD2] =	sst s25  }
0xa6: {  	s5 =	sshll.u32 s26, $0x1;
	_ =	strace $0x80000046;
	[dreg:$0x1] =	wrdreg $0xFFFFFFFF  }
0xa7: {  	s28 =	simm.s32 $_size_execute0_lowered;
	s3 =	sadd.s32 s3, s5;
	[dreg:$0x0] =	wrdreg $0x0  }
0xa8: {  	s5 =	sshll.u32 s28, $0x1;
	[dreg:$0x2] =	wrdreg s3  }
0xa9: {  	[dreg:$0x3] =	wrdreg s5  }
0xaa: {  	[dreg:$0x4] =	wrdreg $0xC0  }
0xab: {  	_ =	task [dreg:s7], $0x5FFFF  }
0xac: {  	[dreg:$0x1] =	wrdreg $0xFFFFFFFF  }
0xad: {  	[dreg:$0x0] =	wrdreg $0x60  }
0xae: {  	[dreg:$0x2] =	wrdreg s24  }
0xaf: {  	[dreg:$0x3] =	wrdreg s2  }
0xb0: {  	[dreg:$0x4] =	wrdreg $0x6C000  }
0xb1: {  	[dreg:$0x5] =	wrdreg $0x9  }
0xb2: {  	_ =	task.clear_ibuf [dreg:s7], $0x6FFFF;
	_ =	strace $0x90000046  }
0xb3: {  	s29 =	simm.s32 $0x9;
	_ =	strace $0x80000048  }
0xb4: {  	_ =	swait.ge [sflag:s29], $0x1  }
0xb5: {  	[sflag:s29] =	ssyncadd.s32 $0xFFFFFFFF  }
0xb6: {  	_ =	strace $0x90000048  }
0xb7: {  	_ =	sfence  }
0xb8: {  	s30 =	sld [smem:$0x0];
	_ =	sdelay $0x2  }
0xb9: {  	s31 =	sshll.u32 s1, $0xD;
	s1 =	sshrl.u32 s1, $0x2  }
0xba: {  	s3 =	sand.u32 $0x4000, s31;
	s1 =	sadd.s32 s1, s30  }
0xbb: {  	s0 =	sor.u32 s3, s0;
	s1 =	sshll.u32 s1, $0x11  }
0xbc: {  	s0 =	sor.u32 s1, s0  }
0xbd: {  	s0 =	sadd.s32 $0x8F2B, s0  }
0xbe: {  	[sflag:s0] =	ssyncadd.remote.s32 $0x1  }
0xbf: {  	_ =	sfence.sel $0xFFFF  }
0xc0: {  	[dreg:$0x0] =	wrdreg $0xFFFFFFFF;
	(pc) =	sbr.abs _section_cstart, $3  }
0xc1: {  	[dreg:$0x1] =	wrdreg $0xFFFFFFFF  }
0xc2: {  	_ =	task.clear_ibuf [dreg:s7], $0x2FFFF;
	_ =	strace $0x9FFFFFFF  }
0xc3: {  	(tm) =	ssettm $0x7FFFFFFF  }
tec
execute0_lowered:
.L_overlay_start_1:
0x0: {  	(tag) =	ssettag $0x1  }
0x1: {  	s6 =	rddreg [dreg:$0x0]  }
0x2: {  	s2 =	rddreg [dreg:$0x1]  }
0x3: {  	s0 =	srdreg.scid;
	s3 =	rddreg [dreg:$0x2]  }
0x4: {  	s1 =	rddreg [dreg:$0x3];
	s5 =	sand.u32 $0x1, s0  }
0x5: {  	s0 =	stileid.u32;
	s7 =	smul.u32 $0x27100, s5  }
0x6: {  	s4 =	simm.s32 $0x0;
	s12 =	simm.s32 $0x2;
	s8 =	smul.u32 $0x2710, s0  }
0x7: {  	s13 =	simm.s32 $0x1;
	s14 =	simm.s32 $0x50;
	s26 =	smul.u32 $0x140000, s5  }
0x8: {  	s16 =	simm.s32 $0x0;
	[smem:$0x7FF] =	sst s4;
	s9 =	smul.u32 $0x14000, s0  }
0x9: {  	_ =	strace $0x80000047;
	s29 =	ssub.s32 $0x2, s5;
	s30 =	smul.u32 $0x50000, s0  }
0xa: {  	s5 =	sadd.s32 $0x16400, s6;
	s15 =	sshll.u32 s0, $0x6;
	s11 =	sshrl.u32 s29, $0x1  }
0xb: {  	s15 =	sor.u32 $0x1C02, s15;
	s7 =	sadd.s32 s8, s7;
	s28 =	sadd.s32 s9, s26  }
0xc: {  	s8 =	ssub.s32 s29, s11;
	s31 =	sshrl.u32 s30, $0x2;
	s7 =	sshrl.u32 s7, $0x3  }
0xd: {  	s11 =	simm.s32 $0x6800;
	s10 =	sadd.s32 s7, s6;
	s7 =	sshrl.u32 s28, $0x3  }
0xe: {  	s8 =	smax.u32 s8, $0x1;
	s7 =	sadd.s32 s7, s6;
	s6 =	sadd.s32 s31, s3  }
0xf: {  	s9 =	sadd.s32 $0xC600, s10;
	s10 =	simm.s32 $0x4000;
	s7 =	sadd.s32 $0x16600, s7  }
.LBB2_1:
0x10: {  	[tilespmem:s10], [sflag:$0x1] =	stream.linear.gather [hbm4b:s2+s4], $0x2800, $0x38;
	[tilespmem:$0x1AC00] =	vst v63  }
0x11: {  	_ = 	snop  }
0x12: {  	[tilespmem:s11], [sflag:$0x2] =	stream.linear.gather [hbm4b:s5+s4], $0x400, $0x38;
	[tilespmem:$0x1AC00] =	vst v63  }
0x13: {  	_ =	swait.ge [sflag:s12], $0x400  }
0x14: {  	[sflag:s12] =	ssyncset.done $0x0  }
0x15: {  	s17 =	sadd.s32 $0x0, s6;
	[sflag:s12] =	ssyncadd.s32 $0xFFFFFC00  }
0x16: {  	[spmem:s17] =	stream.linear.scatter [tilespmem:s11], [sflag:$0x2], $0x400, $0x38;
	[tilespmem:$0x1AC00] =	vst v63  }
0x17: {  	s17 =	simm.s32 $0x1000;
	_ =	swait.ge [sflag:s12], $0x400  }
.LBB2_2:
0x18: {  	s18 =	sshra.s32 s17, $0x2;
	[sflag:s12] =	ssyncset.done $0x0;
	p0 =	sne.s32 s17, $0x4F000  }
.Ltmp0:
0x19: {  	s18 =	sadd.s32 s18, s6;
	[sflag:s12] =	ssyncadd.s32 $0xFFFFFC00;
	(pc) =	sbr.rel @p0 .LBB2_2-.Ltmp0, $3  }
0x1a: {  	[spmem:s18] =	stream.linear.scatter [tilespmem:s11], [sflag:$0x2], $0x400, $0x38;
	[tilespmem:$0x1AC00] =	vst v63  }
0x1b: {  	s17 =	sadd.s32 $0x1000, s17;
	_ =	sdelay $0x1  }
0x1c: {  	_ =	swait.ge [sflag:s12], $0x400  }
0x1d: {  	[sflag:s12] =	ssyncset.done $0x0  }
0x1e: {  	[sflag:s12] =	ssyncadd.s32 $0xFFFFFC00  }
0x1f: {  	_ =	swait.ge [sflag:s13], $0x2800  }
0x20: {  	[sflag:s13] =	ssyncset.done $0x0  }
0x21: {  	s17 =	simm.s32 $0x0;
	s18 =	simm.s32 $0x0;
	[sflag:s13] =	ssyncadd.s32 $0xFFFFD800  }
.LBB2_4:
0x22: {  	p0 =	sne.s32 s18, $0x4D8  }
.Ltmp1:
0x23: {  	_ = 	snop;
	(pc) =	sbr.rel @p0 .LBB2_4-.Ltmp1, $4  }
0x24: {  	_ = 	snop  }
0x25: {  	s19 =	sadd.s32 s18, s9  }
0x26: {  	[tilespmem:s17], [sflag:$0x1] =	stream.linear.gather [hbm4b:s19+s4], $0x50, $0x38;
	[tilespmem:$0x1AC00] =	vst v63  }
0x27: {  	s18 =	sadd.s32 $0xA, s18;
	s17 =	sadd.s32 $0x80, s17  }
0x28: {  	_ =	swait.ge [sflag:s13], $0x50  }
0x29: {  	s17 =	simm.s32 $0x7C;
	[sflag:s13] =	ssyncset.done $0x0  }
.LBB2_6:
0x2a: {  	p0 =	sne.s32 s17, $0x1;
	s17 =	sadd.s32 $0xFFFFFFFF, s17;
	[sflag:s13] =	ssyncadd.s32 $0xFFFFFFB0  }
.Ltmp2:
0x2b: {  	(pc) =	sbr.rel @p0 .LBB2_6-.Ltmp2, $3  }
0x2c: {  	_ =	sdelay $0x1  }
0x2d: {  	_ =	swait.ge [sflag:s13], $0x50  }
0x2e: {  	[sflag:s13] =	ssyncset.done $0x0  }
0x2f: {  	[sflag:s13] =	ssyncadd.s32 $0xFFFFFFB0  }
0x30: {  	s17 =	simm.s32 $0x0;
	[bflag:$0x0] =	sbarrier.arrive $0xFFFF  }
.LBB2_8:
0x31: {  	p0 =	sne.s32 s17, $0xF800  }
.Ltmp3:
0x32: {  	_ = 	snop;
	(pc) =	sbr.rel @p0 .LBB2_8-.Ltmp3, $3  }
0x33: {  	_ =	sdelay $0x1  }
0x34: {  	s18 =	sshra.s32 s17, $0x2;
	s17 =	sadd.s32 $0x200, s17  }
0x35: {  	[spmem:s3] =	stream.indirect.scatter.add.f32 [tilespmem:s10], [sflag:$0x1], $0x80, s18, s14, $0xb8;
	[tilespmem:$0x1AC00] =	vst v63  }
0x36: {  	_ =	swait.ge [sflag:s13], $0x2800  }
0x37: {  	s17 =	simm.s32 $0x7C;
	[sflag:s13] =	ssyncset.done $0x0  }
.LBB2_10:
0x38: {  	p0 =	sne.s32 s17, $0x1;
	s17 =	sadd.s32 $0xFFFFFFFF, s17;
	[sflag:s13] =	ssyncadd.s32 $0xFFFFD800  }
.Ltmp4:
0x39: {  	(pc) =	sbr.rel @p0 .LBB2_10-.Ltmp4, $3  }
0x3a: {  	_ =	sdelay $0x1  }
0x3b: {  	_ =	swait.ge [sflag:s13], $0x2800  }
0x3c: {  	[sflag:s13] =	ssyncset.done $0x0  }
0x3d: {  	s16 =	sadd.s32 $0x1, s16  }
0x3e: {  	[sflag:s13] =	ssyncadd.s32 $0xFFFFD800;
	p0 =	sne.s32 s16, s8  }
.Ltmp5:
0x3f: {  	s17 =	sshrl.u32 s6, $0x3;
	[bflag:$0x0] =	sbarrier.arrive $0xFFFF;
	(pc) =	sbr.rel @p0 .LBB2_1-.Ltmp5, $4  }
0x40: {  	[hbm:s7], [sflag:s15] =	dma.local [spmem:s17], $0x2800  }
0x41: {  	_ =	swait.ge [sflag:s12], $0x2800  }
0x42: {  	[sflag:s12] =	ssyncset.done $0x0  }
0x43: {  	[sflag:s12] =	ssyncadd.s32 $0xFFFFD800  }
0x44: {  	_ =	sfence.sel $0x180000  }
0x45: {  	[bflag:$0x0] =	sbarrier.arrive $0xFFFF  }
0x46: {  	p0 =	sne.s32 s0, $0x0;
	_ =	strace $0x90000047  }
0x47: {  	s0 =	sadd.s32 @!p0 $0x100000, s1;
	[bflag:$0x2] =	sbarrier.arrive $0xFFFF  }
0x48: {  	[sflag:s0] =	ssyncadd.tile.s32 @!p0 $0x1;
	_ =	shalt  }
.Lfunc_end2:
_tile_overlayer_lowered:
.L_overlay_start_2:
0x49: {  	(tag) =	ssettag $0x2  }
0x4a: {  	s0 =	rddreg [dreg:$0x0];
	s2 =	stileid.u32  }
0x4b: {  	s1 =	rddreg [dreg:$0x1];
	p0 =	sne.s32 s2, $0x0  }
0x4c: {  	s3 =	rddreg [dreg:$0x2];
	[bflag:$0x3] =	sbarrier.arrive $0xFFFF;
	s2 =	simm.s32 @!p0 $0x1C02  }
0x4d: {  	[timem:s3], [sflag:s2] =	dma.local @!p0 [hbm:s0], s1  }
0x4e: {  	s0 =	simm.s32 @!p0 $0x2  }
0x4f: {  	_ =	swait.ge @!p0 [sflag:s0], s1  }
0x50: {  	s1 =	ssub.s32 @!p0 $0x0, s1;
	[sflag:s0] =	ssyncset.done @!p0 $0x0  }
0x51: {  	[sflag:s0] =	ssyncadd.s32 @!p0 s1  }
0x52: {  	[bflag:$0x3] =	sbarrier.arrive $0xFFFF  }
0x53: {  	_ =	shalt  }

// kernel: kernel.14.cloned.1.call-start
scs
__scs_entry_jumppad:
0x0: {  	(pc) =	sbr.rel $0x88, $3  }
0x1: {  	(tag) =	ssettag $0x0;
	lr =	simm.s32 $0x1  }
0x2: {  	[smem:$0x3F99] =	sst lr;
	_ =	strace $0xD0000000  }
0x3: {  	_ = 	snop  }
0x4: {  	_ = 	snop  }
0x5: {  	_ = 	snop  }
0x6: {  	_ = 	snop  }
0x7: {  	_ = 	snop  }
__scs_overlays_trampoline_lowered:
0x8: {  	[smem:$0x3FA8] =	sst s0  }
0x9: {  	[smem:$0x3FA9] =	sst s1  }
0xa: {  	[smem:$0x3FAA] =	sst s2  }
0xb: {  	[smem:$0x3FAB] =	sst s3  }
0xc: {  	[smem:$0x3FAC] =	sst s4  }
0xd: {  	[smem:$0x3FAD] =	sst s5  }
0xe: {  	[smem:$0x3FAE] =	sst s6  }
0xf: {  	[smem:$0x3FAF] =	sst s7  }
0x10: {  	[smem:$0x3FB0] =	sst s8  }
0x11: {  	[smem:$0x3FB1] =	sst s9;
	s0 =	simm.s32 @!p0 $0x0  }
0x12: {  	s1 =	sld [smem:$0x3F97];
	s0 =	simm.s32 @p0 $0x1  }
0x13: {  	[smem:$0x3FB2] =	sst s0;
	s0 =	simm.s32 @!p1 $0x0  }
0x14: {  	s2 =	sld [smem:$0x3F96];
	s0 =	simm.s32 @p1 $0x1  }
0x15: {  	[smem:$0x3FB3] =	sst s0;
	s0 =	simm.s32 @!p2 $0x0  }
0x16: {  	s3 =	sld [smem:$0x3FDB];
	s0 =	simm.s32 @p2 $0x1  }
0x17: {  	s4 =	simm.s32 $0x1BF5;
	[smem:$0x3FB5] =	sst s0  }
0x18: {  	s0 =	sld [smem:$0x3F98];
	_ =	swait.ge [sflag:s4], $0x0  }
0x19: {  	s7 =	sld [smem:$0x3F99]  }
0x1a: {  	s8 =	sadd.s32 $0xFFFFE003, lr  }
0x1b: {  	s9 =	sadd.s32 $0xFFFFFEF7, lr;
	s5 =	simm.s32 $0xFFFFFFFF;
	p2 =	slt.u32 s8, $0xFFFFF086  }
0x1c: {  	p1 =	slt.u32 s9, $0xF7A;
	s5 =	simm.s32 @!p2 $0x0  }
0x1d: {  	s5 =	simm.s32 @p1 $0x1;
	p0 =	seq.s32 s7, s2  }
0x1e: {  	s7 =	smul.u32 @!p0 $0xF7A, s2;
	p2 =	seq.s32 @!p0 s5, $0x0  }
0x1f: {  	s9 =	smul.u32 $0xF7A, s1;
	s8 =	simm.s32 @!p0 $0x1BF5;
	p2 =	por !p2, p0  }
0x20: {  	[sflag:s8] =	ssyncset.s32 @!p0 $0xFFFFF086;
	s6 =	sadd.s32 @!p0 s3, s7;
	s7 =	simm.s32 @!p0 $0x108  }
0x21: {  	s3 =	sadd.s32 s3, s9;
	s6 =	sadd.s32 @!p0 $0x88, s6;
	s7 =	simm.s32 @p2 $0x1082  }
0x22: {  	[simem:s7], [sflag:s8] =	dma.local @!p0 [hbm:s6], $0xF7A  }
0x23: {  	s9 =	sor.u32 $0xD0000000, s2;
	s6 =	simm.s32 $0x108;
	_ =	swait.ge @!p0 [sflag:s8], $0x0  }
0x24: {  	s3 =	sadd.s32 $0x88, s3;
	s6 =	simm.s32 @!p1 $0x1082;
	[sflag:s4] =	ssyncset.s32 $0xFFFFF086  }
0x25: {  	[simem:s6], [sflag:s4] =	dma.local [hbm:s3], $0xF7A  }
0x26: {  	[smem:$0x3F99] =	sst s1;
	(tag) =	ssettag s2;
	_ =	strace s9  }
0x27: {  	s1 =	sld [smem:$0x3FA9]  }
0x28: {  	s2 =	sld [smem:$0x3FAA]  }
0x29: {  	s4 =	sld [smem:$0x3FAC]  }
0x2a: {  	p0 =	seq.s32 s5, $0x0;
	s5 =	sld [smem:$0x3FAD]  }
0x2b: {  	s6 =	sld [smem:$0x3FAE]  }
0x2c: {  	s7 =	sld [smem:$0x3FAF]  }
0x2d: {  	s3 =	simm.s32 $0x108;
	s8 =	sld [smem:$0x3FB0]  }
0x2e: {  	s3 =	simm.s32 @!p0 $0x1082;
	s9 =	sld [smem:$0x3FB1]  }
0x2f: {  	lr =	sadd.s32 s0, s3;
	s0 =	sld [smem:$0x3FA8]  }
0x30: {  	s3 =	sld [smem:$0x3FAB]  }
0x31: {  	[smem:$0x3FB4] =	sst s10  }
0x32: {  	s10 =	sld [smem:$0x3FB2];
	_ =	sdelay $0x3  }
0x33: {  	p0 =	seq.s32 s10, $0x1;
	s10 =	sld [smem:$0x3FB4];
	_ =	sdelay $0x3  }
0x34: {  	[smem:$0x3FB4] =	sst s10  }
0x35: {  	s10 =	sld [smem:$0x3FB3];
	_ =	sdelay $0x3  }
0x36: {  	p1 =	seq.s32 s10, $0x1;
	s10 =	sld [smem:$0x3FB4];
	_ =	sdelay $0x3  }
0x37: {  	[smem:$0x3FB4] =	sst s10  }
0x38: {  	s10 =	sld [smem:$0x3FB5]  }
0x39: {  	_ = 	snop;
	(pc) =	sbr.ind lr, $3  }
0x3a: {  	_ = 	snop  }
0x3b: {  	_ = 	snop  }
0x3c: {  	p2 =	seq.s32 s10, $0x1;
	s10 =	sld [smem:$0x3FB4]  }
0x3d: {  	_ =	shalt  }
0x3e: {  	_ =	shalt  }
0x3f: {  	_ =	shalt  }
0x40: {  	_ =	shalt  }
0x41: {  	_ =	shalt  }
0x42: {  	_ =	shalt  }
0x43: {  	_ =	shalt  }
0x44: {  	_ =	shalt  }
0x45: {  	_ =	shalt  }
0x46: {  	_ =	shalt  }
0x47: {  	_ =	shalt  }
0x48: {  	_ =	shalt  }
0x49: {  	_ =	shalt  }
0x4a: {  	_ =	shalt  }
0x4b: {  	_ =	shalt  }
0x4c: {  	_ =	shalt  }
0x4d: {  	_ =	shalt  }
0x4e: {  	_ =	shalt  }
0x4f: {  	_ =	shalt  }
0x50: {  	_ =	shalt  }
0x51: {  	_ =	shalt  }
0x52: {  	_ =	shalt  }
0x53: {  	_ =	shalt  }
0x54: {  	_ =	shalt  }
0x55: {  	_ =	shalt  }
0x56: {  	_ =	shalt  }
0x57: {  	_ =	shalt  }
0x58: {  	_ =	shalt  }
0x59: {  	_ =	shalt  }
0x5a: {  	_ =	shalt  }
0x5b: {  	_ =	shalt  }
0x5c: {  	_ =	shalt  }
0x5d: {  	_ =	shalt  }
0x5e: {  	_ =	shalt  }
0x5f: {  	_ =	shalt  }
0x60: {  	_ =	shalt  }
0x61: {  	_ =	shalt  }
0x62: {  	_ =	shalt  }
0x63: {  	_ =	shalt  }
0x64: {  	_ =	shalt  }
0x65: {  	_ =	shalt  }
0x66: {  	_ =	shalt  }
0x67: {  	_ =	shalt  }
0x68: {  	_ =	shalt  }
0x69: {  	_ =	shalt  }
0x6a: {  	_ =	shalt  }
0x6b: {  	_ =	shalt  }
0x6c: {  	_ =	shalt  }
0x6d: {  	_ =	shalt  }
0x6e: {  	_ =	shalt  }
0x6f: {  	_ =	shalt  }
0x70: {  	_ =	shalt  }
0x71: {  	_ =	shalt  }
0x72: {  	_ =	shalt  }
0x73: {  	_ =	shalt  }
0x74: {  	_ =	shalt  }
0x75: {  	_ =	shalt  }
0x76: {  	_ =	shalt  }
0x77: {  	_ =	shalt  }
0x78: {  	_ =	shalt  }
0x79: {  	_ =	shalt  }
0x7a: {  	_ =	shalt  }
0x7b: {  	_ =	shalt  }
0x7c: {  	_ =	shalt  }
0x7d: {  	_ =	shalt  }
0x7e: {  	_ =	shalt  }
0x7f: {  	_ =	shalt  }
0x80: {  	_ =	shalt  }
0x81: {  	_ =	shalt  }
0x82: {  	_ =	shalt  }
0x83: {  	_ =	shalt  }
0x84: {  	_ =	shalt  }
0x85: {  	_ =	shalt  }
0x86: {  	_ =	shalt  }
0x87: {  	_ =	shalt  }
.Lfunc_end0:
.L_simem_size_0:
called_computation.1_lowered:
.L_overlay_start_0:
0x88: {  	s2 =	sld [smem:$0x3FD9]  }
0x89: {  	s3 =	sld [smem:$0x3FFE];
	_ =	sdelay $0x1  }
0x8a: {  	s1 =	srdreg.scid  }
0x8b: {  	s0 =	sand.u32 $0x1, s1  }
0x8c: {  	s17 =	sshll.u32 s0, $0xA;
	s2 =	sadd.s32 s3, s2  }
0x8d: {  	s2 =	sadd.s32 s2, s17  }
0x8e: {  	[smem:$0x3FC0] =	sst s2  }
0x8f: {  	_ = 	snop  }
0x90: {  	s2 =	sld [smem:$0x3FD0];
	(tm) =	ssettm $0x1  }
0x91: {  	s18 =	sld [smem:$0x3FFB];
	_ =	sdelay $0x3  }
0x92: {  	_ =	strace s18  }
0x93: {  	s3 =	sld [smem:$0x3FFC];
	_ =	sdelay $0x3  }
0x94: {  	_ =	strace s3  }
0x95: {  	s3 =	sld [smem:$0x3FFD];
	_ =	sdelay $0x3  }
0x96: {  	_ =	strace s3  }
0x97: {  	_ =	strace $0x8FFFFFFF  }
0x98: {  	s19 =	sld [smem:$0x3FDB];
	_ =	sdelay $0x1  }
0x99: {  	s4 =	simm.s32 $_scs_section_size  }
0x9a: {  	s5 =	simm.s32 $_size__tile_overlayer_lowered;
	s6 =	simm.s32 $_tile_overlayer_lowered  }
0x9b: {  	s22 =	simm.s32 $0x1BFF;
	s21 =	sshll.u32 s6, $0x1;
	s3 =	sadd.s32 s4, s19  }
0x9c: {  	s7 =	simm.s32 $0x0;
	s20 =	sshll.u32 s5, $0x1;
	s5 =	sadd.s32 s21, s3  }
0x9d: {  	[timem:s7], [sflag:s22] =	dma.local [hbm:s5], s20  }
0x9e: {  	_ =	swait.ge [sflag:s22], s20  }
0x9f: {  	s4 =	ssub.s32 $0x0, s20;
	[sflag:s22] =	ssyncset.done $0x0  }
0xa0: {  	[sflag:s22] =	ssyncadd.s32 s4;
	_ =	sdelay $0x1  }
0xa1: {  	s23 =	simm.s32 $0x1B8B  }
0xa2: {  	_ =	swait.ge [sflag:s23], $0x1  }
0xa3: {  	[sflag:s23] =	ssyncset.done $0x0  }
0xa4: {  	s25 =	simm.s32 $0x1B8E;
	s24 =	sld [smem:$0x3FFE];
	[sflag:s23] =	ssyncadd.s32 $0xFFFFFFFF  }
0xa5: {  	s26 =	simm.s32 $execute0_lowered;
	[smem:$0x3FD2] =	sst s25  }
0xa6: {  	s5 =	sshll.u32 s26, $0x1;
	_ =	strace $0x80000049;
	[dreg:$0x1] =	wrdreg $0xFFFFFFFF  }
0xa7: {  	s28 =	simm.s32 $_size_execute0_lowered;
	s3 =	sadd.s32 s3, s5;
	[dreg:$0x0] =	wrdreg $0x0  }
0xa8: {  	s5 =	sshll.u32 s28, $0x1;
	[dreg:$0x2] =	wrdreg s3  }
0xa9: {  	[dreg:$0x3] =	wrdreg s5  }
0xaa: {  	[dreg:$0x4] =	wrdreg $0xC0  }
0xab: {  	_ =	task [dreg:s7], $0x5FFFF  }
0xac: {  	[dreg:$0x1] =	wrdreg $0xFFFFFFFF  }
0xad: {  	[dreg:$0x0] =	wrdreg $0x60  }
0xae: {  	[dreg:$0x2] =	wrdreg s2  }
0xaf: {  	[dreg:$0x3] =	wrdreg s24  }
0xb0: {  	[dreg:$0x4] =	wrdreg $0xB7000  }
0xb1: {  	[dreg:$0x5] =	wrdreg $0x9  }
0xb2: {  	_ =	task.clear_ibuf [dreg:s7], $0x6FFFF;
	_ =	strace $0x90000049  }
0xb3: {  	s29 =	simm.s32 $0x9;
	_ =	strace $0x8000004B  }
0xb4: {  	_ =	swait.ge [sflag:s29], $0x1  }
0xb5: {  	[sflag:s29] =	ssyncadd.s32 $0xFFFFFFFF  }
0xb6: {  	_ =	strace $0x9000004B  }
0xb7: {  	_ =	sfence  }
0xb8: {  	s30 =	sld [smem:$0x0];
	_ =	sdelay $0x2  }
0xb9: {  	s31 =	sshll.u32 s1, $0xD;
	s1 =	sshrl.u32 s1, $0x2  }
0xba: {  	s3 =	sand.u32 $0x4000, s31;
	s1 =	sadd.s32 s1, s30  }
0xbb: {  	s0 =	sor.u32 s3, s0;
	s1 =	sshll.u32 s1, $0x11  }
0xbc: {  	s0 =	sor.u32 s1, s0  }
0xbd: {  	s0 =	sadd.s32 $0x8F2B, s0  }
0xbe: {  	[sflag:s0] =	ssyncadd.remote.s32 $0x1  }
0xbf: {  	_ =	sfence.sel $0xFFFF  }
0xc0: {  	[dreg:$0x0] =	wrdreg $0xFFFFFFFF;
	(pc) =	sbr.abs _section_cstart, $3  }
0xc1: {  	[dreg:$0x1] =	wrdreg $0xFFFFFFFF  }
0xc2: {  	_ =	task.clear_ibuf [dreg:s7], $0x2FFFF;
	_ =	strace $0x9FFFFFFF  }
0xc3: {  	(tm) =	ssettm $0x7FFFFFFF  }
tec
execute0_lowered:
.L_overlay_start_1:
0x0: {  	(tag) =	ssettag $0x1  }
0x1: {  	s1 =	rddreg [dreg:$0x0]  }
0x2: {  	s0 =	srdreg.scid;
	s6 =	rddreg [dreg:$0x1]  }
0x3: {  	s8 =	stileid.u32;
	s3 =	rddreg [dreg:$0x2];
	s4 =	simm.s32 $0x0  }
0x4: {  	s12 =	simm.s32 $0xB300;
	s13 =	simm.s32 $0xB;
	s14 =	simm.s32 $0x1  }
0x5: {  	s15 =	simm.s32 $0x2;
	s16 =	simm.s32 $0x28;
	s17 =	simm.s32 $0x4F00  }
0x6: {  	s18 =	simm.s32 $0x6300;
	s20 =	simm.s32 $0x7700;
	s22 =	simm.s32 $0x8B00  }
0x7: {  	s24 =	simm.s32 $0x9F00;
	s25 =	simm.s32 $0x3;
	s26 =	simm.s32 $0x4  }
0x8: {  	s28 =	simm.s32 $0x5;
	s29 =	simm.s32 $0x6;
	s30 =	simm.s32 $0x7  }
0x9: {  	s31 =	simm.s32 $0x8;
	s11 =	simm.s32 $0xA;
	s19 =	simm.s32 $0x0  }
0xa: {  	s0 =	sand.u32 $0x1, s0;
	[smem:$0x7FF] =	sst s4;
	s7 =	smul.u32 $0x14000, s8  }
0xb: {  	s2 =	sshll.u32 s0, $0x4;
	s5 =	smul.u32 $0x140000, s0;
	_ =	strace $0x8000004A  }
0xc: {  	s0 =	ssub.s32 $0x2, s0;
	s2 =	sor.u32 s8, s2;
	s8 =	smul.u32 $0x50000, s8  }
0xd: {  	s9 =	sshrl.u32 s0, $0x1;
	s2 =	smul.u32 $0x4E2, s2;
	s7 =	sadd.s32 s7, s5  }
0xe: {  	s5 =	sadd.s32 $0x16400, s6;
	s0 =	ssub.s32 s0, s9;
	s7 =	sshrl.u32 s7, $0x3  }
0xf: {  	s8 =	sshrl.u32 s8, $0x2;
	s2 =	sadd.s32 s2, s6;
	s10 =	sadd.s32 s7, s6  }
0x10: {  	s8 =	sadd.s32 s8, s3;
	s6 =	sadd.s32 $0x2800, s2;
	s7 =	sadd.s32 $0xC600, s2  }
0x11: {  	s9 =	sadd.s32 $0x16600, s10;
	s10 =	smax.u32 s0, $0x1;
	s2 =	simm.s32 $0x9  }
.LBB2_1:
0x12: {  	[tilespmem:s4], [sflag:$0x1] =	stream.linear.gather [hbm4b:s6+s4], $0x2710, $0x38;
	[tilespmem:$0x1F700] =	vst v63  }
0x13: {  	s0 =	simm.s32 $0x2780  }
0x14: {  	[tilespmem:s0], [sflag:$0x2] =	stream.linear.gather [hbm4b:s7+s4], $0x2710, $0x38;
	[tilespmem:$0x1F700] =	vst v63  }
0x15: {  	_ = 	snop  }
0x16: {  	[tilespmem:s12], [sflag:$0xB] =	stream.linear.gather [hbm4b:s5+s4], $0x400, $0x38;
	[tilespmem:$0x1F700] =	vst v63  }
0x17: {  	_ =	swait.ge [sflag:s13], $0x400  }
0x18: {  	[sflag:s13] =	ssyncset.done $0x0  }
0x19: {  	s21 =	sadd.s32 $0x0, s8;
	[sflag:s13] =	ssyncadd.s32 $0xFFFFFC00  }
0x1a: {  	[spmem:s21] =	stream.linear.scatter [tilespmem:s12], [sflag:$0xB], $0x400, $0x38;
	[tilespmem:$0x1F700] =	vst v63  }
0x1b: {  	s21 =	simm.s32 $0x1000;
	_ =	swait.ge [sflag:s13], $0x400  }
.LBB2_2:
0x1c: {  	s23 =	sshra.s32 s21, $0x2;
	[sflag:s13] =	ssyncset.done $0x0;
	p0 =	sne.s32 s21, $0x4F000  }
.Ltmp0:
0x1d: {  	s23 =	sadd.s32 s23, s8;
	[sflag:s13] =	ssyncadd.s32 $0xFFFFFC00;
	(pc) =	sbr.rel @p0 .LBB2_2-.Ltmp0, $3  }
0x1e: {  	[spmem:s23] =	stream.linear.scatter [tilespmem:s12], [sflag:$0xB], $0x400, $0x38;
	[tilespmem:$0x1F700] =	vst v63  }
0x1f: {  	s21 =	sadd.s32 $0x1000, s21;
	_ =	sdelay $0x1  }
0x20: {  	_ =	swait.ge [sflag:s13], $0x400  }
0x21: {  	[sflag:s13] =	ssyncset.done $0x0  }
0x22: {  	[sflag:s13] =	ssyncadd.s32 $0xFFFFFC00  }
0x23: {  	_ =	swait.ge [sflag:s14], $0x2710  }
0x24: {  	[sflag:s14] =	ssyncset.done $0x0  }
0x25: {  	[sflag:s14] =	ssyncadd.s32 $0xFFFFD8F0  }
0x26: {  	_ =	swait.ge [sflag:s15], $0x2710  }
0x27: {  	[sflag:s15] =	ssyncset.done $0x0  }
0x28: {  	[sflag:s15] =	ssyncadd.s32 $0xFFFFD8F0  }
0x29: {  	s21 =	simm.s32 $0x0;
	[bflag:$0x0] =	sbarrier.arrive $0xFFFF  }
0x2a: {  	[tilespmem:s17], [sflag:$0x1] =	stream.indirect.gather [hbm4b:s1+s16], $0x80, s21, s16, $0xb8;
	[tilespmem:$0x1F700] =	vst v63  }
0x2b: {  	_ = 	snop  }
0x2c: {  	[tilespmem:s18], [sflag:$0x2] =	stream.indirect.gather [hbm4b:s1+s16], $0x80, s16, s16, $0xb8;
	[tilespmem:$0x1F700] =	vst v63  }
0x2d: {  	s0 =	simm.s32 $0x50  }
0x2e: {  	[tilespmem:s20], [sflag:$0x3] =	stream.indirect.gather [hbm4b:s1+s16], $0x80, s0, s16, $0xb8;
	[tilespmem:$0x1F700] =	vst v63  }
0x2f: {  	s23 =	simm.s32 $0x78  }
0x30: {  	[tilespmem:s22], [sflag:$0x4] =	stream.indirect.gather [hbm4b:s1+s16], $0x80, s23, s16, $0xb8;
	[tilespmem:$0x1F700] =	vst v63  }
0x31: {  	s21 =	simm.s32 $0xA0  }
0x32: {  	[tilespmem:s24], [sflag:$0x5] =	stream.indirect.gather [hbm4b:s1+s16], $0x80, s21, s16, $0xb8;
	[tilespmem:$0x1F700] =	vst v63  }
0x33: {  	_ =	swait.ge [sflag:s14], $0x1400  }
0x34: {  	[sflag:s14] =	ssyncset.done $0x0  }
0x35: {  	s23 =	simm.s32 $0x2780;
	[sflag:s14] =	ssyncadd.s32 $0xFFFFEC00  }
0x36: {  	[spmem:s3] =	stream.indirect.scatter.add.f32 [tilespmem:s17], [sflag:$0x6], $0x80, s23, s16, $0xb8;
	[tilespmem:$0x1F700] =	vst v63  }
0x37: {  	_ =	swait.ge [sflag:s15], $0x1400  }
0x38: {  	[sflag:s15] =	ssyncset.done $0x0  }
0x39: {  	s0 =	simm.s32 $0x27A8;
	[sflag:s15] =	ssyncadd.s32 $0xFFFFEC00  }
0x3a: {  	[spmem:s3] =	stream.indirect.scatter.add.f32 [tilespmem:s18], [sflag:$0x7], $0x80, s0, s16, $0xb8;
	[tilespmem:$0x1F700] =	vst v63  }
0x3b: {  	_ =	swait.ge [sflag:s25], $0x1400  }
0x3c: {  	[sflag:s25] =	ssyncset.done $0x0  }
0x3d: {  	s23 =	simm.s32 $0x27D0;
	[sflag:s25] =	ssyncadd.s32 $0xFFFFEC00  }
0x3e: {  	[spmem:s3] =	stream.indirect.scatter.add.f32 [tilespmem:s20], [sflag:$0x8], $0x80, s23, s16, $0xb8;
	[tilespmem:$0x1F700] =	vst v63  }
0x3f: {  	_ =	swait.ge [sflag:s26], $0x1400  }
0x40: {  	[sflag:s26] =	ssyncset.done $0x0  }
0x41: {  	s0 =	simm.s32 $0x27F8;
	[sflag:s26] =	ssyncadd.s32 $0xFFFFEC00  }
0x42: {  	[spmem:s3] =	stream.indirect.scatter.add.f32 [tilespmem:s22], [sflag:$0x9], $0x80, s0, s16, $0xb8;
	[tilespmem:$0x1F700] =	vst v63  }
0x43: {  	_ =	swait.ge [sflag:s28], $0x1400  }
0x44: {  	[sflag:s28] =	ssyncset.done $0x0  }
0x45: {  	s23 =	simm.s32 $0x2820;
	[sflag:s28] =	ssyncadd.s32 $0xFFFFEC00  }
0x46: {  	[spmem:s3] =	stream.indirect.scatter.add.f32 [tilespmem:s24], [sflag:$0xA], $0x80, s23, s16, $0xb8;
	[tilespmem:$0x1F700] =	vst v63  }
0x47: {  	_ =	swait.ge [sflag:s29], $0x1400  }
0x48: {  	[sflag:s29] =	ssyncset.done $0x0  }
0x49: {  	s0 =	simm.s32 $0xC8;
	[sflag:s29] =	ssyncadd.s32 $0xFFFFEC00  }
0x4a: {  	[tilespmem:s17], [sflag:$0x1] =	stream.indirect.gather [hbm4b:s1+s16], $0x80, s0, s16, $0xb8;
	[tilespmem:$0x1F700] =	vst v63  }
0x4b: {  	_ =	swait.ge [sflag:s30], $0x1400  }
0x4c: {  	[sflag:s30] =	ssyncset.done $0x0  }
0x4d: {  	s23 =	simm.s32 $0xF0;
	[sflag:s30] =	ssyncadd.s32 $0xFFFFEC00  }
0x4e: {  	[tilespmem:s18], [sflag:$0x2] =	stream.indirect.gather [hbm4b:s1+s16], $0x80, s23, s16, $0xb8;
	[tilespmem:$0x1F700] =	vst v63  }
0x4f: {  	_ =	swait.ge [sflag:s31], $0x1400  }
0x50: {  	[sflag:s31] =	ssyncset.done $0x0  }
0x51: {  	s0 =	simm.s32 $0x118;
	[sflag:s31] =	ssyncadd.s32 $0xFFFFEC00  }
0x52: {  	[tilespmem:s20], [sflag:$0x3] =	stream.indirect.gather [hbm4b:s1+s16], $0x80, s0, s16, $0xb8;
	[tilespmem:$0x1F700] =	vst v63  }
0x53: {  	_ =	swait.ge [sflag:s2], $0x1400  }
0x54: {  	[sflag:s2] =	ssyncset.done $0x0  }
0x55: {  	s23 =	simm.s32 $0x140;
	[sflag:s2] =	ssyncadd.s32 $0xFFFFEC00  }
0x56: {  	[tilespmem:s22], [sflag:$0x4] =	stream.indirect.gather [hbm4b:s1+s16], $0x80, s23, s16, $0xb8;
	[tilespmem:$0x1F700] =	vst v63  }
0x57: {  	_ =	swait.ge [sflag:s11], $0x1400  }
0x58: {  	[sflag:s11] =	ssyncset.done $0x0  }
0x59: {  	s21 =	simm.s32 $0x320;
	s23 =	simm.s32 $0x168;
	[sflag:s11] =	ssyncadd.s32 $0xFFFFEC00  }
.LBB2_4:
0x5a: {  	[tilespmem:s24], [sflag:$0x5] =	stream.indirect.gather [hbm4b:s1+s16], $0x80, s23, s16, $0xb8;
	[tilespmem:$0x1F700] =	vst v63  }
0x5b: {  	s23 =	smov.u32 s21  }
0x5c: {  	p0 =	sne.s32 s21, $0x9600;
	s21 =	sadd.s32 $0x320, s21;
	_ =	swait.ge [sflag:s14], $0x1400  }
0x5d: {  	s23 =	sshra.s32 s23, $0x2;
	[sflag:s14] =	ssyncset.done $0x0  }
0x5e: {  	s0 =	sadd.s32 $0x2780, s23;
	[sflag:s14] =	ssyncadd.s32 $0xFFFFEC00  }
0x5f: {  	[spmem:s3] =	stream.indirect.scatter.add.f32 [tilespmem:s17], [sflag:$0x6], $0x80, s0, s16, $0xb8;
	[tilespmem:$0x1F700] =	vst v63  }
0x60: {  	_ =	swait.ge [sflag:s15], $0x1400  }
0x61: {  	[sflag:s15] =	ssyncset.done $0x0  }
0x62: {  	s0 =	sadd.s32 $0x27A8, s23;
	[sflag:s15] =	ssyncadd.s32 $0xFFFFEC00  }
0x63: {  	[spmem:s3] =	stream.indirect.scatter.add.f32 [tilespmem:s18], [sflag:$0x7], $0x80, s0, s16, $0xb8;
	[tilespmem:$0x1F700] =	vst v63  }
0x64: {  	_ =	swait.ge [sflag:s25], $0x1400  }
0x65: {  	[sflag:s25] =	ssyncset.done $0x0  }
0x66: {  	s0 =	sadd.s32 $0x27D0, s23;
	[sflag:s25] =	ssyncadd.s32 $0xFFFFEC00  }
0x67: {  	[spmem:s3] =	stream.indirect.scatter.add.f32 [tilespmem:s20], [sflag:$0x8], $0x80, s0, s16, $0xb8;
	[tilespmem:$0x1F700] =	vst v63  }
0x68: {  	_ =	swait.ge [sflag:s26], $0x1400  }
0x69: {  	[sflag:s26] =	ssyncset.done $0x0  }
0x6a: {  	s0 =	sadd.s32 $0x27F8, s23;
	[sflag:s26] =	ssyncadd.s32 $0xFFFFEC00  }
0x6b: {  	[spmem:s3] =	stream.indirect.scatter.add.f32 [tilespmem:s22], [sflag:$0x9], $0x80, s0, s16, $0xb8;
	[tilespmem:$0x1F700] =	vst v63  }
0x6c: {  	_ =	swait.ge [sflag:s28], $0x1400  }
0x6d: {  	[sflag:s28] =	ssyncset.done $0x0  }
0x6e: {  	s0 =	sadd.s32 $0x2820, s23;
	[sflag:s28] =	ssyncadd.s32 $0xFFFFEC00  }
0x6f: {  	[spmem:s3] =	stream.indirect.scatter.add.f32 [tilespmem:s24], [sflag:$0xA], $0x80, s0, s16, $0xb8;
	[tilespmem:$0x1F700] =	vst v63  }
0x70: {  	_ =	swait.ge [sflag:s29], $0x1400  }
0x71: {  	[sflag:s29] =	ssyncset.done $0x0  }
0x72: {  	s0 =	sadd.s32 $0xC8, s23;
	[sflag:s29] =	ssyncadd.s32 $0xFFFFEC00  }
0x73: {  	[tilespmem:s17], [sflag:$0x1] =	stream.indirect.gather [hbm4b:s1+s16], $0x80, s0, s16, $0xb8;
	[tilespmem:$0x1F700] =	vst v63  }
0x74: {  	_ =	swait.ge [sflag:s30], $0x1400  }
0x75: {  	[sflag:s30] =	ssyncset.done $0x0  }
0x76: {  	s0 =	sadd.s32 $0xF0, s23;
	[sflag:s30] =	ssyncadd.s32 $0xFFFFEC00  }
0x77: {  	[tilespmem:s18], [sflag:$0x2] =	stream.indirect.gather [hbm4b:s1+s16], $0x80, s0, s16, $0xb8;
	[tilespmem:$0x1F700] =	vst v63  }
0x78: {  	_ =	swait.ge [sflag:s31], $0x1400  }
0x79: {  	[sflag:s31] =	ssyncset.done $0x0  }
0x7a: {  	s0 =	sadd.s32 $0x118, s23;
	[sflag:s31] =	ssyncadd.s32 $0xFFFFEC00  }
0x7b: {  	[tilespmem:s20], [sflag:$0x3] =	stream.indirect.gather [hbm4b:s1+s16], $0x80, s0, s16, $0xb8;
	[tilespmem:$0x1F700] =	vst v63  }
0x7c: {  	_ =	swait.ge [sflag:s2], $0x1400  }
0x7d: {  	[sflag:s2] =	ssyncset.done $0x0  }
.Ltmp1:
0x7e: {  	s0 =	sadd.s32 $0x140, s23;
	[sflag:s2] =	ssyncadd.s32 $0xFFFFEC00;
	(pc) =	sbr.rel @p0 .LBB2_4-.Ltmp1, $4  }
0x7f: {  	[tilespmem:s22], [sflag:$0x4] =	stream.indirect.gather [hbm4b:s1+s16], $0x80, s0, s16, $0xb8;
	[tilespmem:$0x1F700] =	vst v63  }
0x80: {  	_ =	swait.ge [sflag:s11], $0x1400  }
0x81: {  	[sflag:s11] =	ssyncset.done $0x0  }
0x82: {  	s23 =	sadd.s32 $0x168, s23;
	[sflag:s11] =	ssyncadd.s32 $0xFFFFEC00  }
0x83: {  	[tilespmem:s24], [sflag:$0x5] =	stream.indirect.gather [hbm4b:s1+s16], $0x80, s23, s16, $0xb8;
	[tilespmem:$0x1F700] =	vst v63  }
0x84: {  	_ =	swait.ge [sflag:s14], $0x1400  }
0x85: {  	[sflag:s14] =	ssyncset.done $0x0  }
0x86: {  	s0 =	simm.s32 $0x4DC8;
	[sflag:s14] =	ssyncadd.s32 $0xFFFFEC00  }
0x87: {  	[spmem:s3] =	stream.indirect.scatter.add.f32 [tilespmem:s17], [sflag:$0x6], $0x80, s0, s16, $0xb8;
	[tilespmem:$0x1F700] =	vst v63  }
0x88: {  	_ =	swait.ge [sflag:s15], $0x1400  }
0x89: {  	[sflag:s15] =	ssyncset.done $0x0  }
0x8a: {  	s23 =	simm.s32 $0x4DF0;
	[sflag:s15] =	ssyncadd.s32 $0xFFFFEC00  }
0x8b: {  	[spmem:s3] =	stream.indirect.scatter.add.f32 [tilespmem:s18], [sflag:$0x7], $0x80, s23, s16, $0xb8;
	[tilespmem:$0x1F700] =	vst v63  }
0x8c: {  	_ =	swait.ge [sflag:s25], $0x1400  }
0x8d: {  	[sflag:s25] =	ssyncset.done $0x0  }
0x8e: {  	s21 =	simm.s32 $0x4E18;
	[sflag:s25] =	ssyncadd.s32 $0xFFFFEC00  }
0x8f: {  	[spmem:s3] =	stream.indirect.scatter.add.f32 [tilespmem:s20], [sflag:$0x8], $0x80, s21, s16, $0xb8;
	[tilespmem:$0x1F700] =	vst v63  }
0x90: {  	_ =	swait.ge [sflag:s26], $0x1400  }
0x91: {  	[sflag:s26] =	ssyncset.done $0x0  }
0x92: {  	s23 =	simm.s32 $0x4E40;
	[sflag:s26] =	ssyncadd.s32 $0xFFFFEC00  }
0x93: {  	[spmem:s3] =	stream.indirect.scatter.add.f32 [tilespmem:s22], [sflag:$0x9], $0x80, s23, s16, $0xb8;
	[tilespmem:$0x1F700] =	vst v63  }
0x94: {  	_ =	swait.ge [sflag:s28], $0x1400  }
0x95: {  	[sflag:s28] =	ssyncset.done $0x0  }
0x96: {  	s21 =	simm.s32 $0x4E68;
	[sflag:s28] =	ssyncadd.s32 $0xFFFFEC00  }
0x97: {  	[spmem:s3] =	stream.indirect.scatter.add.f32 [tilespmem:s24], [sflag:$0xA], $0x80, s21, s16, $0xb8;
	[tilespmem:$0x1F700] =	vst v63  }
0x98: {  	_ =	swait.ge [sflag:s29], $0x1400  }
0x99: {  	[sflag:s29] =	ssyncset.done $0x0  }
0x9a: {  	[sflag:s29] =	ssyncadd.s32 $0xFFFFEC00  }
0x9b: {  	_ =	swait.ge [sflag:s30], $0x1400  }
0x9c: {  	[sflag:s30] =	ssyncset.done $0x0  }
0x9d: {  	[sflag:s30] =	ssyncadd.s32 $0xFFFFEC00  }
0x9e: {  	_ =	swait.ge [sflag:s31], $0x1400  }
0x9f: {  	[sflag:s31] =	ssyncset.done $0x0  }
0xa0: {  	[sflag:s31] =	ssyncadd.s32 $0xFFFFEC00  }
0xa1: {  	_ =	swait.ge [sflag:s2], $0x1400  }
0xa2: {  	[sflag:s2] =	ssyncset.done $0x0  }
0xa3: {  	[sflag:s2] =	ssyncadd.s32 $0xFFFFEC00  }
0xa4: {  	s23 =	stileid.u32;
	_ =	swait.ge [sflag:s11], $0x1400  }
0xa5: {  	s19 =	sadd.s32 $0x1, s19;
	s0 =	sshll.u32 s23, $0x6;
	[sflag:s11] =	ssyncset.done $0x0  }
0xa6: {  	p0 =	sne.s32 s19, s10;
	s0 =	sor.u32 $0x1C0B, s0;
	[sflag:s11] =	ssyncadd.s32 $0xFFFFEC00  }
.Ltmp2:
0xa7: {  	s21 =	sshrl.u32 s8, $0x3;
	[bflag:$0x0] =	sbarrier.arrive $0xFFFF;
	(pc) =	sbr.rel @p0 .LBB2_1-.Ltmp2, $4  }
0xa8: {  	[hbm:s9], [sflag:s0] =	dma.local [spmem:s21], $0x2800  }
0xa9: {  	_ =	swait.ge [sflag:s13], $0x2800  }
0xaa: {  	[sflag:s13] =	ssyncset.done $0x0  }
0xab: {  	[sflag:s13] =	ssyncadd.s32 $0xFFFFD800  }
0xac: {  	_ =	sfence.sel $0x180000  }
0xad: {  	[bflag:$0x0] =	sbarrier.arrive $0xFFFF  }
0xae: {  	_ =	strace $0x9000004A  }
0xaf: {  	s0 =	stileid.u32;
	[bflag:$0x2] =	sbarrier.arrive $0xFFFF  }
0xb0: {  	p0 =	sne.s32 s0, $0x0;
	s0 =	rddreg [dreg:$0x3]  }
0xb1: {  	s0 =	sadd.s32 @!p0 $0x100000, s0  }
0xb2: {  	[sflag:s0] =	ssyncadd.tile.s32 @!p0 $0x1;
	_ =	shalt  }
.Lfunc_end2:
_tile_overlayer_lowered:
.L_overlay_start_2:
0xb3: {  	(tag) =	ssettag $0x2  }
0xb4: {  	s0 =	rddreg [dreg:$0x0];
	s2 =	stileid.u32  }
0xb5: {  	s1 =	rddreg [dreg:$0x1];
	p0 =	sne.s32 s2, $0x0  }
0xb6: {  	s3 =	rddreg [dreg:$0x2];
	[bflag:$0x3] =	sbarrier.arrive $0xFFFF;
	s2 =	simm.s32 @!p0 $0x1C0B  }
0xb7: {  	[timem:s3], [sflag:s2] =	dma.local @!p0 [hbm:s0], s1  }
0xb8: {  	s0 =	simm.s32 @!p0 $0xB  }
0xb9: {  	_ =	swait.ge @!p0 [sflag:s0], s1  }
0xba: {  	s1 =	ssub.s32 @!p0 $0x0, s1;
	[sflag:s0] =	ssyncset.done @!p0 $0x0  }
0xbb: {  	[sflag:s0] =	ssyncadd.s32 @!p0 s1  }
0xbc: {  	[bflag:$0x3] =	sbarrier.arrive $0xFFFF  }
0xbd: {  	_ =	shalt  }

// kernel: kernel.17.cloned.1.call-start
scs
__scs_entry_jumppad:
0x0: {  	(pc) =	sbr.rel $0x88, $3  }
0x1: {  	(tag) =	ssettag $0x0;
	lr =	simm.s32 $0x1  }
0x2: {  	[smem:$0x3F99] =	sst lr;
	_ =	strace $0xD0000000  }
0x3: {  	_ = 	snop  }
0x4: {  	_ = 	snop  }
0x5: {  	_ = 	snop  }
0x6: {  	_ = 	snop  }
0x7: {  	_ = 	snop  }
__scs_overlays_trampoline_lowered:
0x8: {  	[smem:$0x3FA8] =	sst s0  }
0x9: {  	[smem:$0x3FA9] =	sst s1  }
0xa: {  	[smem:$0x3FAA] =	sst s2  }
0xb: {  	[smem:$0x3FAB] =	sst s3  }
0xc: {  	[smem:$0x3FAC] =	sst s4  }
0xd: {  	[smem:$0x3FAD] =	sst s5  }
0xe: {  	[smem:$0x3FAE] =	sst s6  }
0xf: {  	[smem:$0x3FAF] =	sst s7  }
0x10: {  	[smem:$0x3FB0] =	sst s8  }
0x11: {  	[smem:$0x3FB1] =	sst s9;
	s0 =	simm.s32 @!p0 $0x0  }
0x12: {  	s1 =	sld [smem:$0x3F97];
	s0 =	simm.s32 @p0 $0x1  }
0x13: {  	[smem:$0x3FB2] =	sst s0;
	s0 =	simm.s32 @!p1 $0x0  }
0x14: {  	s2 =	sld [smem:$0x3F96];
	s0 =	simm.s32 @p1 $0x1  }
0x15: {  	[smem:$0x3FB3] =	sst s0;
	s0 =	simm.s32 @!p2 $0x0  }
0x16: {  	s3 =	sld [smem:$0x3FDB];
	s0 =	simm.s32 @p2 $0x1  }
0x17: {  	s4 =	simm.s32 $0x1BF5;
	[smem:$0x3FB5] =	sst s0  }
0x18: {  	s0 =	sld [smem:$0x3F98];
	_ =	swait.ge [sflag:s4], $0x0  }
0x19: {  	s7 =	sld [smem:$0x3F99]  }
0x1a: {  	s8 =	sadd.s32 $0xFFFFE003, lr  }
0x1b: {  	s9 =	sadd.s32 $0xFFFFFEF7, lr;
	s5 =	simm.s32 $0xFFFFFFFF;
	p2 =	slt.u32 s8, $0xFFFFF086  }
0x1c: {  	p1 =	slt.u32 s9, $0xF7A;
	s5 =	simm.s32 @!p2 $0x0  }
0x1d: {  	s5 =	simm.s32 @p1 $0x1;
	p0 =	seq.s32 s7, s2  }
0x1e: {  	s7 =	smul.u32 @!p0 $0xF7A, s2;
	p2 =	seq.s32 @!p0 s5, $0x0  }
0x1f: {  	s9 =	smul.u32 $0xF7A, s1;
	s8 =	simm.s32 @!p0 $0x1BF5;
	p2 =	por !p2, p0  }
0x20: {  	[sflag:s8] =	ssyncset.s32 @!p0 $0xFFFFF086;
	s6 =	sadd.s32 @!p0 s3, s7;
	s7 =	simm.s32 @!p0 $0x108  }
0x21: {  	s3 =	sadd.s32 s3, s9;
	s6 =	sadd.s32 @!p0 $0x88, s6;
	s7 =	simm.s32 @p2 $0x1082  }
0x22: {  	[simem:s7], [sflag:s8] =	dma.local @!p0 [hbm:s6], $0xF7A  }
0x23: {  	s9 =	sor.u32 $0xD0000000, s2;
	s6 =	simm.s32 $0x108;
	_ =	swait.ge @!p0 [sflag:s8], $0x0  }
0x24: {  	s3 =	sadd.s32 $0x88, s3;
	s6 =	simm.s32 @!p1 $0x1082;
	[sflag:s4] =	ssyncset.s32 $0xFFFFF086  }
0x25: {  	[simem:s6], [sflag:s4] =	dma.local [hbm:s3], $0xF7A  }
0x26: {  	[smem:$0x3F99] =	sst s1;
	(tag) =	ssettag s2;
	_ =	strace s9  }
0x27: {  	s1 =	sld [smem:$0x3FA9]  }
0x28: {  	s2 =	sld [smem:$0x3FAA]  }
0x29: {  	s4 =	sld [smem:$0x3FAC]  }
0x2a: {  	p0 =	seq.s32 s5, $0x0;
	s5 =	sld [smem:$0x3FAD]  }
0x2b: {  	s6 =	sld [smem:$0x3FAE]  }
0x2c: {  	s7 =	sld [smem:$0x3FAF]  }
0x2d: {  	s3 =	simm.s32 $0x108;
	s8 =	sld [smem:$0x3FB0]  }
0x2e: {  	s3 =	simm.s32 @!p0 $0x1082;
	s9 =	sld [smem:$0x3FB1]  }
0x2f: {  	lr =	sadd.s32 s0, s3;
	s0 =	sld [smem:$0x3FA8]  }
0x30: {  	s3 =	sld [smem:$0x3FAB]  }
0x31: {  	[smem:$0x3FB4] =	sst s10  }
0x32: {  	s10 =	sld [smem:$0x3FB2];
	_ =	sdelay $0x3  }
0x33: {  	p0 =	seq.s32 s10, $0x1;
	s10 =	sld [smem:$0x3FB4];
	_ =	sdelay $0x3  }
0x34: {  	[smem:$0x3FB4] =	sst s10  }
0x35: {  	s10 =	sld [smem:$0x3FB3];
	_ =	sdelay $0x3  }
0x36: {  	p1 =	seq.s32 s10, $0x1;
	s10 =	sld [smem:$0x3FB4];
	_ =	sdelay $0x3  }
0x37: {  	[smem:$0x3FB4] =	sst s10  }
0x38: {  	s10 =	sld [smem:$0x3FB5]  }
0x39: {  	_ = 	snop;
	(pc) =	sbr.ind lr, $3  }
0x3a: {  	_ = 	snop  }
0x3b: {  	_ = 	snop  }
0x3c: {  	p2 =	seq.s32 s10, $0x1;
	s10 =	sld [smem:$0x3FB4]  }
0x3d: {  	_ =	shalt  }
0x3e: {  	_ =	shalt  }
0x3f: {  	_ =	shalt  }
0x40: {  	_ =	shalt  }
0x41: {  	_ =	shalt  }
0x42: {  	_ =	shalt  }
0x43: {  	_ =	shalt  }
0x44: {  	_ =	shalt  }
0x45: {  	_ =	shalt  }
0x46: {  	_ =	shalt  }
0x47: {  	_ =	shalt  }
0x48: {  	_ =	shalt  }
0x49: {  	_ =	shalt  }
0x4a: {  	_ =	shalt  }
0x4b: {  	_ =	shalt  }
0x4c: {  	_ =	shalt  }
0x4d: {  	_ =	shalt  }
0x4e: {  	_ =	shalt  }
0x4f: {  	_ =	shalt  }
0x50: {  	_ =	shalt  }
0x51: {  	_ =	shalt  }
0x52: {  	_ =	shalt  }
0x53: {  	_ =	shalt  }
0x54: {  	_ =	shalt  }
0x55: {  	_ =	shalt  }
0x56: {  	_ =	shalt  }
0x57: {  	_ =	shalt  }
0x58: {  	_ =	shalt  }
0x59: {  	_ =	shalt  }
0x5a: {  	_ =	shalt  }
0x5b: {  	_ =	shalt  }
0x5c: {  	_ =	shalt  }
0x5d: {  	_ =	shalt  }
0x5e: {  	_ =	shalt  }
0x5f: {  	_ =	shalt  }
0x60: {  	_ =	shalt  }
0x61: {  	_ =	shalt  }
0x62: {  	_ =	shalt  }
0x63: {  	_ =	shalt  }
0x64: {  	_ =	shalt  }
0x65: {  	_ =	shalt  }
0x66: {  	_ =	shalt  }
0x67: {  	_ =	shalt  }
0x68: {  	_ =	shalt  }
0x69: {  	_ =	shalt  }
0x6a: {  	_ =	shalt  }
0x6b: {  	_ =	shalt  }
0x6c: {  	_ =	shalt  }
0x6d: {  	_ =	shalt  }
0x6e: {  	_ =	shalt  }
0x6f: {  	_ =	shalt  }
0x70: {  	_ =	shalt  }
0x71: {  	_ =	shalt  }
0x72: {  	_ =	shalt  }
0x73: {  	_ =	shalt  }
0x74: {  	_ =	shalt  }
0x75: {  	_ =	shalt  }
0x76: {  	_ =	shalt  }
0x77: {  	_ =	shalt  }
0x78: {  	_ =	shalt  }
0x79: {  	_ =	shalt  }
0x7a: {  	_ =	shalt  }
0x7b: {  	_ =	shalt  }
0x7c: {  	_ =	shalt  }
0x7d: {  	_ =	shalt  }
0x7e: {  	_ =	shalt  }
0x7f: {  	_ =	shalt  }
0x80: {  	_ =	shalt  }
0x81: {  	_ =	shalt  }
0x82: {  	_ =	shalt  }
0x83: {  	_ =	shalt  }
0x84: {  	_ =	shalt  }
0x85: {  	_ =	shalt  }
0x86: {  	_ =	shalt  }
0x87: {  	_ =	shalt  }
.Lfunc_end0:
.L_simem_size_0:
called_computation.2_lowered:
.L_overlay_start_0:
0x88: {  	s2 =	sld [smem:$0x3FD9]  }
0x89: {  	s3 =	sld [smem:$0x3FFE];
	_ =	sdelay $0x1  }
0x8a: {  	s1 =	srdreg.scid  }
0x8b: {  	s0 =	sand.u32 $0x1, s1  }
0x8c: {  	s17 =	sshll.u32 s0, $0xA;
	s2 =	sadd.s32 s3, s2  }
0x8d: {  	s2 =	sadd.s32 s2, s17  }
0x8e: {  	[smem:$0x3FC0] =	sst s2  }
0x8f: {  	_ = 	snop  }
0x90: {  	s2 =	sld [smem:$0x3FD0];
	(tm) =	ssettm $0x1  }
0x91: {  	s18 =	sld [smem:$0x3FFB];
	_ =	sdelay $0x3  }
0x92: {  	_ =	strace s18  }
0x93: {  	s3 =	sld [smem:$0x3FFC];
	_ =	sdelay $0x3  }
0x94: {  	_ =	strace s3  }
0x95: {  	s3 =	sld [smem:$0x3FFD];
	_ =	sdelay $0x3  }
0x96: {  	_ =	strace s3  }
0x97: {  	_ =	strace $0x8FFFFFFF  }
0x98: {  	s19 =	sld [smem:$0x3FDB];
	_ =	sdelay $0x1  }
0x99: {  	s4 =	simm.s32 $_scs_section_size  }
0x9a: {  	s5 =	simm.s32 $_size__tile_overlayer_lowered;
	s6 =	simm.s32 $_tile_overlayer_lowered  }
0x9b: {  	s22 =	simm.s32 $0x1BFF;
	s21 =	sshll.u32 s6, $0x1;
	s3 =	sadd.s32 s4, s19  }
0x9c: {  	s7 =	simm.s32 $0x0;
	s20 =	sshll.u32 s5, $0x1;
	s5 =	sadd.s32 s21, s3  }
0x9d: {  	[timem:s7], [sflag:s22] =	dma.local [hbm:s5], s20  }
0x9e: {  	_ =	swait.ge [sflag:s22], s20  }
0x9f: {  	s4 =	ssub.s32 $0x0, s20;
	[sflag:s22] =	ssyncset.done $0x0  }
0xa0: {  	[sflag:s22] =	ssyncadd.s32 s4;
	_ =	sdelay $0x1  }
0xa1: {  	s23 =	simm.s32 $0x1B8B  }
0xa2: {  	_ =	swait.ge [sflag:s23], $0x1  }
0xa3: {  	[sflag:s23] =	ssyncset.done $0x0  }
0xa4: {  	s25 =	simm.s32 $0x1B8E;
	s24 =	sld [smem:$0x3FFE];
	[sflag:s23] =	ssyncadd.s32 $0xFFFFFFFF  }
0xa5: {  	s26 =	simm.s32 $execute0_lowered;
	[smem:$0x3FD2] =	sst s25  }
0xa6: {  	s5 =	sshll.u32 s26, $0x1;
	_ =	strace $0x8000004C;
	[dreg:$0x1] =	wrdreg $0xFFFFFFFF  }
0xa7: {  	s28 =	simm.s32 $_size_execute0_lowered;
	s3 =	sadd.s32 s3, s5;
	[dreg:$0x0] =	wrdreg $0x0  }
0xa8: {  	s5 =	sshll.u32 s28, $0x1;
	[dreg:$0x2] =	wrdreg s3  }
0xa9: {  	[dreg:$0x3] =	wrdreg s5  }
0xaa: {  	[dreg:$0x4] =	wrdreg $0xC0  }
0xab: {  	_ =	task [dreg:s7], $0x5FFFF  }
0xac: {  	[dreg:$0x1] =	wrdreg $0xFFFFFFFF  }
0xad: {  	[dreg:$0x0] =	wrdreg $0x60  }
0xae: {  	[dreg:$0x2] =	wrdreg s2  }
0xaf: {  	[dreg:$0x3] =	wrdreg s24  }
0xb0: {  	[dreg:$0x4] =	wrdreg $0xB7000  }
0xb1: {  	[dreg:$0x5] =	wrdreg $0x9  }
0xb2: {  	_ =	task.clear_ibuf [dreg:s7], $0x6FFFF;
	_ =	strace $0x9000004C  }
0xb3: {  	s29 =	simm.s32 $0x9;
	_ =	strace $0x8000004E  }
0xb4: {  	_ =	swait.ge [sflag:s29], $0x1  }
0xb5: {  	[sflag:s29] =	ssyncadd.s32 $0xFFFFFFFF  }
0xb6: {  	_ =	strace $0x9000004E  }
0xb7: {  	_ =	sfence  }
0xb8: {  	s30 =	sld [smem:$0x0];
	_ =	sdelay $0x2  }
0xb9: {  	s31 =	sshll.u32 s1, $0xD;
	s1 =	sshrl.u32 s1, $0x2  }
0xba: {  	s3 =	sand.u32 $0x4000, s31;
	s1 =	sadd.s32 s1, s30  }
0xbb: {  	s0 =	sor.u32 s3, s0;
	s1 =	sshll.u32 s1, $0x11  }
0xbc: {  	s0 =	sor.u32 s1, s0  }
0xbd: {  	s0 =	sadd.s32 $0x8F2B, s0  }
0xbe: {  	[sflag:s0] =	ssyncadd.remote.s32 $0x1  }
0xbf: {  	_ =	sfence.sel $0xFFFF  }
0xc0: {  	[dreg:$0x0] =	wrdreg $0xFFFFFFFF;
	(pc) =	sbr.abs _section_cstart, $3  }
0xc1: {  	[dreg:$0x1] =	wrdreg $0xFFFFFFFF  }
0xc2: {  	_ =	task.clear_ibuf [dreg:s7], $0x2FFFF;
	_ =	strace $0x9FFFFFFF  }
0xc3: {  	(tm) =	ssettm $0x7FFFFFFF  }
tec
execute0_lowered:
.L_overlay_start_1:
0x0: {  	(tag) =	ssettag $0x1  }
0x1: {  	s1 =	rddreg [dreg:$0x0]  }
0x2: {  	s0 =	srdreg.scid;
	s6 =	rddreg [dreg:$0x1]  }
0x3: {  	s8 =	stileid.u32;
	s3 =	rddreg [dreg:$0x2];
	s4 =	simm.s32 $0x0  }
0x4: {  	s12 =	simm.s32 $0xB300;
	s13 =	simm.s32 $0xB;
	s14 =	simm.s32 $0x1  }
0x5: {  	s15 =	simm.s32 $0x2;
	s16 =	simm.s32 $0x28;
	s17 =	simm.s32 $0x4F00  }
0x6: {  	s18 =	simm.s32 $0x6300;
	s20 =	simm.s32 $0x7700;
	s22 =	simm.s32 $0x8B00  }
0x7: {  	s24 =	simm.s32 $0x9F00;
	s25 =	simm.s32 $0x3;
	s26 =	simm.s32 $0x4  }
0x8: {  	s28 =	simm.s32 $0x5;
	s29 =	simm.s32 $0x6;
	s30 =	simm.s32 $0x7  }
0x9: {  	s31 =	simm.s32 $0x8;
	s11 =	simm.s32 $0xA;
	s19 =	simm.s32 $0x0  }
0xa: {  	s0 =	sand.u32 $0x1, s0;
	[smem:$0x7FF] =	sst s4;
	s7 =	smul.u32 $0x14000, s8  }
0xb: {  	s2 =	sshll.u32 s0, $0x4;
	s5 =	smul.u32 $0x140000, s0;
	_ =	strace $0x8000004D  }
0xc: {  	s0 =	ssub.s32 $0x2, s0;
	s2 =	sor.u32 s8, s2;
	s8 =	smul.u32 $0x50000, s8  }
0xd: {  	s9 =	sshrl.u32 s0, $0x1;
	s2 =	smul.u32 $0x4E2, s2;
	s7 =	sadd.s32 s7, s5  }
0xe: {  	s5 =	sadd.s32 $0x16400, s6;
	s0 =	ssub.s32 s0, s9;
	s7 =	sshrl.u32 s7, $0x3  }
0xf: {  	s8 =	sshrl.u32 s8, $0x2;
	s2 =	sadd.s32 s2, s6;
	s10 =	sadd.s32 s7, s6  }
0x10: {  	s8 =	sadd.s32 s8, s3;
	s6 =	sadd.s32 $0x2800, s2;
	s7 =	sadd.s32 $0xC600, s2  }
0x11: {  	s9 =	sadd.s32 $0x16600, s10;
	s10 =	smax.u32 s0, $0x1;
	s2 =	simm.s32 $0x9  }
.LBB2_1:
0x12: {  	[tilespmem:s4], [sflag:$0x1] =	stream.linear.gather [hbm4b:s6+s4], $0x2710, $0x38;
	[tilespmem:$0x1F700] =	vst v63  }
0x13: {  	s0 =	simm.s32 $0x2780  }
0x14: {  	[tilespmem:s0], [sflag:$0x2] =	stream.linear.gather [hbm4b:s7+s4], $0x2710, $0x38;
	[tilespmem:$0x1F700] =	vst v63  }
0x15: {  	_ = 	snop  }
0x16: {  	[tilespmem:s12], [sflag:$0xB] =	stream.linear.gather [hbm4b:s5+s4], $0x400, $0x38;
	[tilespmem:$0x1F700] =	vst v63  }
0x17: {  	_ =	swait.ge [sflag:s13], $0x400  }
0x18: {  	[sflag:s13] =	ssyncset.done $0x0  }
0x19: {  	s21 =	sadd.s32 $0x0, s8;
	[sflag:s13] =	ssyncadd.s32 $0xFFFFFC00  }
0x1a: {  	[spmem:s21] =	stream.linear.scatter [tilespmem:s12], [sflag:$0xB], $0x400, $0x38;
	[tilespmem:$0x1F700] =	vst v63  }
0x1b: {  	s21 =	simm.s32 $0x1000;
	_ =	swait.ge [sflag:s13], $0x400  }
.LBB2_2:
0x1c: {  	s23 =	sshra.s32 s21, $0x2;
	[sflag:s13] =	ssyncset.done $0x0;
	p0 =	sne.s32 s21, $0x4F000  }
.Ltmp0:
0x1d: {  	s23 =	sadd.s32 s23, s8;
	[sflag:s13] =	ssyncadd.s32 $0xFFFFFC00;
	(pc) =	sbr.rel @p0 .LBB2_2-.Ltmp0, $3  }
0x1e: {  	[spmem:s23] =	stream.linear.scatter [tilespmem:s12], [sflag:$0xB], $0x400, $0x38;
	[tilespmem:$0x1F700] =	vst v63  }
0x1f: {  	s21 =	sadd.s32 $0x1000, s21;
	_ =	sdelay $0x1  }
0x20: {  	_ =	swait.ge [sflag:s13], $0x400  }
0x21: {  	[sflag:s13] =	ssyncset.done $0x0  }
0x22: {  	[sflag:s13] =	ssyncadd.s32 $0xFFFFFC00  }
0x23: {  	_ =	swait.ge [sflag:s14], $0x2710  }
0x24: {  	[sflag:s14] =	ssyncset.done $0x0  }
0x25: {  	[sflag:s14] =	ssyncadd.s32 $0xFFFFD8F0  }
0x26: {  	_ =	swait.ge [sflag:s15], $0x2710  }
0x27: {  	[sflag:s15] =	ssyncset.done $0x0  }
0x28: {  	[sflag:s15] =	ssyncadd.s32 $0xFFFFD8F0  }
0x29: {  	s21 =	simm.s32 $0x0;
	[bflag:$0x0] =	sbarrier.arrive $0xFFFF  }
0x2a: {  	[tilespmem:s17], [sflag:$0x1] =	stream.indirect.gather [hbm4b:s1+s16], $0x80, s21, s16, $0xb8;
	[tilespmem:$0x1F700] =	vst v63  }
0x2b: {  	_ = 	snop  }
0x2c: {  	[tilespmem:s18], [sflag:$0x2] =	stream.indirect.gather [hbm4b:s1+s16], $0x80, s16, s16, $0xb8;
	[tilespmem:$0x1F700] =	vst v63  }
0x2d: {  	s0 =	simm.s32 $0x50  }
0x2e: {  	[tilespmem:s20], [sflag:$0x3] =	stream.indirect.gather [hbm4b:s1+s16], $0x80, s0, s16, $0xb8;
	[tilespmem:$0x1F700] =	vst v63  }
0x2f: {  	s23 =	simm.s32 $0x78  }
0x30: {  	[tilespmem:s22], [sflag:$0x4] =	stream.indirect.gather [hbm4b:s1+s16], $0x80, s23, s16, $0xb8;
	[tilespmem:$0x1F700] =	vst v63  }
0x31: {  	s21 =	simm.s32 $0xA0  }
0x32: {  	[tilespmem:s24], [sflag:$0x5] =	stream.indirect.gather [hbm4b:s1+s16], $0x80, s21, s16, $0xb8;
	[tilespmem:$0x1F700] =	vst v63  }
0x33: {  	_ =	swait.ge [sflag:s14], $0x1400  }
0x34: {  	[sflag:s14] =	ssyncset.done $0x0  }
0x35: {  	s23 =	simm.s32 $0x2780;
	[sflag:s14] =	ssyncadd.s32 $0xFFFFEC00  }
0x36: {  	[spmem:s3] =	stream.indirect.scatter.add.f32 [tilespmem:s17], [sflag:$0x6], $0x80, s23, s16, $0xb8;
	[tilespmem:$0x1F700] =	vst v63  }
0x37: {  	_ =	swait.ge [sflag:s15], $0x1400  }
0x38: {  	[sflag:s15] =	ssyncset.done $0x0  }
0x39: {  	s0 =	simm.s32 $0x27A8;
	[sflag:s15] =	ssyncadd.s32 $0xFFFFEC00  }
0x3a: {  	[spmem:s3] =	stream.indirect.scatter.add.f32 [tilespmem:s18], [sflag:$0x7], $0x80, s0, s16, $0xb8;
	[tilespmem:$0x1F700] =	vst v63  }
0x3b: {  	_ =	swait.ge [sflag:s25], $0x1400  }
0x3c: {  	[sflag:s25] =	ssyncset.done $0x0  }
0x3d: {  	s23 =	simm.s32 $0x27D0;
	[sflag:s25] =	ssyncadd.s32 $0xFFFFEC00  }
0x3e: {  	[spmem:s3] =	stream.indirect.scatter.add.f32 [tilespmem:s20], [sflag:$0x8], $0x80, s23, s16, $0xb8;
	[tilespmem:$0x1F700] =	vst v63  }
0x3f: {  	_ =	swait.ge [sflag:s26], $0x1400  }
0x40: {  	[sflag:s26] =	ssyncset.done $0x0  }
0x41: {  	s0 =	simm.s32 $0x27F8;
	[sflag:s26] =	ssyncadd.s32 $0xFFFFEC00  }
0x42: {  	[spmem:s3] =	stream.indirect.scatter.add.f32 [tilespmem:s22], [sflag:$0x9], $0x80, s0, s16, $0xb8;
	[tilespmem:$0x1F700] =	vst v63  }
0x43: {  	_ =	swait.ge [sflag:s28], $0x1400  }
0x44: {  	[sflag:s28] =	ssyncset.done $0x0  }
0x45: {  	s23 =	simm.s32 $0x2820;
	[sflag:s28] =	ssyncadd.s32 $0xFFFFEC00  }
0x46: {  	[spmem:s3] =	stream.indirect.scatter.add.f32 [tilespmem:s24], [sflag:$0xA], $0x80, s23, s16, $0xb8;
	[tilespmem:$0x1F700] =	vst v63  }
0x47: {  	_ =	swait.ge [sflag:s29], $0x1400  }
0x48: {  	[sflag:s29] =	ssyncset.done $0x0  }
0x49: {  	s0 =	simm.s32 $0xC8;
	[sflag:s29] =	ssyncadd.s32 $0xFFFFEC00  }
0x4a: {  	[tilespmem:s17], [sflag:$0x1] =	stream.indirect.gather [hbm4b:s1+s16], $0x80, s0, s16, $0xb8;
	[tilespmem:$0x1F700] =	vst v63  }
0x4b: {  	_ =	swait.ge [sflag:s30], $0x1400  }
0x4c: {  	[sflag:s30] =	ssyncset.done $0x0  }
0x4d: {  	s23 =	simm.s32 $0xF0;
	[sflag:s30] =	ssyncadd.s32 $0xFFFFEC00  }
0x4e: {  	[tilespmem:s18], [sflag:$0x2] =	stream.indirect.gather [hbm4b:s1+s16], $0x80, s23, s16, $0xb8;
	[tilespmem:$0x1F700] =	vst v63  }
0x4f: {  	_ =	swait.ge [sflag:s31], $0x1400  }
0x50: {  	[sflag:s31] =	ssyncset.done $0x0  }
0x51: {  	s0 =	simm.s32 $0x118;
	[sflag:s31] =	ssyncadd.s32 $0xFFFFEC00  }
0x52: {  	[tilespmem:s20], [sflag:$0x3] =	stream.indirect.gather [hbm4b:s1+s16], $0x80, s0, s16, $0xb8;
	[tilespmem:$0x1F700] =	vst v63  }
0x53: {  	_ =	swait.ge [sflag:s2], $0x1400  }
0x54: {  	[sflag:s2] =	ssyncset.done $0x0  }
0x55: {  	s23 =	simm.s32 $0x140;
	[sflag:s2] =	ssyncadd.s32 $0xFFFFEC00  }
0x56: {  	[tilespmem:s22], [sflag:$0x4] =	stream.indirect.gather [hbm4b:s1+s16], $0x80, s23, s16, $0xb8;
	[tilespmem:$0x1F700] =	vst v63  }
0x57: {  	_ =	swait.ge [sflag:s11], $0x1400  }
0x58: {  	[sflag:s11] =	ssyncset.done $0x0  }
0x59: {  	s21 =	simm.s32 $0x320;
	s23 =	simm.s32 $0x168;
	[sflag:s11] =	ssyncadd.s32 $0xFFFFEC00  }
.LBB2_4:
0x5a: {  	[tilespmem:s24], [sflag:$0x5] =	stream.indirect.gather [hbm4b:s1+s16], $0x80, s23, s16, $0xb8;
	[tilespmem:$0x1F700] =	vst v63  }
0x5b: {  	s23 =	smov.u32 s21  }
0x5c: {  	p0 =	sne.s32 s21, $0x9600;
	s21 =	sadd.s32 $0x320, s21;
	_ =	swait.ge [sflag:s14], $0x1400  }
0x5d: {  	s23 =	sshra.s32 s23, $0x2;
	[sflag:s14] =	ssyncset.done $0x0  }
0x5e: {  	s0 =	sadd.s32 $0x2780, s23;
	[sflag:s14] =	ssyncadd.s32 $0xFFFFEC00  }
0x5f: {  	[spmem:s3] =	stream.indirect.scatter.add.f32 [tilespmem:s17], [sflag:$0x6], $0x80, s0, s16, $0xb8;
	[tilespmem:$0x1F700] =	vst v63  }
0x60: {  	_ =	swait.ge [sflag:s15], $0x1400  }
0x61: {  	[sflag:s15] =	ssyncset.done $0x0  }
0x62: {  	s0 =	sadd.s32 $0x27A8, s23;
	[sflag:s15] =	ssyncadd.s32 $0xFFFFEC00  }
0x63: {  	[spmem:s3] =	stream.indirect.scatter.add.f32 [tilespmem:s18], [sflag:$0x7], $0x80, s0, s16, $0xb8;
	[tilespmem:$0x1F700] =	vst v63  }
0x64: {  	_ =	swait.ge [sflag:s25], $0x1400  }
0x65: {  	[sflag:s25] =	ssyncset.done $0x0  }
0x66: {  	s0 =	sadd.s32 $0x27D0, s23;
	[sflag:s25] =	ssyncadd.s32 $0xFFFFEC00  }
0x67: {  	[spmem:s3] =	stream.indirect.scatter.add.f32 [tilespmem:s20], [sflag:$0x8], $0x80, s0, s16, $0xb8;
	[tilespmem:$0x1F700] =	vst v63  }
0x68: {  	_ =	swait.ge [sflag:s26], $0x1400  }
0x69: {  	[sflag:s26] =	ssyncset.done $0x0  }
0x6a: {  	s0 =	sadd.s32 $0x27F8, s23;
	[sflag:s26] =	ssyncadd.s32 $0xFFFFEC00  }
0x6b: {  	[spmem:s3] =	stream.indirect.scatter.add.f32 [tilespmem:s22], [sflag:$0x9], $0x80, s0, s16, $0xb8;
	[tilespmem:$0x1F700] =	vst v63  }
0x6c: {  	_ =	swait.ge [sflag:s28], $0x1400  }
0x6d: {  	[sflag:s28] =	ssyncset.done $0x0  }
0x6e: {  	s0 =	sadd.s32 $0x2820, s23;
	[sflag:s28] =	ssyncadd.s32 $0xFFFFEC00  }
0x6f: {  	[spmem:s3] =	stream.indirect.scatter.add.f32 [tilespmem:s24], [sflag:$0xA], $0x80, s0, s16, $0xb8;
	[tilespmem:$0x1F700] =	vst v63  }
0x70: {  	_ =	swait.ge [sflag:s29], $0x1400  }
0x71: {  	[sflag:s29] =	ssyncset.done $0x0  }
0x72: {  	s0 =	sadd.s32 $0xC8, s23;
	[sflag:s29] =	ssyncadd.s32 $0xFFFFEC00  }
0x73: {  	[tilespmem:s17], [sflag:$0x1] =	stream.indirect.gather [hbm4b:s1+s16], $0x80, s0, s16, $0xb8;
	[tilespmem:$0x1F700] =	vst v63  }
0x74: {  	_ =	swait.ge [sflag:s30], $0x1400  }
0x75: {  	[sflag:s30] =	ssyncset.done $0x0  }
0x76: {  	s0 =	sadd.s32 $0xF0, s23;
	[sflag:s30] =	ssyncadd.s32 $0xFFFFEC00  }
0x77: {  	[tilespmem:s18], [sflag:$0x2] =	stream.indirect.gather [hbm4b:s1+s16], $0x80, s0, s16, $0xb8;
	[tilespmem:$0x1F700] =	vst v63  }
0x78: {  	_ =	swait.ge [sflag:s31], $0x1400  }
0x79: {  	[sflag:s31] =	ssyncset.done $0x0  }
0x7a: {  	s0 =	sadd.s32 $0x118, s23;
	[sflag:s31] =	ssyncadd.s32 $0xFFFFEC00  }
0x7b: {  	[tilespmem:s20], [sflag:$0x3] =	stream.indirect.gather [hbm4b:s1+s16], $0x80, s0, s16, $0xb8;
	[tilespmem:$0x1F700] =	vst v63  }
0x7c: {  	_ =	swait.ge [sflag:s2], $0x1400  }
0x7d: {  	[sflag:s2] =	ssyncset.done $0x0  }
.Ltmp1:
0x7e: {  	s0 =	sadd.s32 $0x140, s23;
	[sflag:s2] =	ssyncadd.s32 $0xFFFFEC00;
	(pc) =	sbr.rel @p0 .LBB2_4-.Ltmp1, $4  }
0x7f: {  	[tilespmem:s22], [sflag:$0x4] =	stream.indirect.gather [hbm4b:s1+s16], $0x80, s0, s16, $0xb8;
	[tilespmem:$0x1F700] =	vst v63  }
0x80: {  	_ =	swait.ge [sflag:s11], $0x1400  }
0x81: {  	[sflag:s11] =	ssyncset.done $0x0  }
0x82: {  	s23 =	sadd.s32 $0x168, s23;
	[sflag:s11] =	ssyncadd.s32 $0xFFFFEC00  }
0x83: {  	[tilespmem:s24], [sflag:$0x5] =	stream.indirect.gather [hbm4b:s1+s16], $0x80, s23, s16, $0xb8;
	[tilespmem:$0x1F700] =	vst v63  }
0x84: {  	_ =	swait.ge [sflag:s14], $0x1400  }
0x85: {  	[sflag:s14] =	ssyncset.done $0x0  }
0x86: {  	s0 =	simm.s32 $0x4DC8;
	[sflag:s14] =	ssyncadd.s32 $0xFFFFEC00  }
0x87: {  	[spmem:s3] =	stream.indirect.scatter.add.f32 [tilespmem:s17], [sflag:$0x6], $0x80, s0, s16, $0xb8;
	[tilespmem:$0x1F700] =	vst v63  }
0x88: {  	_ =	swait.ge [sflag:s15], $0x1400  }
0x89: {  	[sflag:s15] =	ssyncset.done $0x0  }
0x8a: {  	s23 =	simm.s32 $0x4DF0;
	[sflag:s15] =	ssyncadd.s32 $0xFFFFEC00  }
0x8b: {  	[spmem:s3] =	stream.indirect.scatter.add.f32 [tilespmem:s18], [sflag:$0x7], $0x80, s23, s16, $0xb8;
	[tilespmem:$0x1F700] =	vst v63  }
0x8c: {  	_ =	swait.ge [sflag:s25], $0x1400  }
0x8d: {  	[sflag:s25] =	ssyncset.done $0x0  }
0x8e: {  	s21 =	simm.s32 $0x4E18;
	[sflag:s25] =	ssyncadd.s32 $0xFFFFEC00  }
0x8f: {  	[spmem:s3] =	stream.indirect.scatter.add.f32 [tilespmem:s20], [sflag:$0x8], $0x80, s21, s16, $0xb8;
	[tilespmem:$0x1F700] =	vst v63  }
0x90: {  	_ =	swait.ge [sflag:s26], $0x1400  }
0x91: {  	[sflag:s26] =	ssyncset.done $0x0  }
0x92: {  	s23 =	simm.s32 $0x4E40;
	[sflag:s26] =	ssyncadd.s32 $0xFFFFEC00  }
0x93: {  	[spmem:s3] =	stream.indirect.scatter.add.f32 [tilespmem:s22], [sflag:$0x9], $0x80, s23, s16, $0xb8;
	[tilespmem:$0x1F700] =	vst v63  }
0x94: {  	_ =	swait.ge [sflag:s28], $0x1400  }
0x95: {  	[sflag:s28] =	ssyncset.done $0x0  }
0x96: {  	s21 =	simm.s32 $0x4E68;
	[sflag:s28] =	ssyncadd.s32 $0xFFFFEC00  }
0x97: {  	[spmem:s3] =	stream.indirect.scatter.add.f32 [tilespmem:s24], [sflag:$0xA], $0x80, s21, s16, $0xb8;
	[tilespmem:$0x1F700] =	vst v63  }
0x98: {  	_ =	swait.ge [sflag:s29], $0x1400  }
0x99: {  	[sflag:s29] =	ssyncset.done $0x0  }
0x9a: {  	[sflag:s29] =	ssyncadd.s32 $0xFFFFEC00  }
0x9b: {  	_ =	swait.ge [sflag:s30], $0x1400  }
0x9c: {  	[sflag:s30] =	ssyncset.done $0x0  }
0x9d: {  	[sflag:s30] =	ssyncadd.s32 $0xFFFFEC00  }
0x9e: {  	_ =	swait.ge [sflag:s31], $0x1400  }
0x9f: {  	[sflag:s31] =	ssyncset.done $0x0  }
0xa0: {  	[sflag:s31] =	ssyncadd.s32 $0xFFFFEC00  }
0xa1: {  	_ =	swait.ge [sflag:s2], $0x1400  }
0xa2: {  	[sflag:s2] =	ssyncset.done $0x0  }
0xa3: {  	[sflag:s2] =	ssyncadd.s32 $0xFFFFEC00  }
0xa4: {  	s23 =	stileid.u32;
	_ =	swait.ge [sflag:s11], $0x1400  }
0xa5: {  	s19 =	sadd.s32 $0x1, s19;
	s0 =	sshll.u32 s23, $0x6;
	[sflag:s11] =	ssyncset.done $0x0  }
0xa6: {  	p0 =	sne.s32 s19, s10;
	s0 =	sor.u32 $0x1C0B, s0;
	[sflag:s11] =	ssyncadd.s32 $0xFFFFEC00  }
.Ltmp2:
0xa7: {  	s21 =	sshrl.u32 s8, $0x3;
	[bflag:$0x0] =	sbarrier.arrive $0xFFFF;
	(pc) =	sbr.rel @p0 .LBB2_1-.Ltmp2, $4  }
0xa8: {  	[hbm:s9], [sflag:s0] =	dma.local [spmem:s21], $0x2800  }
0xa9: {  	_ =	swait.ge [sflag:s13], $0x2800  }
0xaa: {  	[sflag:s13] =	ssyncset.done $0x0  }
0xab: {  	[sflag:s13] =	ssyncadd.s32 $0xFFFFD800  }
0xac: {  	_ =	sfence.sel $0x180000  }
0xad: {  	[bflag:$0x0] =	sbarrier.arrive $0xFFFF  }
0xae: {  	_ =	strace $0x9000004D  }
0xaf: {  	s0 =	stileid.u32;
	[bflag:$0x2] =	sbarrier.arrive $0xFFFF  }
0xb0: {  	p0 =	sne.s32 s0, $0x0;
	s0 =	rddreg [dreg:$0x3]  }
0xb1: {  	s0 =	sadd.s32 @!p0 $0x100000, s0  }
0xb2: {  	[sflag:s0] =	ssyncadd.tile.s32 @!p0 $0x1;
	_ =	shalt  }
.Lfunc_end2:
_tile_overlayer_lowered:
.L_overlay_start_2:
0xb3: {  	(tag) =	ssettag $0x2  }
0xb4: {  	s0 =	rddreg [dreg:$0x0];
	s2 =	stileid.u32  }
0xb5: {  	s1 =	rddreg [dreg:$0x1];
	p0 =	sne.s32 s2, $0x0  }
0xb6: {  	s3 =	rddreg [dreg:$0x2];
	[bflag:$0x3] =	sbarrier.arrive $0xFFFF;
	s2 =	simm.s32 @!p0 $0x1C0B  }
0xb7: {  	[timem:s3], [sflag:s2] =	dma.local @!p0 [hbm:s0], s1  }
0xb8: {  	s0 =	simm.s32 @!p0 $0xB  }
0xb9: {  	_ =	swait.ge @!p0 [sflag:s0], s1  }
0xba: {  	s1 =	ssub.s32 @!p0 $0x0, s1;
	[sflag:s0] =	ssyncset.done @!p0 $0x0  }
0xbb: {  	[sflag:s0] =	ssyncadd.s32 @!p0 s1  }
0xbc: {  	[bflag:$0x3] =	sbarrier.arrive $0xFFFF  }
0xbd: {  	_ =	shalt  }

</sc_bundles>
